<compile_context>
chip_gen: v7x
topology: tpu7x:2x2x1
jax: 0.10.2.dev20260603
libtpu: 0.0.44.dev20260713+nightly
codegen_flags: <defaults>
</compile_context>

<pallas_src>
import functools

import jax
import jax.numpy as jnp
from jax import lax
from jax.experimental import pallas as pl
from jax.experimental.pallas import tpu as pltpu
from jax.experimental.pallas import tpu_sc as plsc

_INFO = plsc.get_sparse_core_info()
_NC = _INFO.num_cores
_NS = _INFO.num_subcores
_NW = _NC * _NS

_S = 50
_T = 16384
_D = 32
_TL = 128
_DS = 8
_NDT = _D // _DS
_TB = 512
_NQ = _T // _TB
_NBLK = _S * _NQ
_BPW = _NBLK // _NW

_DT_RUN = _DS * _TB
_TBUF = _D * _TB + 256


def _make_gather():
    mesh = plsc.VectorSubcoreMesh(core_axis_name="c", subcore_axis_name="s")

    @functools.partial(
        pl.kernel,
        mesh=mesh,
        out_type=jax.ShapeDtypeStruct((_S, _NDT, _T * _DS), jnp.float32),
        scratch_types=[
            pltpu.VMEM((_BPW, _TB), jnp.int32),
            pltpu.VMEM((_TB, _D), jnp.float32),
            pltpu.VMEM((_TB, _D), jnp.float32),
            pltpu.VMEM((_TBUF,), jnp.float32),
            pltpu.VMEM((_TBUF,), jnp.float32),
            pltpu.SemaphoreType.DMA,
            pltpu.SemaphoreType.DMA,
            pltpu.SemaphoreType.DMA,
            pltpu.SemaphoreType.DMA,
        ],
        compiler_params=pltpu.CompilerParams(use_tc_tiling_on_sc=False,
                                             needs_layout_passes=False),
    )
    def emb(table_hbm, idx_hbm, out_hbm, idx_v, rows0, rows1, tb0, tb1,
            gsem0, gsem1, ssem0, ssem1):
        wid = lax.axis_index("s") * _NC + lax.axis_index("c")
        base = wid * _BPW
        pltpu.sync_copy(idx_hbm.at[wid], idx_v)

        rows = (rows0, rows1)
        tbs = (tb0, tb1)
        gsems = (gsem0, gsem1)
        ssems = (ssem0, ssem1)

        lanes = lax.iota(jnp.int32, 16)
        col_k = [lax.rem(lanes + k, 16) for k in range(16)]
        col_hi_k = [c + 16 for c in col_k]
        dst_k = [(c // 8) * 4096 + lax.rem(c, 8) * _TL + lanes for c in col_k]
        _HI = 8192
        _SPAN = 5120

        def start_gather(k, rbuf, gsem):
            pltpu.async_copy(table_hbm.at[idx_v.at[k]], rbuf, gsem)

        def wait_gather(k, rbuf, gsem):
            pltpu.make_async_copy(table_hbm.at[idx_v.at[k]], rbuf,
                                  gsem).wait()

        start_gather(0, rows0, gsem0)
        start_gather(1, rows1, gsem1)

        def stores(bid, tbuf, ssem):
            s = bid // _NQ
            q = lax.rem(bid, _NQ)
            for dt in range(_NDT):
                pltpu.async_copy(
                    tbuf.at[pl.ds(dt * _DT_RUN, _DT_RUN)],
                    out_hbm.at[s, dt, pl.ds(q * _DT_RUN, _DT_RUN)], ssem)

        def drain_stores(tbuf, ssem):
            pltpu.make_async_copy(tbuf.at[pl.ds(0, _D * _TB)],
                                  out_hbm.at[0, 0, pl.ds(0, _D * _TB)],
                                  ssem).wait()

        def step(k2, _):
            for b in range(2):
                k = k2 * 2 + b
                rbuf, tbuf, gsem, ssem = rows[b], tbs[b], gsems[b], ssems[b]
                wait_gather(k, rbuf, gsem)

                @pl.when(k >= 2)
                def _():
                    drain_stores(tbuf, ssem)

                def tr(tg, _):
                    t0 = tg * 16
                    off = (tg // 8) * 1024 + lax.rem(tg, 8) * 16
                    rv = lanes + t0
                    lo_ref = tbuf.at[pl.ds(off, _SPAN)]
                    hi_ref = tbuf.at[pl.ds(off + _HI, _SPAN)]
                    for k in range(16):
                        plsc.store_scatter(
                            lo_ref, [dst_k[k]],
                            plsc.load_gather(rbuf, [rv, col_k[k]]))
                        plsc.store_scatter(
                            hi_ref, [dst_k[k]],
                            plsc.load_gather(rbuf, [rv, col_hi_k[k]]))
                    return 0

                lax.fori_loop(0, _TB // 16, tr, 0)

                stores(base + k, tbuf, ssem)

                @pl.when(k + 2 < _BPW)
                def _():
                    start_gather(k + 2, rbuf, gsem)

            return 0

        lax.fori_loop(0, _BPW // 2, step, 0)

        for b in range(2):
            drain_stores(tbs[b], ssems[b])

    return emb


def kernel(token_ids, weight):
    idsw = token_ids.astype(jnp.int32).T.reshape(_NW, _BPW, _TB)
    out3 = _make_gather()(weight, idsw)
    out5 = out3.reshape(_S, _NDT, _T // _TL, _DS, _TL)
    return out5.transpose(2, 4, 0, 1, 3).reshape(_T, _S, _D)

# --- scband reference (transcript-rebuilt; emitter-appended) ---
"""Pipeline reference for scband-embedding-13752485282564 (READ-ONLY COPY).

The authoritative reference and input builder live on the scoring server;
editing this copy changes nothing except your own understanding.
"""

import jax, jax.numpy as jnp
import numpy as np

NUM_EMBEDDINGS = 1000000
EMBEDDING_DIM = 32

def _trunc_normal(key, shape, std=1.0, a=-3.0, b=3.0):
    # truncated normal in [a*std, b*std] with mean 0
    u = jax.random.truncated_normal(key, a, b, shape, dtype=jnp.float32)
    return u * std

def setup_inputs(seed: int = 0) -> dict:
    key = jax.random.key(seed)
    k1, k2 = jax.random.split(key)
    token_ids = jax.random.randint(k1, (16384, 50), 0, NUM_EMBEDDINGS, dtype=jnp.int64 if jax.config.jax_enable_x64 else jnp.int32)
    weight = _trunc_normal(k2, (NUM_EMBEDDINGS, EMBEDDING_DIM))
    return {"token_ids": token_ids, "weight": weight}

def reference(token_ids, weight):
    # faithful translation of: return self.weight[token_ids]
    return jnp.take(weight, token_ids, axis=0)

if __name__ == "__main__":
    import jax
    _d = setup_inputs()
    print(jax.jit(kernel)(*tuple(_d.values())))

</pallas_src>

<mosaic_0001>
#map = affine_map<(d0, d1) -> (0, 0)>
#map1 = affine_map<(d0, d1) -> (0, 0, 0)>
module attributes {stable_mosaic.version = 14 : i64} {
  func.func @emb(%arg0: i32, %arg1: i32, %arg2: memref<1000000x32xf32, #tpu.memory_space<hbm>>, %arg3: memref<32x50x512xi32, #tpu.memory_space<hbm>>, %arg4: memref<50x4x131072xf32, #tpu.memory_space<hbm>>, %arg5: memref<50x512xi32, #tpu.memory_space<vmem>>, %arg6: memref<512x32xf32, #tpu.memory_space<vmem>>, %arg7: memref<512x32xf32, #tpu.memory_space<vmem>>, %arg8: memref<16640xf32, #tpu.memory_space<vmem>>, %arg9: memref<16640xf32, #tpu.memory_space<vmem>>, %arg10: memref<!tpu.dma_semaphore, #tpu.memory_space<semaphore_mem>>, %arg11: memref<!tpu.dma_semaphore, #tpu.memory_space<semaphore_mem>>, %arg12: memref<!tpu.dma_semaphore, #tpu.memory_space<semaphore_mem>>, %arg13: memref<!tpu.dma_semaphore, #tpu.memory_space<semaphore_mem>>) attributes {dimension_semantics = [#tpu.dimension_semantics<core_parallel>, #tpu.dimension_semantics<subcore_parallel>], iteration_bounds = array<i64: 2, 16>, scalar_prefetch = 0 : i64, scratch_operands = 9 : i64, tpu.core_type = #tpu.core_type<sc_vector_subcore>, window_params = [{transform_indices = #map}, {transform_indices = #map1}, {transform_indices = #map1}]} {
    %mul3A = arith.constant 2 : i32
    %mul3A_0 = arith.muli %arg1, %mul3A : i32
    %add3A = arith.addi %mul3A_0, %arg0 : i32
    %mul3A_1 = arith.constant 50 : i32
    %mul3A_2 = arith.muli %add3A, %mul3A_1 : i32
    "tpu.region"() ({
      %run_scoped3A = tpu.sem_alloc : memref<!tpu.dma_semaphore, #tpu.memory_space<semaphore_mem>>
      %dma_start3A_853 = arith.constant 0 : i32
      %dma_start3A_854 = arith.constant 0 : i32
      %dma_start3A_855 = tpu.memref_slice %arg3[%add3A, %dma_start3A_853, %dma_start3A_854] : memref<32x50x512xi32, #tpu.memory_space<hbm>> -> memref<1x50x512xi32, #tpu.memory_space<hbm>>
      %dma_start3A_856 = tpu.memref_squeeze %dma_start3A_855 : memref<1x50x512xi32, #tpu.memory_space<hbm>> -> memref<50x512xi32, #tpu.memory_space<hbm>>
      %dma_start3A_857 = arith.constant 0 : i32
      %dma_start3A_858 = arith.constant 0 : i32
      %dma_start3A_859 = tpu.memref_slice %arg3[%add3A, %dma_start3A_857, %dma_start3A_858] : memref<32x50x512xi32, #tpu.memory_space<hbm>> -> memref<1x50x512xi32, #tpu.memory_space<hbm>>
      %dma_start3A_860 = tpu.memref_squeeze %dma_start3A_859 : memref<1x50x512xi32, #tpu.memory_space<hbm>> -> memref<50x512xi32, #tpu.memory_space<hbm>>
      tpu.enqueue_dma source(%dma_start3A_860 : memref<50x512xi32, #tpu.memory_space<hbm>>) target(%arg5 : memref<50x512xi32, #tpu.memory_space<vmem>>) target_semaphore(%run_scoped3A : memref<!tpu.dma_semaphore, #tpu.memory_space<semaphore_mem>>)
      %dma_wait3A_861 = arith.constant 0 : i32
      %dma_wait3A_862 = arith.constant 0 : i32
      %dma_wait3A_863 = tpu.memref_slice %arg3[%add3A, %dma_wait3A_861, %dma_wait3A_862] : memref<32x50x512xi32, #tpu.memory_space<hbm>> -> memref<1x50x512xi32, #tpu.memory_space<hbm>>
      %dma_wait3A_864 = tpu.memref_squeeze %dma_wait3A_863 : memref<1x50x512xi32, #tpu.memory_space<hbm>> -> memref<50x512xi32, #tpu.memory_space<hbm>>
      %dma_wait3A_865 = arith.constant 0 : i32
      %dma_wait3A_866 = arith.constant 0 : i32
      %dma_wait3A_867 = tpu.memref_slice %arg3[%add3A, %dma_wait3A_865, %dma_wait3A_866] : memref<32x50x512xi32, #tpu.memory_space<hbm>> -> memref<1x50x512xi32, #tpu.memory_space<hbm>>
      %dma_wait3A_868 = tpu.memref_squeeze %dma_wait3A_867 : memref<1x50x512xi32, #tpu.memory_space<hbm>> -> memref<50x512xi32, #tpu.memory_space<hbm>>
      tpu.wait_dma2 semaphore(%run_scoped3A : memref<!tpu.dma_semaphore, #tpu.memory_space<semaphore_mem>>) src(%dma_wait3A_868 : memref<50x512xi32, #tpu.memory_space<hbm>>) dst(%arg5 : memref<50x512xi32, #tpu.memory_space<vmem>>)
      tpu.yield
    }) : () -> ()
    %iota3A = tpu.iota {dimensions = array<i32: 0>} : vector<16xi32>
    %add3A_3 = arith.constant 0 : i32
    %add3A_4 = vector.broadcast %add3A_3 : i32 to vector<16xi32>
    %add3A_5 = arith.addi %iota3A, %add3A_4 : vector<16xi32>
    %rem3A = arith.constant 16 : i32
    %rem3A_6 = vector.broadcast %rem3A : i32 to vector<16xi32>
    %rem3A_7 = arith.remsi %add3A_5, %rem3A_6 : vector<16xi32>
    %add3A_8 = arith.constant 1 : i32
    %add3A_9 = vector.broadcast %add3A_8 : i32 to vector<16xi32>
    %add3A_10 = arith.addi %iota3A, %add3A_9 : vector<16xi32>
    %rem3A_11 = arith.constant 16 : i32
    %rem3A_12 = vector.broadcast %rem3A_11 : i32 to vector<16xi32>
    %rem3A_13 = arith.remsi %add3A_10, %rem3A_12 : vector<16xi32>
    %add3A_14 = arith.constant 2 : i32
    %add3A_15 = vector.broadcast %add3A_14 : i32 to vector<16xi32>
    %add3A_16 = arith.addi %iota3A, %add3A_15 : vector<16xi32>
    %rem3A_17 = arith.constant 16 : i32
    %rem3A_18 = vector.broadcast %rem3A_17 : i32 to vector<16xi32>
    %rem3A_19 = arith.remsi %add3A_16, %rem3A_18 : vector<16xi32>
    %add3A_20 = arith.constant 3 : i32
    %add3A_21 = vector.broadcast %add3A_20 : i32 to vector<16xi32>
    %add3A_22 = arith.addi %iota3A, %add3A_21 : vector<16xi32>
    %rem3A_23 = arith.constant 16 : i32
    %rem3A_24 = vector.broadcast %rem3A_23 : i32 to vector<16xi32>
    %rem3A_25 = arith.remsi %add3A_22, %rem3A_24 : vector<16xi32>
    %add3A_26 = arith.constant 4 : i32
    %add3A_27 = vector.broadcast %add3A_26 : i32 to vector<16xi32>
    %add3A_28 = arith.addi %iota3A, %add3A_27 : vector<16xi32>
    %rem3A_29 = arith.constant 16 : i32
    %rem3A_30 = vector.broadcast %rem3A_29 : i32 to vector<16xi32>
    %rem3A_31 = arith.remsi %add3A_28, %rem3A_30 : vector<16xi32>
    %add3A_32 = arith.constant 5 : i32
    %add3A_33 = vector.broadcast %add3A_32 : i32 to vector<16xi32>
    %add3A_34 = arith.addi %iota3A, %add3A_33 : vector<16xi32>
    %rem3A_35 = arith.constant 16 : i32
    %rem3A_36 = vector.broadcast %rem3A_35 : i32 to vector<16xi32>
    %rem3A_37 = arith.remsi %add3A_34, %rem3A_36 : vector<16xi32>
    %add3A_38 = arith.constant 6 : i32
    %add3A_39 = vector.broadcast %add3A_38 : i32 to vector<16xi32>
    %add3A_40 = arith.addi %iota3A, %add3A_39 : vector<16xi32>
    %rem3A_41 = arith.constant 16 : i32
    %rem3A_42 = vector.broadcast %rem3A_41 : i32 to vector<16xi32>
    %rem3A_43 = arith.remsi %add3A_40, %rem3A_42 : vector<16xi32>
    %add3A_44 = arith.constant 7 : i32
    %add3A_45 = vector.broadcast %add3A_44 : i32 to vector<16xi32>
    %add3A_46 = arith.addi %iota3A, %add3A_45 : vector<16xi32>
    %rem3A_47 = arith.constant 16 : i32
    %rem3A_48 = vector.broadcast %rem3A_47 : i32 to vector<16xi32>
    %rem3A_49 = arith.remsi %add3A_46, %rem3A_48 : vector<16xi32>
    %add3A_50 = arith.constant 8 : i32
    %add3A_51 = vector.broadcast %add3A_50 : i32 to vector<16xi32>
    %add3A_52 = arith.addi %iota3A, %add3A_51 : vector<16xi32>
    %rem3A_53 = arith.constant 16 : i32
    %rem3A_54 = vector.broadcast %rem3A_53 : i32 to vector<16xi32>
    %rem3A_55 = arith.remsi %add3A_52, %rem3A_54 : vector<16xi32>
    %add3A_56 = arith.constant 9 : i32
    %add3A_57 = vector.broadcast %add3A_56 : i32 to vector<16xi32>
    %add3A_58 = arith.addi %iota3A, %add3A_57 : vector<16xi32>
    %rem3A_59 = arith.constant 16 : i32
    %rem3A_60 = vector.broadcast %rem3A_59 : i32 to vector<16xi32>
    %rem3A_61 = arith.remsi %add3A_58, %rem3A_60 : vector<16xi32>
    %add3A_62 = arith.constant 10 : i32
    %add3A_63 = vector.broadcast %add3A_62 : i32 to vector<16xi32>
    %add3A_64 = arith.addi %iota3A, %add3A_63 : vector<16xi32>
    %rem3A_65 = arith.constant 16 : i32
    %rem3A_66 = vector.broadcast %rem3A_65 : i32 to vector<16xi32>
    %rem3A_67 = arith.remsi %add3A_64, %rem3A_66 : vector<16xi32>
    %add3A_68 = arith.constant 11 : i32
    %add3A_69 = vector.broadcast %add3A_68 : i32 to vector<16xi32>
    %add3A_70 = arith.addi %iota3A, %add3A_69 : vector<16xi32>
    %rem3A_71 = arith.constant 16 : i32
    %rem3A_72 = vector.broadcast %rem3A_71 : i32 to vector<16xi32>
    %rem3A_73 = arith.remsi %add3A_70, %rem3A_72 : vector<16xi32>
    %add3A_74 = arith.constant 12 : i32
    %add3A_75 = vector.broadcast %add3A_74 : i32 to vector<16xi32>
    %add3A_76 = arith.addi %iota3A, %add3A_75 : vector<16xi32>
    %rem3A_77 = arith.constant 16 : i32
    %rem3A_78 = vector.broadcast %rem3A_77 : i32 to vector<16xi32>
    %rem3A_79 = arith.remsi %add3A_76, %rem3A_78 : vector<16xi32>
    %add3A_80 = arith.constant 13 : i32
    %add3A_81 = vector.broadcast %add3A_80 : i32 to vector<16xi32>
    %add3A_82 = arith.addi %iota3A, %add3A_81 : vector<16xi32>
    %rem3A_83 = arith.constant 16 : i32
    %rem3A_84 = vector.broadcast %rem3A_83 : i32 to vector<16xi32>
    %rem3A_85 = arith.remsi %add3A_82, %rem3A_84 : vector<16xi32>
    %add3A_86 = arith.constant 14 : i32
    %add3A_87 = vector.broadcast %add3A_86 : i32 to vector<16xi32>
    %add3A_88 = arith.addi %iota3A, %add3A_87 : vector<16xi32>
    %rem3A_89 = arith.constant 16 : i32
    %rem3A_90 = vector.broadcast %rem3A_89 : i32 to vector<16xi32>
    %rem3A_91 = arith.remsi %add3A_88, %rem3A_90 : vector<16xi32>
    %add3A_92 = arith.constant 15 : i32
    %add3A_93 = vector.broadcast %add3A_92 : i32 to vector<16xi32>
    %add3A_94 = arith.addi %iota3A, %add3A_93 : vector<16xi32>
    %rem3A_95 = arith.constant 16 : i32
    %rem3A_96 = vector.broadcast %rem3A_95 : i32 to vector<16xi32>
    %rem3A_97 = arith.remsi %add3A_94, %rem3A_96 : vector<16xi32>
    %add3A_98 = arith.constant 16 : i32
    %add3A_99 = vector.broadcast %add3A_98 : i32 to vector<16xi32>
    %add3A_100 = arith.addi %rem3A_7, %add3A_99 : vector<16xi32>
    %add3A_101 = arith.constant 16 : i32
    %add3A_102 = vector.broadcast %add3A_101 : i32 to vector<16xi32>
    %add3A_103 = arith.addi %rem3A_13, %add3A_102 : vector<16xi32>
    %add3A_104 = arith.constant 16 : i32
    %add3A_105 = vector.broadcast %add3A_104 : i32 to vector<16xi32>
    %add3A_106 = arith.addi %rem3A_19, %add3A_105 : vector<16xi32>
    %add3A_107 = arith.constant 16 : i32
    %add3A_108 = vector.broadcast %add3A_107 : i32 to vector<16xi32>
    %add3A_109 = arith.addi %rem3A_25, %add3A_108 : vector<16xi32>
    %add3A_110 = arith.constant 16 : i32
    %add3A_111 = vector.broadcast %add3A_110 : i32 to vector<16xi32>
    %add3A_112 = arith.addi %rem3A_31, %add3A_111 : vector<16xi32>
    %add3A_113 = arith.constant 16 : i32
    %add3A_114 = vector.broadcast %add3A_113 : i32 to vector<16xi32>
    %add3A_115 = arith.addi %rem3A_37, %add3A_114 : vector<16xi32>
    %add3A_116 = arith.constant 16 : i32
    %add3A_117 = vector.broadcast %add3A_116 : i32 to vector<16xi32>
    %add3A_118 = arith.addi %rem3A_43, %add3A_117 : vector<16xi32>
    %add3A_119 = arith.constant 16 : i32
    %add3A_120 = vector.broadcast %add3A_119 : i32 to vector<16xi32>
    %add3A_121 = arith.addi %rem3A_49, %add3A_120 : vector<16xi32>
    %add3A_122 = arith.constant 16 : i32
    %add3A_123 = vector.broadcast %add3A_122 : i32 to vector<16xi32>
    %add3A_124 = arith.addi %rem3A_55, %add3A_123 : vector<16xi32>
    %add3A_125 = arith.constant 16 : i32
    %add3A_126 = vector.broadcast %add3A_125 : i32 to vector<16xi32>
    %add3A_127 = arith.addi %rem3A_61, %add3A_126 : vector<16xi32>
    %add3A_128 = arith.constant 16 : i32
    %add3A_129 = vector.broadcast %add3A_128 : i32 to vector<16xi32>
    %add3A_130 = arith.addi %rem3A_67, %add3A_129 : vector<16xi32>
    %add3A_131 = arith.constant 16 : i32
    %add3A_132 = vector.broadcast %add3A_131 : i32 to vector<16xi32>
    %add3A_133 = arith.addi %rem3A_73, %add3A_132 : vector<16xi32>
    %add3A_134 = arith.constant 16 : i32
    %add3A_135 = vector.broadcast %add3A_134 : i32 to vector<16xi32>
    %add3A_136 = arith.addi %rem3A_79, %add3A_135 : vector<16xi32>
    %add3A_137 = arith.constant 16 : i32
    %add3A_138 = vector.broadcast %add3A_137 : i32 to vector<16xi32>
    %add3A_139 = arith.addi %rem3A_85, %add3A_138 : vector<16xi32>
    %add3A_140 = arith.constant 16 : i32
    %add3A_141 = vector.broadcast %add3A_140 : i32 to vector<16xi32>
    %add3A_142 = arith.addi %rem3A_91, %add3A_141 : vector<16xi32>
    %add3A_143 = arith.constant 16 : i32
    %add3A_144 = vector.broadcast %add3A_143 : i32 to vector<16xi32>
    %add3A_145 = arith.addi %rem3A_97, %add3A_144 : vector<16xi32>
    %jit3A = arith.constant 8 : i32
    %div3A = vector.broadcast %jit3A : i32 to vector<16xi32>
    %div3A_146 = arith.divsi %rem3A_7, %div3A : vector<16xi32>
    %sign3A = arith.constant 0 : i32
    %sign3A_147 = vector.broadcast %sign3A : i32 to vector<16xi32>
    %sign3A_148 = arith.cmpi sgt, %rem3A_7, %sign3A_147 : vector<16xi32>
    %sign3A_149 = arith.extui %sign3A_148 : vector<16xi1> to vector<16xi32>
    %sign3A_150 = arith.constant 0 : i32
    %sign3A_151 = vector.broadcast %sign3A_150 : i32 to vector<16xi32>
    %sign3A_152 = arith.cmpi slt, %rem3A_7, %sign3A_151 : vector<16xi32>
    %sign3A_153 = arith.extui %sign3A_152 : vector<16xi1> to vector<16xi32>
    %sign3A_154 = arith.subi %sign3A_149, %sign3A_153 : vector<16xi32>
    %sign3A_155 = arith.constant 0 : i32
    %sign3A_156 = arith.cmpi sgt, %jit3A, %sign3A_155 : i32
    %sign3A_157 = arith.extui %sign3A_156 : i1 to i32
    %sign3A_158 = arith.constant 0 : i32
    %sign3A_159 = arith.cmpi slt, %jit3A, %sign3A_158 : i32
    %sign3A_160 = arith.extui %sign3A_159 : i1 to i32
    %sign3A_161 = arith.subi %sign3A_157, %sign3A_160 : i32
    %ne3A = vector.broadcast %sign3A_161 : i32 to vector<16xi32>
    %ne3A_162 = arith.cmpi ne, %sign3A_154, %ne3A : vector<16xi32>
    %rem3A_163 = vector.broadcast %jit3A : i32 to vector<16xi32>
    %rem3A_164 = arith.remsi %rem3A_7, %rem3A_163 : vector<16xi32>
    %ne3A_165 = arith.constant 0 : i32
    %ne3A_166 = vector.broadcast %ne3A_165 : i32 to vector<16xi32>
    %ne3A_167 = arith.cmpi ne, %rem3A_164, %ne3A_166 : vector<16xi32>
    %and3A = arith.andi %ne3A_162, %ne3A_167 : vector<16xi1>
    %sub3A = arith.constant 1 : i32
    %sub3A_168 = vector.broadcast %sub3A : i32 to vector<16xi32>
    %sub3A_169 = arith.subi %div3A_146, %sub3A_168 : vector<16xi32>
    %select_n3A = arith.select %and3A, %sub3A_169, %div3A_146 : vector<16xi1>, vector<16xi32>
    %mul3A_170 = arith.constant 4096 : i32
    %mul3A_171 = vector.broadcast %mul3A_170 : i32 to vector<16xi32>
    %mul3A_172 = arith.muli %select_n3A, %mul3A_171 : vector<16xi32>
    %rem3A_173 = arith.constant 8 : i32
    %rem3A_174 = vector.broadcast %rem3A_173 : i32 to vector<16xi32>
    %rem3A_175 = arith.remsi %rem3A_7, %rem3A_174 : vector<16xi32>
    %mul3A_176 = arith.constant 128 : i32
    %mul3A_177 = vector.broadcast %mul3A_176 : i32 to vector<16xi32>
    %mul3A_178 = arith.muli %rem3A_175, %mul3A_177 : vector<16xi32>
    %add3A_179 = arith.addi %mul3A_172, %mul3A_178 : vector<16xi32>
    %add3A_180 = arith.addi %add3A_179, %iota3A : vector<16xi32>
    %jit3A_181 = arith.constant 8 : i32
    %div3A_182 = vector.broadcast %jit3A_181 : i32 to vector<16xi32>
    %div3A_183 = arith.divsi %rem3A_13, %div3A_182 : vector<16xi32>
    %sign3A_184 = arith.constant 0 : i32
    %sign3A_185 = vector.broadcast %sign3A_184 : i32 to vector<16xi32>
    %sign3A_186 = arith.cmpi sgt, %rem3A_13, %sign3A_185 : vector<16xi32>
    %sign3A_187 = arith.extui %sign3A_186 : vector<16xi1> to vector<16xi32>
    %sign3A_188 = arith.constant 0 : i32
    %sign3A_189 = vector.broadcast %sign3A_188 : i32 to vector<16xi32>
    %sign3A_190 = arith.cmpi slt, %rem3A_13, %sign3A_189 : vector<16xi32>
    %sign3A_191 = arith.extui %sign3A_190 : vector<16xi1> to vector<16xi32>
    %sign3A_192 = arith.subi %sign3A_187, %sign3A_191 : vector<16xi32>
    %sign3A_193 = arith.constant 0 : i32
    %sign3A_194 = arith.cmpi sgt, %jit3A_181, %sign3A_193 : i32
    %sign3A_195 = arith.extui %sign3A_194 : i1 to i32
    %sign3A_196 = arith.constant 0 : i32
    %sign3A_197 = arith.cmpi slt, %jit3A_181, %sign3A_196 : i32
    %sign3A_198 = arith.extui %sign3A_197 : i1 to i32
    %sign3A_199 = arith.subi %sign3A_195, %sign3A_198 : i32
    %ne3A_200 = vector.broadcast %sign3A_199 : i32 to vector<16xi32>
    %ne3A_201 = arith.cmpi ne, %sign3A_192, %ne3A_200 : vector<16xi32>
    %rem3A_202 = vector.broadcast %jit3A_181 : i32 to vector<16xi32>
    %rem3A_203 = arith.remsi %rem3A_13, %rem3A_202 : vector<16xi32>
    %ne3A_204 = arith.constant 0 : i32
    %ne3A_205 = vector.broadcast %ne3A_204 : i32 to vector<16xi32>
    %ne3A_206 = arith.cmpi ne, %rem3A_203, %ne3A_205 : vector<16xi32>
    %and3A_207 = arith.andi %ne3A_201, %ne3A_206 : vector<16xi1>
    %sub3A_208 = arith.constant 1 : i32
    %sub3A_209 = vector.broadcast %sub3A_208 : i32 to vector<16xi32>
    %sub3A_210 = arith.subi %div3A_183, %sub3A_209 : vector<16xi32>
    %select_n3A_211 = arith.select %and3A_207, %sub3A_210, %div3A_183 : vector<16xi1>, vector<16xi32>
    %mul3A_212 = arith.constant 4096 : i32
    %mul3A_213 = vector.broadcast %mul3A_212 : i32 to vector<16xi32>
    %mul3A_214 = arith.muli %select_n3A_211, %mul3A_213 : vector<16xi32>
    %rem3A_215 = arith.constant 8 : i32
    %rem3A_216 = vector.broadcast %rem3A_215 : i32 to vector<16xi32>
    %rem3A_217 = arith.remsi %rem3A_13, %rem3A_216 : vector<16xi32>
    %mul3A_218 = arith.constant 128 : i32
    %mul3A_219 = vector.broadcast %mul3A_218 : i32 to vector<16xi32>
    %mul3A_220 = arith.muli %rem3A_217, %mul3A_219 : vector<16xi32>
    %add3A_221 = arith.addi %mul3A_214, %mul3A_220 : vector<16xi32>
    %add3A_222 = arith.addi %add3A_221, %iota3A : vector<16xi32>
    %jit3A_223 = arith.constant 8 : i32
    %div3A_224 = vector.broadcast %jit3A_223 : i32 to vector<16xi32>
    %div3A_225 = arith.divsi %rem3A_19, %div3A_224 : vector<16xi32>
    %sign3A_226 = arith.constant 0 : i32
    %sign3A_227 = vector.broadcast %sign3A_226 : i32 to vector<16xi32>
    %sign3A_228 = arith.cmpi sgt, %rem3A_19, %sign3A_227 : vector<16xi32>
    %sign3A_229 = arith.extui %sign3A_228 : vector<16xi1> to vector<16xi32>
    %sign3A_230 = arith.constant 0 : i32
    %sign3A_231 = vector.broadcast %sign3A_230 : i32 to vector<16xi32>
    %sign3A_232 = arith.cmpi slt, %rem3A_19, %sign3A_231 : vector<16xi32>
    %sign3A_233 = arith.extui %sign3A_232 : vector<16xi1> to vector<16xi32>
    %sign3A_234 = arith.subi %sign3A_229, %sign3A_233 : vector<16xi32>
    %sign3A_235 = arith.constant 0 : i32
    %sign3A_236 = arith.cmpi sgt, %jit3A_223, %sign3A_235 : i32
    %sign3A_237 = arith.extui %sign3A_236 : i1 to i32
    %sign3A_238 = arith.constant 0 : i32
    %sign3A_239 = arith.cmpi slt, %jit3A_223, %sign3A_238 : i32
    %sign3A_240 = arith.extui %sign3A_239 : i1 to i32
    %sign3A_241 = arith.subi %sign3A_237, %sign3A_240 : i32
    %ne3A_242 = vector.broadcast %sign3A_241 : i32 to vector<16xi32>
    %ne3A_243 = arith.cmpi ne, %sign3A_234, %ne3A_242 : vector<16xi32>
    %rem3A_244 = vector.broadcast %jit3A_223 : i32 to vector<16xi32>
    %rem3A_245 = arith.remsi %rem3A_19, %rem3A_244 : vector<16xi32>
    %ne3A_246 = arith.constant 0 : i32
    %ne3A_247 = vector.broadcast %ne3A_246 : i32 to vector<16xi32>
    %ne3A_248 = arith.cmpi ne, %rem3A_245, %ne3A_247 : vector<16xi32>
    %and3A_249 = arith.andi %ne3A_243, %ne3A_248 : vector<16xi1>
    %sub3A_250 = arith.constant 1 : i32
    %sub3A_251 = vector.broadcast %sub3A_250 : i32 to vector<16xi32>
    %sub3A_252 = arith.subi %div3A_225, %sub3A_251 : vector<16xi32>
    %select_n3A_253 = arith.select %and3A_249, %sub3A_252, %div3A_225 : vector<16xi1>, vector<16xi32>
    %mul3A_254 = arith.constant 4096 : i32
    %mul3A_255 = vector.broadcast %mul3A_254 : i32 to vector<16xi32>
    %mul3A_256 = arith.muli %select_n3A_253, %mul3A_255 : vector<16xi32>
    %rem3A_257 = arith.constant 8 : i32
    %rem3A_258 = vector.broadcast %rem3A_257 : i32 to vector<16xi32>
    %rem3A_259 = arith.remsi %rem3A_19, %rem3A_258 : vector<16xi32>
    %mul3A_260 = arith.constant 128 : i32
    %mul3A_261 = vector.broadcast %mul3A_260 : i32 to vector<16xi32>
    %mul3A_262 = arith.muli %rem3A_259, %mul3A_261 : vector<16xi32>
    %add3A_263 = arith.addi %mul3A_256, %mul3A_262 : vector<16xi32>
    %add3A_264 = arith.addi %add3A_263, %iota3A : vector<16xi32>
    %jit3A_265 = arith.constant 8 : i32
    %div3A_266 = vector.broadcast %jit3A_265 : i32 to vector<16xi32>
    %div3A_267 = arith.divsi %rem3A_25, %div3A_266 : vector<16xi32>
    %sign3A_268 = arith.constant 0 : i32
    %sign3A_269 = vector.broadcast %sign3A_268 : i32 to vector<16xi32>
    %sign3A_270 = arith.cmpi sgt, %rem3A_25, %sign3A_269 : vector<16xi32>
    %sign3A_271 = arith.extui %sign3A_270 : vector<16xi1> to vector<16xi32>
    %sign3A_272 = arith.constant 0 : i32
    %sign3A_273 = vector.broadcast %sign3A_272 : i32 to vector<16xi32>
    %sign3A_274 = arith.cmpi slt, %rem3A_25, %sign3A_273 : vector<16xi32>
    %sign3A_275 = arith.extui %sign3A_274 : vector<16xi1> to vector<16xi32>
    %sign3A_276 = arith.subi %sign3A_271, %sign3A_275 : vector<16xi32>
    %sign3A_277 = arith.constant 0 : i32
    %sign3A_278 = arith.cmpi sgt, %jit3A_265, %sign3A_277 : i32
    %sign3A_279 = arith.extui %sign3A_278 : i1 to i32
    %sign3A_280 = arith.constant 0 : i32
    %sign3A_281 = arith.cmpi slt, %jit3A_265, %sign3A_280 : i32
    %sign3A_282 = arith.extui %sign3A_281 : i1 to i32
    %sign3A_283 = arith.subi %sign3A_279, %sign3A_282 : i32
    %ne3A_284 = vector.broadcast %sign3A_283 : i32 to vector<16xi32>
    %ne3A_285 = arith.cmpi ne, %sign3A_276, %ne3A_284 : vector<16xi32>
    %rem3A_286 = vector.broadcast %jit3A_265 : i32 to vector<16xi32>
    %rem3A_287 = arith.remsi %rem3A_25, %rem3A_286 : vector<16xi32>
    %ne3A_288 = arith.constant 0 : i32
    %ne3A_289 = vector.broadcast %ne3A_288 : i32 to vector<16xi32>
    %ne3A_290 = arith.cmpi ne, %rem3A_287, %ne3A_289 : vector<16xi32>
    %and3A_291 = arith.andi %ne3A_285, %ne3A_290 : vector<16xi1>
    %sub3A_292 = arith.constant 1 : i32
    %sub3A_293 = vector.broadcast %sub3A_292 : i32 to vector<16xi32>
    %sub3A_294 = arith.subi %div3A_267, %sub3A_293 : vector<16xi32>
    %select_n3A_295 = arith.select %and3A_291, %sub3A_294, %div3A_267 : vector<16xi1>, vector<16xi32>
    %mul3A_296 = arith.constant 4096 : i32
    %mul3A_297 = vector.broadcast %mul3A_296 : i32 to vector<16xi32>
    %mul3A_298 = arith.muli %select_n3A_295, %mul3A_297 : vector<16xi32>
    %rem3A_299 = arith.constant 8 : i32
    %rem3A_300 = vector.broadcast %rem3A_299 : i32 to vector<16xi32>
    %rem3A_301 = arith.remsi %rem3A_25, %rem3A_300 : vector<16xi32>
    %mul3A_302 = arith.constant 128 : i32
    %mul3A_303 = vector.broadcast %mul3A_302 : i32 to vector<16xi32>
    %mul3A_304 = arith.muli %rem3A_301, %mul3A_303 : vector<16xi32>
    %add3A_305 = arith.addi %mul3A_298, %mul3A_304 : vector<16xi32>
    %add3A_306 = arith.addi %add3A_305, %iota3A : vector<16xi32>
    %jit3A_307 = arith.constant 8 : i32
    %div3A_308 = vector.broadcast %jit3A_307 : i32 to vector<16xi32>
    %div3A_309 = arith.divsi %rem3A_31, %div3A_308 : vector<16xi32>
    %sign3A_310 = arith.constant 0 : i32
    %sign3A_311 = vector.broadcast %sign3A_310 : i32 to vector<16xi32>
    %sign3A_312 = arith.cmpi sgt, %rem3A_31, %sign3A_311 : vector<16xi32>
    %sign3A_313 = arith.extui %sign3A_312 : vector<16xi1> to vector<16xi32>
    %sign3A_314 = arith.constant 0 : i32
    %sign3A_315 = vector.broadcast %sign3A_314 : i32 to vector<16xi32>
    %sign3A_316 = arith.cmpi slt, %rem3A_31, %sign3A_315 : vector<16xi32>
    %sign3A_317 = arith.extui %sign3A_316 : vector<16xi1> to vector<16xi32>
    %sign3A_318 = arith.subi %sign3A_313, %sign3A_317 : vector<16xi32>
    %sign3A_319 = arith.constant 0 : i32
    %sign3A_320 = arith.cmpi sgt, %jit3A_307, %sign3A_319 : i32
    %sign3A_321 = arith.extui %sign3A_320 : i1 to i32
    %sign3A_322 = arith.constant 0 : i32
    %sign3A_323 = arith.cmpi slt, %jit3A_307, %sign3A_322 : i32
    %sign3A_324 = arith.extui %sign3A_323 : i1 to i32
    %sign3A_325 = arith.subi %sign3A_321, %sign3A_324 : i32
    %ne3A_326 = vector.broadcast %sign3A_325 : i32 to vector<16xi32>
    %ne3A_327 = arith.cmpi ne, %sign3A_318, %ne3A_326 : vector<16xi32>
    %rem3A_328 = vector.broadcast %jit3A_307 : i32 to vector<16xi32>
    %rem3A_329 = arith.remsi %rem3A_31, %rem3A_328 : vector<16xi32>
    %ne3A_330 = arith.constant 0 : i32
    %ne3A_331 = vector.broadcast %ne3A_330 : i32 to vector<16xi32>
    %ne3A_332 = arith.cmpi ne, %rem3A_329, %ne3A_331 : vector<16xi32>
    %and3A_333 = arith.andi %ne3A_327, %ne3A_332 : vector<16xi1>
    %sub3A_334 = arith.constant 1 : i32
    %sub3A_335 = vector.broadcast %sub3A_334 : i32 to vector<16xi32>
    %sub3A_336 = arith.subi %div3A_309, %sub3A_335 : vector<16xi32>
    %select_n3A_337 = arith.select %and3A_333, %sub3A_336, %div3A_309 : vector<16xi1>, vector<16xi32>
    %mul3A_338 = arith.constant 4096 : i32
    %mul3A_339 = vector.broadcast %mul3A_338 : i32 to vector<16xi32>
    %mul3A_340 = arith.muli %select_n3A_337, %mul3A_339 : vector<16xi32>
    %rem3A_341 = arith.constant 8 : i32
    %rem3A_342 = vector.broadcast %rem3A_341 : i32 to vector<16xi32>
    %rem3A_343 = arith.remsi %rem3A_31, %rem3A_342 : vector<16xi32>
    %mul3A_344 = arith.constant 128 : i32
    %mul3A_345 = vector.broadcast %mul3A_344 : i32 to vector<16xi32>
    %mul3A_346 = arith.muli %rem3A_343, %mul3A_345 : vector<16xi32>
    %add3A_347 = arith.addi %mul3A_340, %mul3A_346 : vector<16xi32>
    %add3A_348 = arith.addi %add3A_347, %iota3A : vector<16xi32>
    %jit3A_349 = arith.constant 8 : i32
    %div3A_350 = vector.broadcast %jit3A_349 : i32 to vector<16xi32>
    %div3A_351 = arith.divsi %rem3A_37, %div3A_350 : vector<16xi32>
    %sign3A_352 = arith.constant 0 : i32
    %sign3A_353 = vector.broadcast %sign3A_352 : i32 to vector<16xi32>
    %sign3A_354 = arith.cmpi sgt, %rem3A_37, %sign3A_353 : vector<16xi32>
    %sign3A_355 = arith.extui %sign3A_354 : vector<16xi1> to vector<16xi32>
    %sign3A_356 = arith.constant 0 : i32
    %sign3A_357 = vector.broadcast %sign3A_356 : i32 to vector<16xi32>
    %sign3A_358 = arith.cmpi slt, %rem3A_37, %sign3A_357 : vector<16xi32>
    %sign3A_359 = arith.extui %sign3A_358 : vector<16xi1> to vector<16xi32>
    %sign3A_360 = arith.subi %sign3A_355, %sign3A_359 : vector<16xi32>
    %sign3A_361 = arith.constant 0 : i32
    %sign3A_362 = arith.cmpi sgt, %jit3A_349, %sign3A_361 : i32
    %sign3A_363 = arith.extui %sign3A_362 : i1 to i32
    %sign3A_364 = arith.constant 0 : i32
    %sign3A_365 = arith.cmpi slt, %jit3A_349, %sign3A_364 : i32
    %sign3A_366 = arith.extui %sign3A_365 : i1 to i32
    %sign3A_367 = arith.subi %sign3A_363, %sign3A_366 : i32
    %ne3A_368 = vector.broadcast %sign3A_367 : i32 to vector<16xi32>
    %ne3A_369 = arith.cmpi ne, %sign3A_360, %ne3A_368 : vector<16xi32>
    %rem3A_370 = vector.broadcast %jit3A_349 : i32 to vector<16xi32>
    %rem3A_371 = arith.remsi %rem3A_37, %rem3A_370 : vector<16xi32>
    %ne3A_372 = arith.constant 0 : i32
    %ne3A_373 = vector.broadcast %ne3A_372 : i32 to vector<16xi32>
    %ne3A_374 = arith.cmpi ne, %rem3A_371, %ne3A_373 : vector<16xi32>
    %and3A_375 = arith.andi %ne3A_369, %ne3A_374 : vector<16xi1>
    %sub3A_376 = arith.constant 1 : i32
    %sub3A_377 = vector.broadcast %sub3A_376 : i32 to vector<16xi32>
    %sub3A_378 = arith.subi %div3A_351, %sub3A_377 : vector<16xi32>
    %select_n3A_379 = arith.select %and3A_375, %sub3A_378, %div3A_351 : vector<16xi1>, vector<16xi32>
    %mul3A_380 = arith.constant 4096 : i32
    %mul3A_381 = vector.broadcast %mul3A_380 : i32 to vector<16xi32>
    %mul3A_382 = arith.muli %select_n3A_379, %mul3A_381 : vector<16xi32>
    %rem3A_383 = arith.constant 8 : i32
    %rem3A_384 = vector.broadcast %rem3A_383 : i32 to vector<16xi32>
    %rem3A_385 = arith.remsi %rem3A_37, %rem3A_384 : vector<16xi32>
    %mul3A_386 = arith.constant 128 : i32
    %mul3A_387 = vector.broadcast %mul3A_386 : i32 to vector<16xi32>
    %mul3A_388 = arith.muli %rem3A_385, %mul3A_387 : vector<16xi32>
    %add3A_389 = arith.addi %mul3A_382, %mul3A_388 : vector<16xi32>
    %add3A_390 = arith.addi %add3A_389, %iota3A : vector<16xi32>
    %jit3A_391 = arith.constant 8 : i32
    %div3A_392 = vector.broadcast %jit3A_391 : i32 to vector<16xi32>
    %div3A_393 = arith.divsi %rem3A_43, %div3A_392 : vector<16xi32>
    %sign3A_394 = arith.constant 0 : i32
    %sign3A_395 = vector.broadcast %sign3A_394 : i32 to vector<16xi32>
    %sign3A_396 = arith.cmpi sgt, %rem3A_43, %sign3A_395 : vector<16xi32>
    %sign3A_397 = arith.extui %sign3A_396 : vector<16xi1> to vector<16xi32>
    %sign3A_398 = arith.constant 0 : i32
    %sign3A_399 = vector.broadcast %sign3A_398 : i32 to vector<16xi32>
    %sign3A_400 = arith.cmpi slt, %rem3A_43, %sign3A_399 : vector<16xi32>
    %sign3A_401 = arith.extui %sign3A_400 : vector<16xi1> to vector<16xi32>
    %sign3A_402 = arith.subi %sign3A_397, %sign3A_401 : vector<16xi32>
    %sign3A_403 = arith.constant 0 : i32
    %sign3A_404 = arith.cmpi sgt, %jit3A_391, %sign3A_403 : i32
    %sign3A_405 = arith.extui %sign3A_404 : i1 to i32
    %sign3A_406 = arith.constant 0 : i32
    %sign3A_407 = arith.cmpi slt, %jit3A_391, %sign3A_406 : i32
    %sign3A_408 = arith.extui %sign3A_407 : i1 to i32
    %sign3A_409 = arith.subi %sign3A_405, %sign3A_408 : i32
    %ne3A_410 = vector.broadcast %sign3A_409 : i32 to vector<16xi32>
    %ne3A_411 = arith.cmpi ne, %sign3A_402, %ne3A_410 : vector<16xi32>
    %rem3A_412 = vector.broadcast %jit3A_391 : i32 to vector<16xi32>
    %rem3A_413 = arith.remsi %rem3A_43, %rem3A_412 : vector<16xi32>
    %ne3A_414 = arith.constant 0 : i32
    %ne3A_415 = vector.broadcast %ne3A_414 : i32 to vector<16xi32>
    %ne3A_416 = arith.cmpi ne, %rem3A_413, %ne3A_415 : vector<16xi32>
    %and3A_417 = arith.andi %ne3A_411, %ne3A_416 : vector<16xi1>
    %sub3A_418 = arith.constant 1 : i32
    %sub3A_419 = vector.broadcast %sub3A_418 : i32 to vector<16xi32>
    %sub3A_420 = arith.subi %div3A_393, %sub3A_419 : vector<16xi32>
    %select_n3A_421 = arith.select %and3A_417, %sub3A_420, %div3A_393 : vector<16xi1>, vector<16xi32>
    %mul3A_422 = arith.constant 4096 : i32
    %mul3A_423 = vector.broadcast %mul3A_422 : i32 to vector<16xi32>
    %mul3A_424 = arith.muli %select_n3A_421, %mul3A_423 : vector<16xi32>
    %rem3A_425 = arith.constant 8 : i32
    %rem3A_426 = vector.broadcast %rem3A_425 : i32 to vector<16xi32>
    %rem3A_427 = arith.remsi %rem3A_43, %rem3A_426 : vector<16xi32>
    %mul3A_428 = arith.constant 128 : i32
    %mul3A_429 = vector.broadcast %mul3A_428 : i32 to vector<16xi32>
    %mul3A_430 = arith.muli %rem3A_427, %mul3A_429 : vector<16xi32>
    %add3A_431 = arith.addi %mul3A_424, %mul3A_430 : vector<16xi32>
    %add3A_432 = arith.addi %add3A_431, %iota3A : vector<16xi32>
    %jit3A_433 = arith.constant 8 : i32
    %div3A_434 = vector.broadcast %jit3A_433 : i32 to vector<16xi32>
    %div3A_435 = arith.divsi %rem3A_49, %div3A_434 : vector<16xi32>
    %sign3A_436 = arith.constant 0 : i32
    %sign3A_437 = vector.broadcast %sign3A_436 : i32 to vector<16xi32>
    %sign3A_438 = arith.cmpi sgt, %rem3A_49, %sign3A_437 : vector<16xi32>
    %sign3A_439 = arith.extui %sign3A_438 : vector<16xi1> to vector<16xi32>
    %sign3A_440 = arith.constant 0 : i32
    %sign3A_441 = vector.broadcast %sign3A_440 : i32 to vector<16xi32>
    %sign3A_442 = arith.cmpi slt, %rem3A_49, %sign3A_441 : vector<16xi32>
    %sign3A_443 = arith.extui %sign3A_442 : vector<16xi1> to vector<16xi32>
    %sign3A_444 = arith.subi %sign3A_439, %sign3A_443 : vector<16xi32>
    %sign3A_445 = arith.constant 0 : i32
    %sign3A_446 = arith.cmpi sgt, %jit3A_433, %sign3A_445 : i32
    %sign3A_447 = arith.extui %sign3A_446 : i1 to i32
    %sign3A_448 = arith.constant 0 : i32
    %sign3A_449 = arith.cmpi slt, %jit3A_433, %sign3A_448 : i32
    %sign3A_450 = arith.extui %sign3A_449 : i1 to i32
    %sign3A_451 = arith.subi %sign3A_447, %sign3A_450 : i32
    %ne3A_452 = vector.broadcast %sign3A_451 : i32 to vector<16xi32>
    %ne3A_453 = arith.cmpi ne, %sign3A_444, %ne3A_452 : vector<16xi32>
    %rem3A_454 = vector.broadcast %jit3A_433 : i32 to vector<16xi32>
    %rem3A_455 = arith.remsi %rem3A_49, %rem3A_454 : vector<16xi32>
    %ne3A_456 = arith.constant 0 : i32
    %ne3A_457 = vector.broadcast %ne3A_456 : i32 to vector<16xi32>
    %ne3A_458 = arith.cmpi ne, %rem3A_455, %ne3A_457 : vector<16xi32>
    %and3A_459 = arith.andi %ne3A_453, %ne3A_458 : vector<16xi1>
    %sub3A_460 = arith.constant 1 : i32
    %sub3A_461 = vector.broadcast %sub3A_460 : i32 to vector<16xi32>
    %sub3A_462 = arith.subi %div3A_435, %sub3A_461 : vector<16xi32>
    %select_n3A_463 = arith.select %and3A_459, %sub3A_462, %div3A_435 : vector<16xi1>, vector<16xi32>
    %mul3A_464 = arith.constant 4096 : i32
    %mul3A_465 = vector.broadcast %mul3A_464 : i32 to vector<16xi32>
    %mul3A_466 = arith.muli %select_n3A_463, %mul3A_465 : vector<16xi32>
    %rem3A_467 = arith.constant 8 : i32
    %rem3A_468 = vector.broadcast %rem3A_467 : i32 to vector<16xi32>
    %rem3A_469 = arith.remsi %rem3A_49, %rem3A_468 : vector<16xi32>
    %mul3A_470 = arith.constant 128 : i32
    %mul3A_471 = vector.broadcast %mul3A_470 : i32 to vector<16xi32>
    %mul3A_472 = arith.muli %rem3A_469, %mul3A_471 : vector<16xi32>
    %add3A_473 = arith.addi %mul3A_466, %mul3A_472 : vector<16xi32>
    %add3A_474 = arith.addi %add3A_473, %iota3A : vector<16xi32>
    %jit3A_475 = arith.constant 8 : i32
    %div3A_476 = vector.broadcast %jit3A_475 : i32 to vector<16xi32>
    %div3A_477 = arith.divsi %rem3A_55, %div3A_476 : vector<16xi32>
    %sign3A_478 = arith.constant 0 : i32
    %sign3A_479 = vector.broadcast %sign3A_478 : i32 to vector<16xi32>
    %sign3A_480 = arith.cmpi sgt, %rem3A_55, %sign3A_479 : vector<16xi32>
    %sign3A_481 = arith.extui %sign3A_480 : vector<16xi1> to vector<16xi32>
    %sign3A_482 = arith.constant 0 : i32
    %sign3A_483 = vector.broadcast %sign3A_482 : i32 to vector<16xi32>
    %sign3A_484 = arith.cmpi slt, %rem3A_55, %sign3A_483 : vector<16xi32>
    %sign3A_485 = arith.extui %sign3A_484 : vector<16xi1> to vector<16xi32>
    %sign3A_486 = arith.subi %sign3A_481, %sign3A_485 : vector<16xi32>
    %sign3A_487 = arith.constant 0 : i32
    %sign3A_488 = arith.cmpi sgt, %jit3A_475, %sign3A_487 : i32
    %sign3A_489 = arith.extui %sign3A_488 : i1 to i32
    %sign3A_490 = arith.constant 0 : i32
    %sign3A_491 = arith.cmpi slt, %jit3A_475, %sign3A_490 : i32
    %sign3A_492 = arith.extui %sign3A_491 : i1 to i32
    %sign3A_493 = arith.subi %sign3A_489, %sign3A_492 : i32
    %ne3A_494 = vector.broadcast %sign3A_493 : i32 to vector<16xi32>
    %ne3A_495 = arith.cmpi ne, %sign3A_486, %ne3A_494 : vector<16xi32>
    %rem3A_496 = vector.broadcast %jit3A_475 : i32 to vector<16xi32>
    %rem3A_497 = arith.remsi %rem3A_55, %rem3A_496 : vector<16xi32>
    %ne3A_498 = arith.constant 0 : i32
    %ne3A_499 = vector.broadcast %ne3A_498 : i32 to vector<16xi32>
    %ne3A_500 = arith.cmpi ne, %rem3A_497, %ne3A_499 : vector<16xi32>
    %and3A_501 = arith.andi %ne3A_495, %ne3A_500 : vector<16xi1>
    %sub3A_502 = arith.constant 1 : i32
    %sub3A_503 = vector.broadcast %sub3A_502 : i32 to vector<16xi32>
    %sub3A_504 = arith.subi %div3A_477, %sub3A_503 : vector<16xi32>
    %select_n3A_505 = arith.select %and3A_501, %sub3A_504, %div3A_477 : vector<16xi1>, vector<16xi32>
    %mul3A_506 = arith.constant 4096 : i32
    %mul3A_507 = vector.broadcast %mul3A_506 : i32 to vector<16xi32>
    %mul3A_508 = arith.muli %select_n3A_505, %mul3A_507 : vector<16xi32>
    %rem3A_509 = arith.constant 8 : i32
    %rem3A_510 = vector.broadcast %rem3A_509 : i32 to vector<16xi32>
    %rem3A_511 = arith.remsi %rem3A_55, %rem3A_510 : vector<16xi32>
    %mul3A_512 = arith.constant 128 : i32
    %mul3A_513 = vector.broadcast %mul3A_512 : i32 to vector<16xi32>
    %mul3A_514 = arith.muli %rem3A_511, %mul3A_513 : vector<16xi32>
    %add3A_515 = arith.addi %mul3A_508, %mul3A_514 : vector<16xi32>
    %add3A_516 = arith.addi %add3A_515, %iota3A : vector<16xi32>
    %jit3A_517 = arith.constant 8 : i32
    %div3A_518 = vector.broadcast %jit3A_517 : i32 to vector<16xi32>
    %div3A_519 = arith.divsi %rem3A_61, %div3A_518 : vector<16xi32>
    %sign3A_520 = arith.constant 0 : i32
    %sign3A_521 = vector.broadcast %sign3A_520 : i32 to vector<16xi32>
    %sign3A_522 = arith.cmpi sgt, %rem3A_61, %sign3A_521 : vector<16xi32>
    %sign3A_523 = arith.extui %sign3A_522 : vector<16xi1> to vector<16xi32>
    %sign3A_524 = arith.constant 0 : i32
    %sign3A_525 = vector.broadcast %sign3A_524 : i32 to vector<16xi32>
    %sign3A_526 = arith.cmpi slt, %rem3A_61, %sign3A_525 : vector<16xi32>
    %sign3A_527 = arith.extui %sign3A_526 : vector<16xi1> to vector<16xi32>
    %sign3A_528 = arith.subi %sign3A_523, %sign3A_527 : vector<16xi32>
    %sign3A_529 = arith.constant 0 : i32
    %sign3A_530 = arith.cmpi sgt, %jit3A_517, %sign3A_529 : i32
    %sign3A_531 = arith.extui %sign3A_530 : i1 to i32
    %sign3A_532 = arith.constant 0 : i32
    %sign3A_533 = arith.cmpi slt, %jit3A_517, %sign3A_532 : i32
    %sign3A_534 = arith.extui %sign3A_533 : i1 to i32
    %sign3A_535 = arith.subi %sign3A_531, %sign3A_534 : i32
    %ne3A_536 = vector.broadcast %sign3A_535 : i32 to vector<16xi32>
    %ne3A_537 = arith.cmpi ne, %sign3A_528, %ne3A_536 : vector<16xi32>
    %rem3A_538 = vector.broadcast %jit3A_517 : i32 to vector<16xi32>
    %rem3A_539 = arith.remsi %rem3A_61, %rem3A_538 : vector<16xi32>
    %ne3A_540 = arith.constant 0 : i32
    %ne3A_541 = vector.broadcast %ne3A_540 : i32 to vector<16xi32>
    %ne3A_542 = arith.cmpi ne, %rem3A_539, %ne3A_541 : vector<16xi32>
    %and3A_543 = arith.andi %ne3A_537, %ne3A_542 : vector<16xi1>
    %sub3A_544 = arith.constant 1 : i32
    %sub3A_545 = vector.broadcast %sub3A_544 : i32 to vector<16xi32>
    %sub3A_546 = arith.subi %div3A_519, %sub3A_545 : vector<16xi32>
    %select_n3A_547 = arith.select %and3A_543, %sub3A_546, %div3A_519 : vector<16xi1>, vector<16xi32>
    %mul3A_548 = arith.constant 4096 : i32
    %mul3A_549 = vector.broadcast %mul3A_548 : i32 to vector<16xi32>
    %mul3A_550 = arith.muli %select_n3A_547, %mul3A_549 : vector<16xi32>
    %rem3A_551 = arith.constant 8 : i32
    %rem3A_552 = vector.broadcast %rem3A_551 : i32 to vector<16xi32>
    %rem3A_553 = arith.remsi %rem3A_61, %rem3A_552 : vector<16xi32>
    %mul3A_554 = arith.constant 128 : i32
    %mul3A_555 = vector.broadcast %mul3A_554 : i32 to vector<16xi32>
    %mul3A_556 = arith.muli %rem3A_553, %mul3A_555 : vector<16xi32>
    %add3A_557 = arith.addi %mul3A_550, %mul3A_556 : vector<16xi32>
    %add3A_558 = arith.addi %add3A_557, %iota3A : vector<16xi32>
    %jit3A_559 = arith.constant 8 : i32
    %div3A_560 = vector.broadcast %jit3A_559 : i32 to vector<16xi32>
    %div3A_561 = arith.divsi %rem3A_67, %div3A_560 : vector<16xi32>
    %sign3A_562 = arith.constant 0 : i32
    %sign3A_563 = vector.broadcast %sign3A_562 : i32 to vector<16xi32>
    %sign3A_564 = arith.cmpi sgt, %rem3A_67, %sign3A_563 : vector<16xi32>
    %sign3A_565 = arith.extui %sign3A_564 : vector<16xi1> to vector<16xi32>
    %sign3A_566 = arith.constant 0 : i32
    %sign3A_567 = vector.broadcast %sign3A_566 : i32 to vector<16xi32>
    %sign3A_568 = arith.cmpi slt, %rem3A_67, %sign3A_567 : vector<16xi32>
    %sign3A_569 = arith.extui %sign3A_568 : vector<16xi1> to vector<16xi32>
    %sign3A_570 = arith.subi %sign3A_565, %sign3A_569 : vector<16xi32>
    %sign3A_571 = arith.constant 0 : i32
    %sign3A_572 = arith.cmpi sgt, %jit3A_559, %sign3A_571 : i32
    %sign3A_573 = arith.extui %sign3A_572 : i1 to i32
    %sign3A_574 = arith.constant 0 : i32
    %sign3A_575 = arith.cmpi slt, %jit3A_559, %sign3A_574 : i32
    %sign3A_576 = arith.extui %sign3A_575 : i1 to i32
    %sign3A_577 = arith.subi %sign3A_573, %sign3A_576 : i32
    %ne3A_578 = vector.broadcast %sign3A_577 : i32 to vector<16xi32>
    %ne3A_579 = arith.cmpi ne, %sign3A_570, %ne3A_578 : vector<16xi32>
    %rem3A_580 = vector.broadcast %jit3A_559 : i32 to vector<16xi32>
    %rem3A_581 = arith.remsi %rem3A_67, %rem3A_580 : vector<16xi32>
    %ne3A_582 = arith.constant 0 : i32
    %ne3A_583 = vector.broadcast %ne3A_582 : i32 to vector<16xi32>
    %ne3A_584 = arith.cmpi ne, %rem3A_581, %ne3A_583 : vector<16xi32>
    %and3A_585 = arith.andi %ne3A_579, %ne3A_584 : vector<16xi1>
    %sub3A_586 = arith.constant 1 : i32
    %sub3A_587 = vector.broadcast %sub3A_586 : i32 to vector<16xi32>
    %sub3A_588 = arith.subi %div3A_561, %sub3A_587 : vector<16xi32>
    %select_n3A_589 = arith.select %and3A_585, %sub3A_588, %div3A_561 : vector<16xi1>, vector<16xi32>
    %mul3A_590 = arith.constant 4096 : i32
    %mul3A_591 = vector.broadcast %mul3A_590 : i32 to vector<16xi32>
    %mul3A_592 = arith.muli %select_n3A_589, %mul3A_591 : vector<16xi32>
    %rem3A_593 = arith.constant 8 : i32
    %rem3A_594 = vector.broadcast %rem3A_593 : i32 to vector<16xi32>
    %rem3A_595 = arith.remsi %rem3A_67, %rem3A_594 : vector<16xi32>
    %mul3A_596 = arith.constant 128 : i32
    %mul3A_597 = vector.broadcast %mul3A_596 : i32 to vector<16xi32>
    %mul3A_598 = arith.muli %rem3A_595, %mul3A_597 : vector<16xi32>
    %add3A_599 = arith.addi %mul3A_592, %mul3A_598 : vector<16xi32>
    %add3A_600 = arith.addi %add3A_599, %iota3A : vector<16xi32>
    %jit3A_601 = arith.constant 8 : i32
    %div3A_602 = vector.broadcast %jit3A_601 : i32 to vector<16xi32>
    %div3A_603 = arith.divsi %rem3A_73, %div3A_602 : vector<16xi32>
    %sign3A_604 = arith.constant 0 : i32
    %sign3A_605 = vector.broadcast %sign3A_604 : i32 to vector<16xi32>
    %sign3A_606 = arith.cmpi sgt, %rem3A_73, %sign3A_605 : vector<16xi32>
    %sign3A_607 = arith.extui %sign3A_606 : vector<16xi1> to vector<16xi32>
    %sign3A_608 = arith.constant 0 : i32
    %sign3A_609 = vector.broadcast %sign3A_608 : i32 to vector<16xi32>
    %sign3A_610 = arith.cmpi slt, %rem3A_73, %sign3A_609 : vector<16xi32>
    %sign3A_611 = arith.extui %sign3A_610 : vector<16xi1> to vector<16xi32>
    %sign3A_612 = arith.subi %sign3A_607, %sign3A_611 : vector<16xi32>
    %sign3A_613 = arith.constant 0 : i32
    %sign3A_614 = arith.cmpi sgt, %jit3A_601, %sign3A_613 : i32
    %sign3A_615 = arith.extui %sign3A_614 : i1 to i32
    %sign3A_616 = arith.constant 0 : i32
    %sign3A_617 = arith.cmpi slt, %jit3A_601, %sign3A_616 : i32
    %sign3A_618 = arith.extui %sign3A_617 : i1 to i32
    %sign3A_619 = arith.subi %sign3A_615, %sign3A_618 : i32
    %ne3A_620 = vector.broadcast %sign3A_619 : i32 to vector<16xi32>
    %ne3A_621 = arith.cmpi ne, %sign3A_612, %ne3A_620 : vector<16xi32>
    %rem3A_622 = vector.broadcast %jit3A_601 : i32 to vector<16xi32>
    %rem3A_623 = arith.remsi %rem3A_73, %rem3A_622 : vector<16xi32>
    %ne3A_624 = arith.constant 0 : i32
    %ne3A_625 = vector.broadcast %ne3A_624 : i32 to vector<16xi32>
    %ne3A_626 = arith.cmpi ne, %rem3A_623, %ne3A_625 : vector<16xi32>
    %and3A_627 = arith.andi %ne3A_621, %ne3A_626 : vector<16xi1>
    %sub3A_628 = arith.constant 1 : i32
    %sub3A_629 = vector.broadcast %sub3A_628 : i32 to vector<16xi32>
    %sub3A_630 = arith.subi %div3A_603, %sub3A_629 : vector<16xi32>
    %select_n3A_631 = arith.select %and3A_627, %sub3A_630, %div3A_603 : vector<16xi1>, vector<16xi32>
    %mul3A_632 = arith.constant 4096 : i32
    %mul3A_633 = vector.broadcast %mul3A_632 : i32 to vector<16xi32>
    %mul3A_634 = arith.muli %select_n3A_631, %mul3A_633 : vector<16xi32>
    %rem3A_635 = arith.constant 8 : i32
    %rem3A_636 = vector.broadcast %rem3A_635 : i32 to vector<16xi32>
    %rem3A_637 = arith.remsi %rem3A_73, %rem3A_636 : vector<16xi32>
    %mul3A_638 = arith.constant 128 : i32
    %mul3A_639 = vector.broadcast %mul3A_638 : i32 to vector<16xi32>
    %mul3A_640 = arith.muli %rem3A_637, %mul3A_639 : vector<16xi32>
    %add3A_641 = arith.addi %mul3A_634, %mul3A_640 : vector<16xi32>
    %add3A_642 = arith.addi %add3A_641, %iota3A : vector<16xi32>
    %jit3A_643 = arith.constant 8 : i32
    %div3A_644 = vector.broadcast %jit3A_643 : i32 to vector<16xi32>
    %div3A_645 = arith.divsi %rem3A_79, %div3A_644 : vector<16xi32>
    %sign3A_646 = arith.constant 0 : i32
    %sign3A_647 = vector.broadcast %sign3A_646 : i32 to vector<16xi32>
    %sign3A_648 = arith.cmpi sgt, %rem3A_79, %sign3A_647 : vector<16xi32>
    %sign3A_649 = arith.extui %sign3A_648 : vector<16xi1> to vector<16xi32>
    %sign3A_650 = arith.constant 0 : i32
    %sign3A_651 = vector.broadcast %sign3A_650 : i32 to vector<16xi32>
    %sign3A_652 = arith.cmpi slt, %rem3A_79, %sign3A_651 : vector<16xi32>
    %sign3A_653 = arith.extui %sign3A_652 : vector<16xi1> to vector<16xi32>
    %sign3A_654 = arith.subi %sign3A_649, %sign3A_653 : vector<16xi32>
    %sign3A_655 = arith.constant 0 : i32
    %sign3A_656 = arith.cmpi sgt, %jit3A_643, %sign3A_655 : i32
    %sign3A_657 = arith.extui %sign3A_656 : i1 to i32
    %sign3A_658 = arith.constant 0 : i32
    %sign3A_659 = arith.cmpi slt, %jit3A_643, %sign3A_658 : i32
    %sign3A_660 = arith.extui %sign3A_659 : i1 to i32
    %sign3A_661 = arith.subi %sign3A_657, %sign3A_660 : i32
    %ne3A_662 = vector.broadcast %sign3A_661 : i32 to vector<16xi32>
    %ne3A_663 = arith.cmpi ne, %sign3A_654, %ne3A_662 : vector<16xi32>
    %rem3A_664 = vector.broadcast %jit3A_643 : i32 to vector<16xi32>
    %rem3A_665 = arith.remsi %rem3A_79, %rem3A_664 : vector<16xi32>
    %ne3A_666 = arith.constant 0 : i32
    %ne3A_667 = vector.broadcast %ne3A_666 : i32 to vector<16xi32>
    %ne3A_668 = arith.cmpi ne, %rem3A_665, %ne3A_667 : vector<16xi32>
    %and3A_669 = arith.andi %ne3A_663, %ne3A_668 : vector<16xi1>
    %sub3A_670 = arith.constant 1 : i32
    %sub3A_671 = vector.broadcast %sub3A_670 : i32 to vector<16xi32>
    %sub3A_672 = arith.subi %div3A_645, %sub3A_671 : vector<16xi32>
    %select_n3A_673 = arith.select %and3A_669, %sub3A_672, %div3A_645 : vector<16xi1>, vector<16xi32>
    %mul3A_674 = arith.constant 4096 : i32
    %mul3A_675 = vector.broadcast %mul3A_674 : i32 to vector<16xi32>
    %mul3A_676 = arith.muli %select_n3A_673, %mul3A_675 : vector<16xi32>
    %rem3A_677 = arith.constant 8 : i32
    %rem3A_678 = vector.broadcast %rem3A_677 : i32 to vector<16xi32>
    %rem3A_679 = arith.remsi %rem3A_79, %rem3A_678 : vector<16xi32>
    %mul3A_680 = arith.constant 128 : i32
    %mul3A_681 = vector.broadcast %mul3A_680 : i32 to vector<16xi32>
    %mul3A_682 = arith.muli %rem3A_679, %mul3A_681 : vector<16xi32>
    %add3A_683 = arith.addi %mul3A_676, %mul3A_682 : vector<16xi32>
    %add3A_684 = arith.addi %add3A_683, %iota3A : vector<16xi32>
    %jit3A_685 = arith.constant 8 : i32
    %div3A_686 = vector.broadcast %jit3A_685 : i32 to vector<16xi32>
    %div3A_687 = arith.divsi %rem3A_85, %div3A_686 : vector<16xi32>
    %sign3A_688 = arith.constant 0 : i32
    %sign3A_689 = vector.broadcast %sign3A_688 : i32 to vector<16xi32>
    %sign3A_690 = arith.cmpi sgt, %rem3A_85, %sign3A_689 : vector<16xi32>
    %sign3A_691 = arith.extui %sign3A_690 : vector<16xi1> to vector<16xi32>
    %sign3A_692 = arith.constant 0 : i32
    %sign3A_693 = vector.broadcast %sign3A_692 : i32 to vector<16xi32>
    %sign3A_694 = arith.cmpi slt, %rem3A_85, %sign3A_693 : vector<16xi32>
    %sign3A_695 = arith.extui %sign3A_694 : vector<16xi1> to vector<16xi32>
    %sign3A_696 = arith.subi %sign3A_691, %sign3A_695 : vector<16xi32>
    %sign3A_697 = arith.constant 0 : i32
    %sign3A_698 = arith.cmpi sgt, %jit3A_685, %sign3A_697 : i32
    %sign3A_699 = arith.extui %sign3A_698 : i1 to i32
    %sign3A_700 = arith.constant 0 : i32
    %sign3A_701 = arith.cmpi slt, %jit3A_685, %sign3A_700 : i32
    %sign3A_702 = arith.extui %sign3A_701 : i1 to i32
    %sign3A_703 = arith.subi %sign3A_699, %sign3A_702 : i32
    %ne3A_704 = vector.broadcast %sign3A_703 : i32 to vector<16xi32>
    %ne3A_705 = arith.cmpi ne, %sign3A_696, %ne3A_704 : vector<16xi32>
    %rem3A_706 = vector.broadcast %jit3A_685 : i32 to vector<16xi32>
    %rem3A_707 = arith.remsi %rem3A_85, %rem3A_706 : vector<16xi32>
    %ne3A_708 = arith.constant 0 : i32
    %ne3A_709 = vector.broadcast %ne3A_708 : i32 to vector<16xi32>
    %ne3A_710 = arith.cmpi ne, %rem3A_707, %ne3A_709 : vector<16xi32>
    %and3A_711 = arith.andi %ne3A_705, %ne3A_710 : vector<16xi1>
    %sub3A_712 = arith.constant 1 : i32
    %sub3A_713 = vector.broadcast %sub3A_712 : i32 to vector<16xi32>
    %sub3A_714 = arith.subi %div3A_687, %sub3A_713 : vector<16xi32>
    %select_n3A_715 = arith.select %and3A_711, %sub3A_714, %div3A_687 : vector<16xi1>, vector<16xi32>
    %mul3A_716 = arith.constant 4096 : i32
    %mul3A_717 = vector.broadcast %mul3A_716 : i32 to vector<16xi32>
    %mul3A_718 = arith.muli %select_n3A_715, %mul3A_717 : vector<16xi32>
    %rem3A_719 = arith.constant 8 : i32
    %rem3A_720 = vector.broadcast %rem3A_719 : i32 to vector<16xi32>
    %rem3A_721 = arith.remsi %rem3A_85, %rem3A_720 : vector<16xi32>
    %mul3A_722 = arith.constant 128 : i32
    %mul3A_723 = vector.broadcast %mul3A_722 : i32 to vector<16xi32>
    %mul3A_724 = arith.muli %rem3A_721, %mul3A_723 : vector<16xi32>
    %add3A_725 = arith.addi %mul3A_718, %mul3A_724 : vector<16xi32>
    %add3A_726 = arith.addi %add3A_725, %iota3A : vector<16xi32>
    %jit3A_727 = arith.constant 8 : i32
    %div3A_728 = vector.broadcast %jit3A_727 : i32 to vector<16xi32>
    %div3A_729 = arith.divsi %rem3A_91, %div3A_728 : vector<16xi32>
    %sign3A_730 = arith.constant 0 : i32
    %sign3A_731 = vector.broadcast %sign3A_730 : i32 to vector<16xi32>
    %sign3A_732 = arith.cmpi sgt, %rem3A_91, %sign3A_731 : vector<16xi32>
    %sign3A_733 = arith.extui %sign3A_732 : vector<16xi1> to vector<16xi32>
    %sign3A_734 = arith.constant 0 : i32
    %sign3A_735 = vector.broadcast %sign3A_734 : i32 to vector<16xi32>
    %sign3A_736 = arith.cmpi slt, %rem3A_91, %sign3A_735 : vector<16xi32>
    %sign3A_737 = arith.extui %sign3A_736 : vector<16xi1> to vector<16xi32>
    %sign3A_738 = arith.subi %sign3A_733, %sign3A_737 : vector<16xi32>
    %sign3A_739 = arith.constant 0 : i32
    %sign3A_740 = arith.cmpi sgt, %jit3A_727, %sign3A_739 : i32
    %sign3A_741 = arith.extui %sign3A_740 : i1 to i32
    %sign3A_742 = arith.constant 0 : i32
    %sign3A_743 = arith.cmpi slt, %jit3A_727, %sign3A_742 : i32
    %sign3A_744 = arith.extui %sign3A_743 : i1 to i32
    %sign3A_745 = arith.subi %sign3A_741, %sign3A_744 : i32
    %ne3A_746 = vector.broadcast %sign3A_745 : i32 to vector<16xi32>
    %ne3A_747 = arith.cmpi ne, %sign3A_738, %ne3A_746 : vector<16xi32>
    %rem3A_748 = vector.broadcast %jit3A_727 : i32 to vector<16xi32>
    %rem3A_749 = arith.remsi %rem3A_91, %rem3A_748 : vector<16xi32>
    %ne3A_750 = arith.constant 0 : i32
    %ne3A_751 = vector.broadcast %ne3A_750 : i32 to vector<16xi32>
    %ne3A_752 = arith.cmpi ne, %rem3A_749, %ne3A_751 : vector<16xi32>
    %and3A_753 = arith.andi %ne3A_747, %ne3A_752 : vector<16xi1>
    %sub3A_754 = arith.constant 1 : i32
    %sub3A_755 = vector.broadcast %sub3A_754 : i32 to vector<16xi32>
    %sub3A_756 = arith.subi %div3A_729, %sub3A_755 : vector<16xi32>
    %select_n3A_757 = arith.select %and3A_753, %sub3A_756, %div3A_729 : vector<16xi1>, vector<16xi32>
    %mul3A_758 = arith.constant 4096 : i32
    %mul3A_759 = vector.broadcast %mul3A_758 : i32 to vector<16xi32>
    %mul3A_760 = arith.muli %select_n3A_757, %mul3A_759 : vector<16xi32>
    %rem3A_761 = arith.constant 8 : i32
    %rem3A_762 = vector.broadcast %rem3A_761 : i32 to vector<16xi32>
    %rem3A_763 = arith.remsi %rem3A_91, %rem3A_762 : vector<16xi32>
    %mul3A_764 = arith.constant 128 : i32
    %mul3A_765 = vector.broadcast %mul3A_764 : i32 to vector<16xi32>
    %mul3A_766 = arith.muli %rem3A_763, %mul3A_765 : vector<16xi32>
    %add3A_767 = arith.addi %mul3A_760, %mul3A_766 : vector<16xi32>
    %add3A_768 = arith.addi %add3A_767, %iota3A : vector<16xi32>
    %jit3A_769 = arith.constant 8 : i32
    %div3A_770 = vector.broadcast %jit3A_769 : i32 to vector<16xi32>
    %div3A_771 = arith.divsi %rem3A_97, %div3A_770 : vector<16xi32>
    %sign3A_772 = arith.constant 0 : i32
    %sign3A_773 = vector.broadcast %sign3A_772 : i32 to vector<16xi32>
    %sign3A_774 = arith.cmpi sgt, %rem3A_97, %sign3A_773 : vector<16xi32>
    %sign3A_775 = arith.extui %sign3A_774 : vector<16xi1> to vector<16xi32>
    %sign3A_776 = arith.constant 0 : i32
    %sign3A_777 = vector.broadcast %sign3A_776 : i32 to vector<16xi32>
    %sign3A_778 = arith.cmpi slt, %rem3A_97, %sign3A_777 : vector<16xi32>
    %sign3A_779 = arith.extui %sign3A_778 : vector<16xi1> to vector<16xi32>
    %sign3A_780 = arith.subi %sign3A_775, %sign3A_779 : vector<16xi32>
    %sign3A_781 = arith.constant 0 : i32
    %sign3A_782 = arith.cmpi sgt, %jit3A_769, %sign3A_781 : i32
    %sign3A_783 = arith.extui %sign3A_782 : i1 to i32
    %sign3A_784 = arith.constant 0 : i32
    %sign3A_785 = arith.cmpi slt, %jit3A_769, %sign3A_784 : i32
    %sign3A_786 = arith.extui %sign3A_785 : i1 to i32
    %sign3A_787 = arith.subi %sign3A_783, %sign3A_786 : i32
    %ne3A_788 = vector.broadcast %sign3A_787 : i32 to vector<16xi32>
    %ne3A_789 = arith.cmpi ne, %sign3A_780, %ne3A_788 : vector<16xi32>
    %rem3A_790 = vector.broadcast %jit3A_769 : i32 to vector<16xi32>
    %rem3A_791 = arith.remsi %rem3A_97, %rem3A_790 : vector<16xi32>
    %ne3A_792 = arith.constant 0 : i32
    %ne3A_793 = vector.broadcast %ne3A_792 : i32 to vector<16xi32>
    %ne3A_794 = arith.cmpi ne, %rem3A_791, %ne3A_793 : vector<16xi32>
    %and3A_795 = arith.andi %ne3A_789, %ne3A_794 : vector<16xi1>
    %sub3A_796 = arith.constant 1 : i32
    %sub3A_797 = vector.broadcast %sub3A_796 : i32 to vector<16xi32>
    %sub3A_798 = arith.subi %div3A_771, %sub3A_797 : vector<16xi32>
    %select_n3A_799 = arith.select %and3A_795, %sub3A_798, %div3A_771 : vector<16xi1>, vector<16xi32>
    %mul3A_800 = arith.constant 4096 : i32
    %mul3A_801 = vector.broadcast %mul3A_800 : i32 to vector<16xi32>
    %mul3A_802 = arith.muli %select_n3A_799, %mul3A_801 : vector<16xi32>
    %rem3A_803 = arith.constant 8 : i32
    %rem3A_804 = vector.broadcast %rem3A_803 : i32 to vector<16xi32>
    %rem3A_805 = arith.remsi %rem3A_97, %rem3A_804 : vector<16xi32>
    %mul3A_806 = arith.constant 128 : i32
    %mul3A_807 = vector.broadcast %mul3A_806 : i32 to vector<16xi32>
    %mul3A_808 = arith.muli %rem3A_805, %mul3A_807 : vector<16xi32>
    %add3A_809 = arith.addi %mul3A_802, %mul3A_808 : vector<16xi32>
    %add3A_810 = arith.addi %add3A_809, %iota3A : vector<16xi32>
    %dma_start3A = arith.constant 0 : i32
    %dma_start3A_811 = arith.constant 0 : i32
    %dma_start3A_812 = tpu.memref_slice %arg5[%dma_start3A, %dma_start3A_811] : memref<50x512xi32, #tpu.memory_space<vmem>> -> memref<1x512xi32, #tpu.memory_space<vmem>>
    %dma_start3A_813 = tpu.memref_squeeze %dma_start3A_812 : memref<1x512xi32, #tpu.memory_space<vmem>> -> memref<512xi32, #tpu.memory_space<vmem>>
    %dma_start3A_814 = arith.constant 0 : i32
    %dma_start3A_815 = arith.constant 0 : i32
    %dma_start3A_816 = tpu.memref_slice %arg2[%dma_start3A_814, %dma_start3A_815] : memref<1000000x32xf32, #tpu.memory_space<hbm>> -> memref<1000000x32xf32, #tpu.memory_space<hbm>>
    tpu.enqueue_indirect_dma source(%dma_start3A_816 : memref<1000000x32xf32, #tpu.memory_space<hbm>>) target(%arg6 : memref<512x32xf32, #tpu.memory_space<vmem>>) offsets(%dma_start3A_813 : memref<512xi32, #tpu.memory_space<vmem>>) semaphore(%arg10 : memref<!tpu.dma_semaphore, #tpu.memory_space<semaphore_mem>>)
    %dma_start3A_817 = arith.constant 1 : i32
    %dma_start3A_818 = arith.constant 0 : i32
    %dma_start3A_819 = tpu.memref_slice %arg5[%dma_start3A_817, %dma_start3A_818] : memref<50x512xi32, #tpu.memory_space<vmem>> -> memref<1x512xi32, #tpu.memory_space<vmem>>
    %dma_start3A_820 = tpu.memref_squeeze %dma_start3A_819 : memref<1x512xi32, #tpu.memory_space<vmem>> -> memref<512xi32, #tpu.memory_space<vmem>>
    %dma_start3A_821 = arith.constant 0 : i32
    %dma_start3A_822 = arith.constant 0 : i32
    %dma_start3A_823 = tpu.memref_slice %arg2[%dma_start3A_821, %dma_start3A_822] : memref<1000000x32xf32, #tpu.memory_space<hbm>> -> memref<1000000x32xf32, #tpu.memory_space<hbm>>
    tpu.enqueue_indirect_dma source(%dma_start3A_823 : memref<1000000x32xf32, #tpu.memory_space<hbm>>) target(%arg7 : memref<512x32xf32, #tpu.memory_space<vmem>>) offsets(%dma_start3A_820 : memref<512xi32, #tpu.memory_space<vmem>>) semaphore(%arg11 : memref<!tpu.dma_semaphore, #tpu.memory_space<semaphore_mem>>)
    %scan3A = arith.constant 0 : i32
    %scan3A_824 = arith.constant 0 : i32
    %scan3A_825 = arith.constant 25 : i32
    %scan3A_826 = arith.addi %scan3A_824, %scan3A_825 : i32
    %scan3A_827 = arith.constant 1 : i32
    %scan3A_828 = scf.for %scan3A_853 = %scan3A_824 to %scan3A_826 step %scan3A_827 iter_args(%scan3A_854 = %scan3A) -> (i32)  : i32 {
      %mul3A_855 = arith.constant 2 : i32
      %mul3A_856 = arith.muli %scan3A_853, %mul3A_855 : i32
      %add3A_857 = arith.constant 0 : i32
      %add3A_858 = arith.addi %mul3A_856, %add3A_857 : i32
      %dma_wait3A_859 = arith.constant 0 : i32
      %dma_wait3A_860 = tpu.memref_slice %arg5[%add3A_858, %dma_wait3A_859] : memref<50x512xi32, #tpu.memory_space<vmem>> -> memref<1x512xi32, #tpu.memory_space<vmem>>
      %dma_wait3A_861 = tpu.memref_squeeze %dma_wait3A_860 : memref<1x512xi32, #tpu.memory_space<vmem>> -> memref<512xi32, #tpu.memory_space<vmem>>
      %dma_wait3A_862 = arith.constant 0 : i32
      %dma_wait3A_863 = arith.constant 0 : i32
      %dma_wait3A_864 = tpu.memref_slice %arg2[%dma_wait3A_862, %dma_wait3A_863] : memref<1000000x32xf32, #tpu.memory_space<hbm>> -> memref<1000000x32xf32, #tpu.memory_space<hbm>>
      tpu.wait_indirect_dma semaphore(%arg10 : memref<!tpu.dma_semaphore, #tpu.memory_space<semaphore_mem>>) src(%dma_wait3A_864 : memref<1000000x32xf32, #tpu.memory_space<hbm>>) dst(%arg6 : memref<512x32xf32, #tpu.memory_space<vmem>>)
      %ge3A = arith.constant 2 : i32
      %ge3A_865 = arith.cmpi sge, %add3A_858, %ge3A : i32
      %convert_element_type3A = arith.extui %ge3A_865 : i1 to i32
      %cond3A = arith.constant 0 : i32
      %cond3A_866 = arith.cmpi ne, %convert_element_type3A, %cond3A : i32
      scf.if %cond3A_866 {
        %dma_wait3A_1052 = arith.constant 0 : i32
        %dma_wait3A_1053 = arith.constant 0 : i32
        %dma_wait3A_1054 = arith.constant 0 : i32
        %dma_wait3A_1055 = tpu.memref_slice %arg8[%dma_wait3A_1054] : memref<16640xf32, #tpu.memory_space<vmem>> -> memref<16384xf32, #tpu.memory_space<vmem>>
        %dma_wait3A_1056 = arith.constant 0 : i32
        %dma_wait3A_1057 = tpu.memref_slice %arg4[%dma_wait3A_1052, %dma_wait3A_1053, %dma_wait3A_1056] : memref<50x4x131072xf32, #tpu.memory_space<hbm>> -> memref<1x1x16384xf32, #tpu.memory_space<hbm>>
        %dma_wait3A_1058 = tpu.memref_squeeze %dma_wait3A_1057 : memref<1x1x16384xf32, #tpu.memory_space<hbm>> -> memref<16384xf32, #tpu.memory_space<hbm>>
        %dma_wait3A_1059 = arith.constant 0 : i32
        %dma_wait3A_1060 = tpu.memref_slice %arg4[%dma_wait3A_1052, %dma_wait3A_1053, %dma_wait3A_1059] : memref<50x4x131072xf32, #tpu.memory_space<hbm>> -> memref<1x1x16384xf32, #tpu.memory_space<hbm>>
        %dma_wait3A_1061 = tpu.memref_squeeze %dma_wait3A_1060 : memref<1x1x16384xf32, #tpu.memory_space<hbm>> -> memref<16384xf32, #tpu.memory_space<hbm>>
        %dma_wait3A_1062 = arith.constant 0 : i32
        %dma_wait3A_1063 = tpu.memref_slice %arg8[%dma_wait3A_1062] : memref<16640xf32, #tpu.memory_space<vmem>> -> memref<16384xf32, #tpu.memory_space<vmem>>
        tpu.wait_dma2 semaphore(%arg12 : memref<!tpu.dma_semaphore, #tpu.memory_space<semaphore_mem>>) src(%dma_wait3A_1063 : memref<16384xf32, #tpu.memory_space<vmem>>) dst(%dma_wait3A_1061 : memref<16384xf32, #tpu.memory_space<hbm>>)
      } else {
      }
      %scan3A_867 = arith.constant 0 : i32
      %scan3A_868 = arith.constant 0 : i32
      %scan3A_869 = arith.constant 32 : i32
      %scan3A_870 = arith.addi %scan3A_868, %scan3A_869 : i32
      %scan3A_871 = arith.constant 1 : i32
      %scan3A_872 = scf.for %scan3A_1052 = %scan3A_868 to %scan3A_870 step %scan3A_871 iter_args(%scan3A_1053 = %scan3A_867) -> (i32)  : i32 {
        %mul3A_1054 = arith.constant 16 : i32
        %mul3A_1055 = arith.muli %scan3A_1052, %mul3A_1054 : i32
        %jit3A_1056 = arith.constant 8 : i32
        %div3A_1057 = arith.divsi %scan3A_1052, %jit3A_1056 : i32
        %sign3A_1058 = arith.constant 0 : i32
        %sign3A_1059 = arith.cmpi sgt, %scan3A_1052, %sign3A_1058 : i32
        %sign3A_1060 = arith.extui %sign3A_1059 : i1 to i32
        %sign3A_1061 = arith.constant 0 : i32
        %sign3A_1062 = arith.cmpi slt, %scan3A_1052, %sign3A_1061 : i32
        %sign3A_1063 = arith.extui %sign3A_1062 : i1 to i32
        %sign3A_1064 = arith.subi %sign3A_1060, %sign3A_1063 : i32
        %sign3A_1065 = arith.constant 0 : i32
        %sign3A_1066 = arith.cmpi sgt, %jit3A_1056, %sign3A_1065 : i32
        %sign3A_1067 = arith.extui %sign3A_1066 : i1 to i32
        %sign3A_1068 = arith.constant 0 : i32
        %sign3A_1069 = arith.cmpi slt, %jit3A_1056, %sign3A_1068 : i32
        %sign3A_1070 = arith.extui %sign3A_1069 : i1 to i32
        %sign3A_1071 = arith.subi %sign3A_1067, %sign3A_1070 : i32
        %ne3A_1072 = arith.cmpi ne, %sign3A_1064, %sign3A_1071 : i32
        %rem3A_1073 = arith.remsi %scan3A_1052, %jit3A_1056 : i32
        %ne3A_1074 = arith.constant 0 : i32
        %ne3A_1075 = arith.cmpi ne, %rem3A_1073, %ne3A_1074 : i32
        %and3A_1076 = arith.andi %ne3A_1072, %ne3A_1075 : i1
        %sub3A_1077 = arith.constant 1 : i32
        %sub3A_1078 = arith.subi %div3A_1057, %sub3A_1077 : i32
        %select_n3A_1079 = arith.select %and3A_1076, %sub3A_1078, %div3A_1057 : i32
        %mul3A_1080 = arith.constant 1024 : i32
        %mul3A_1081 = arith.muli %select_n3A_1079, %mul3A_1080 : i32
        %rem3A_1082 = arith.constant 8 : i32
        %rem3A_1083 = arith.remsi %scan3A_1052, %rem3A_1082 : i32
        %mul3A_1084 = arith.constant 16 : i32
        %mul3A_1085 = arith.muli %rem3A_1083, %mul3A_1084 : i32
        %add3A_1086 = arith.addi %mul3A_1081, %mul3A_1085 : i32
        %add3A_1087 = vector.broadcast %mul3A_1055 : i32 to vector<16xi32>
        %add3A_1088 = arith.addi %iota3A, %add3A_1087 : vector<16xi32>
        %add3A_1089 = arith.constant 8192 : i32
        %add3A_1090 = arith.addi %add3A_1086, %add3A_1089 : i32
        %gather3A = tpu.vector_load_idx %arg6[%add3A_1088, %rem3A_7] : memref<512x32xf32, #tpu.memory_space<vmem>>[vector<16xi32>, vector<16xi32>], vector<16xf32>,
        %scatter3A = tpu.memref_slice %arg8[%add3A_1086] : memref<16640xf32, #tpu.memory_space<vmem>> -> memref<5120xf32, #tpu.memory_space<vmem>>
        tpu.vector_store_idx %scatter3A[%add3A_180], %gather3A : memref<5120xf32, #tpu.memory_space<vmem>>[vector<16xi32>], vector<16xf32>,
        %gather3A_1091 = tpu.vector_load_idx %arg6[%add3A_1088, %add3A_100] : memref<512x32xf32, #tpu.memory_space<vmem>>[vector<16xi32>, vector<16xi32>], vector<16xf32>,
        %scatter3A_1092 = tpu.memref_slice %arg8[%add3A_1090] : memref<16640xf32, #tpu.memory_space<vmem>> -> memref<5120xf32, #tpu.memory_space<vmem>>
        tpu.vector_store_idx %scatter3A_1092[%add3A_180], %gather3A_1091 : memref<5120xf32, #tpu.memory_space<vmem>>[vector<16xi32>], vector<16xf32>,
        %gather3A_1093 = tpu.vector_load_idx %arg6[%add3A_1088, %rem3A_13] : memref<512x32xf32, #tpu.memory_space<vmem>>[vector<16xi32>, vector<16xi32>], vector<16xf32>,
        %scatter3A_1094 = tpu.memref_slice %arg8[%add3A_1086] : memref<16640xf32, #tpu.memory_space<vmem>> -> memref<5120xf32, #tpu.memory_space<vmem>>
        tpu.vector_store_idx %scatter3A_1094[%add3A_222], %gather3A_1093 : memref<5120xf32, #tpu.memory_space<vmem>>[vector<16xi32>], vector<16xf32>,
        %gather3A_1095 = tpu.vector_load_idx %arg6[%add3A_1088, %add3A_103] : memref<512x32xf32, #tpu.memory_space<vmem>>[vector<16xi32>, vector<16xi32>], vector<16xf32>,
        %scatter3A_1096 = tpu.memref_slice %arg8[%add3A_1090] : memref<16640xf32, #tpu.memory_space<vmem>> -> memref<5120xf32, #tpu.memory_space<vmem>>
        tpu.vector_store_idx %scatter3A_1096[%add3A_222], %gather3A_1095 : memref<5120xf32, #tpu.memory_space<vmem>>[vector<16xi32>], vector<16xf32>,
        %gather3A_1097 = tpu.vector_load_idx %arg6[%add3A_1088, %rem3A_19] : memref<512x32xf32, #tpu.memory_space<vmem>>[vector<16xi32>, vector<16xi32>], vector<16xf32>,
        %scatter3A_1098 = tpu.memref_slice %arg8[%add3A_1086] : memref<16640xf32, #tpu.memory_space<vmem>> -> memref<5120xf32, #tpu.memory_space<vmem>>
        tpu.vector_store_idx %scatter3A_1098[%add3A_264], %gather3A_1097 : memref<5120xf32, #tpu.memory_space<vmem>>[vector<16xi32>], vector<16xf32>,
        %gather3A_1099 = tpu.vector_load_idx %arg6[%add3A_1088, %add3A_106] : memref<512x32xf32, #tpu.memory_space<vmem>>[vector<16xi32>, vector<16xi32>], vector<16xf32>,
        %scatter3A_1100 = tpu.memref_slice %arg8[%add3A_1090] : memref<16640xf32, #tpu.memory_space<vmem>> -> memref<5120xf32, #tpu.memory_space<vmem>>
        tpu.vector_store_idx %scatter3A_1100[%add3A_264], %gather3A_1099 : memref<5120xf32, #tpu.memory_space<vmem>>[vector<16xi32>], vector<16xf32>,
        %gather3A_1101 = tpu.vector_load_idx %arg6[%add3A_1088, %rem3A_25] : memref<512x32xf32, #tpu.memory_space<vmem>>[vector<16xi32>, vector<16xi32>], vector<16xf32>,
        %scatter3A_1102 = tpu.memref_slice %arg8[%add3A_1086] : memref<16640xf32, #tpu.memory_space<vmem>> -> memref<5120xf32, #tpu.memory_space<vmem>>
        tpu.vector_store_idx %scatter3A_1102[%add3A_306], %gather3A_1101 : memref<5120xf32, #tpu.memory_space<vmem>>[vector<16xi32>], vector<16xf32>,
        %gather3A_1103 = tpu.vector_load_idx %arg6[%add3A_1088, %add3A_109] : memref<512x32xf32, #tpu.memory_space<vmem>>[vector<16xi32>, vector<16xi32>], vector<16xf32>,
        %scatter3A_1104 = tpu.memref_slice %arg8[%add3A_1090] : memref<16640xf32, #tpu.memory_space<vmem>> -> memref<5120xf32, #tpu.memory_space<vmem>>
        tpu.vector_store_idx %scatter3A_1104[%add3A_306], %gather3A_1103 : memref<5120xf32, #tpu.memory_space<vmem>>[vector<16xi32>], vector<16xf32>,
        %gather3A_1105 = tpu.vector_load_idx %arg6[%add3A_1088, %rem3A_31] : memref<512x32xf32, #tpu.memory_space<vmem>>[vector<16xi32>, vector<16xi32>], vector<16xf32>,
        %scatter3A_1106 = tpu.memref_slice %arg8[%add3A_1086] : memref<16640xf32, #tpu.memory_space<vmem>> -> memref<5120xf32, #tpu.memory_space<vmem>>
        tpu.vector_store_idx %scatter3A_1106[%add3A_348], %gather3A_1105 : memref<5120xf32, #tpu.memory_space<vmem>>[vector<16xi32>], vector<16xf32>,
        %gather3A_1107 = tpu.vector_load_idx %arg6[%add3A_1088, %add3A_112] : memref<512x32xf32, #tpu.memory_space<vmem>>[vector<16xi32>, vector<16xi32>], vector<16xf32>,
        %scatter3A_1108 = tpu.memref_slice %arg8[%add3A_1090] : memref<16640xf32, #tpu.memory_space<vmem>> -> memref<5120xf32, #tpu.memory_space<vmem>>
        tpu.vector_store_idx %scatter3A_1108[%add3A_348], %gather3A_1107 : memref<5120xf32, #tpu.memory_space<vmem>>[vector<16xi32>], vector<16xf32>,
        %gather3A_1109 = tpu.vector_load_idx %arg6[%add3A_1088, %rem3A_37] : memref<512x32xf32, #tpu.memory_space<vmem>>[vector<16xi32>, vector<16xi32>], vector<16xf32>,
        %scatter3A_1110 = tpu.memref_slice %arg8[%add3A_1086] : memref<16640xf32, #tpu.memory_space<vmem>> -> memref<5120xf32, #tpu.memory_space<vmem>>
        tpu.vector_store_idx %scatter3A_1110[%add3A_390], %gather3A_1109 : memref<5120xf32, #tpu.memory_space<vmem>>[vector<16xi32>], vector<16xf32>,
        %gather3A_1111 = tpu.vector_load_idx %arg6[%add3A_1088, %add3A_115] : memref<512x32xf32, #tpu.memory_space<vmem>>[vector<16xi32>, vector<16xi32>], vector<16xf32>,
        %scatter3A_1112 = tpu.memref_slice %arg8[%add3A_1090] : memref<16640xf32, #tpu.memory_space<vmem>> -> memref<5120xf32, #tpu.memory_space<vmem>>
        tpu.vector_store_idx %scatter3A_1112[%add3A_390], %gather3A_1111 : memref<5120xf32, #tpu.memory_space<vmem>>[vector<16xi32>], vector<16xf32>,
        %gather3A_1113 = tpu.vector_load_idx %arg6[%add3A_1088, %rem3A_43] : memref<512x32xf32, #tpu.memory_space<vmem>>[vector<16xi32>, vector<16xi32>], vector<16xf32>,
        %scatter3A_1114 = tpu.memref_slice %arg8[%add3A_1086] : memref<16640xf32, #tpu.memory_space<vmem>> -> memref<5120xf32, #tpu.memory_space<vmem>>
        tpu.vector_store_idx %scatter3A_1114[%add3A_432], %gather3A_1113 : memref<5120xf32, #tpu.memory_space<vmem>>[vector<16xi32>], vector<16xf32>,
        %gather3A_1115 = tpu.vector_load_idx %arg6[%add3A_1088, %add3A_118] : memref<512x32xf32, #tpu.memory_space<vmem>>[vector<16xi32>, vector<16xi32>], vector<16xf32>,
        %scatter3A_1116 = tpu.memref_slice %arg8[%add3A_1090] : memref<16640xf32, #tpu.memory_space<vmem>> -> memref<5120xf32, #tpu.memory_space<vmem>>
        tpu.vector_store_idx %scatter3A_1116[%add3A_432], %gather3A_1115 : memref<5120xf32, #tpu.memory_space<vmem>>[vector<16xi32>], vector<16xf32>,
        %gather3A_1117 = tpu.vector_load_idx %arg6[%add3A_1088, %rem3A_49] : memref<512x32xf32, #tpu.memory_space<vmem>>[vector<16xi32>, vector<16xi32>], vector<16xf32>,
        %scatter3A_1118 = tpu.memref_slice %arg8[%add3A_1086] : memref<16640xf32, #tpu.memory_space<vmem>> -> memref<5120xf32, #tpu.memory_space<vmem>>
        tpu.vector_store_idx %scatter3A_1118[%add3A_474], %gather3A_1117 : memref<5120xf32, #tpu.memory_space<vmem>>[vector<16xi32>], vector<16xf32>,
        %gather3A_1119 = tpu.vector_load_idx %arg6[%add3A_1088, %add3A_121] : memref<512x32xf32, #tpu.memory_space<vmem>>[vector<16xi32>, vector<16xi32>], vector<16xf32>,
        %scatter3A_1120 = tpu.memref_slice %arg8[%add3A_1090] : memref<16640xf32, #tpu.memory_space<vmem>> -> memref<5120xf32, #tpu.memory_space<vmem>>
        tpu.vector_store_idx %scatter3A_1120[%add3A_474], %gather3A_1119 : memref<5120xf32, #tpu.memory_space<vmem>>[vector<16xi32>], vector<16xf32>,
        %gather3A_1121 = tpu.vector_load_idx %arg6[%add3A_1088, %rem3A_55] : memref<512x32xf32, #tpu.memory_space<vmem>>[vector<16xi32>, vector<16xi32>], vector<16xf32>,
        %scatter3A_1122 = tpu.memref_slice %arg8[%add3A_1086] : memref<16640xf32, #tpu.memory_space<vmem>> -> memref<5120xf32, #tpu.memory_space<vmem>>
        tpu.vector_store_idx %scatter3A_1122[%add3A_516], %gather3A_1121 : memref<5120xf32, #tpu.memory_space<vmem>>[vector<16xi32>], vector<16xf32>,
        %gather3A_1123 = tpu.vector_load_idx %arg6[%add3A_1088, %add3A_124] : memref<512x32xf32, #tpu.memory_space<vmem>>[vector<16xi32>, vector<16xi32>], vector<16xf32>,
        %scatter3A_1124 = tpu.memref_slice %arg8[%add3A_1090] : memref<16640xf32, #tpu.memory_space<vmem>> -> memref<5120xf32, #tpu.memory_space<vmem>>
        tpu.vector_store_idx %scatter3A_1124[%add3A_516], %gather3A_1123 : memref<5120xf32, #tpu.memory_space<vmem>>[vector<16xi32>], vector<16xf32>,
        %gather3A_1125 = tpu.vector_load_idx %arg6[%add3A_1088, %rem3A_61] : memref<512x32xf32, #tpu.memory_space<vmem>>[vector<16xi32>, vector<16xi32>], vector<16xf32>,
        %scatter3A_1126 = tpu.memref_slice %arg8[%add3A_1086] : memref<16640xf32, #tpu.memory_space<vmem>> -> memref<5120xf32, #tpu.memory_space<vmem>>
        tpu.vector_store_idx %scatter3A_1126[%add3A_558], %gather3A_1125 : memref<5120xf32, #tpu.memory_space<vmem>>[vector<16xi32>], vector<16xf32>,
        %gather3A_1127 = tpu.vector_load_idx %arg6[%add3A_1088, %add3A_127] : memref<512x32xf32, #tpu.memory_space<vmem>>[vector<16xi32>, vector<16xi32>], vector<16xf32>,
        %scatter3A_1128 = tpu.memref_slice %arg8[%add3A_1090] : memref<16640xf32, #tpu.memory_space<vmem>> -> memref<5120xf32, #tpu.memory_space<vmem>>
        tpu.vector_store_idx %scatter3A_1128[%add3A_558], %gather3A_1127 : memref<5120xf32, #tpu.memory_space<vmem>>[vector<16xi32>], vector<16xf32>,
        %gather3A_1129 = tpu.vector_load_idx %arg6[%add3A_1088, %rem3A_67] : memref<512x32xf32, #tpu.memory_space<vmem>>[vector<16xi32>, vector<16xi32>], vector<16xf32>,
        %scatter3A_1130 = tpu.memref_slice %arg8[%add3A_1086] : memref<16640xf32, #tpu.memory_space<vmem>> -> memref<5120xf32, #tpu.memory_space<vmem>>
        tpu.vector_store_idx %scatter3A_1130[%add3A_600], %gather3A_1129 : memref<5120xf32, #tpu.memory_space<vmem>>[vector<16xi32>], vector<16xf32>,
        %gather3A_1131 = tpu.vector_load_idx %arg6[%add3A_1088, %add3A_130] : memref<512x32xf32, #tpu.memory_space<vmem>>[vector<16xi32>, vector<16xi32>], vector<16xf32>,
        %scatter3A_1132 = tpu.memref_slice %arg8[%add3A_1090] : memref<16640xf32, #tpu.memory_space<vmem>> -> memref<5120xf32, #tpu.memory_space<vmem>>
        tpu.vector_store_idx %scatter3A_1132[%add3A_600], %gather3A_1131 : memref<5120xf32, #tpu.memory_space<vmem>>[vector<16xi32>], vector<16xf32>,
        %gather3A_1133 = tpu.vector_load_idx %arg6[%add3A_1088, %rem3A_73] : memref<512x32xf32, #tpu.memory_space<vmem>>[vector<16xi32>, vector<16xi32>], vector<16xf32>,
        %scatter3A_1134 = tpu.memref_slice %arg8[%add3A_1086] : memref<16640xf32, #tpu.memory_space<vmem>> -> memref<5120xf32, #tpu.memory_space<vmem>>
        tpu.vector_store_idx %scatter3A_1134[%add3A_642], %gather3A_1133 : memref<5120xf32, #tpu.memory_space<vmem>>[vector<16xi32>], vector<16xf32>,
        %gather3A_1135 = tpu.vector_load_idx %arg6[%add3A_1088, %add3A_133] : memref<512x32xf32, #tpu.memory_space<vmem>>[vector<16xi32>, vector<16xi32>], vector<16xf32>,
        %scatter3A_1136 = tpu.memref_slice %arg8[%add3A_1090] : memref<16640xf32, #tpu.memory_space<vmem>> -> memref<5120xf32, #tpu.memory_space<vmem>>
        tpu.vector_store_idx %scatter3A_1136[%add3A_642], %gather3A_1135 : memref<5120xf32, #tpu.memory_space<vmem>>[vector<16xi32>], vector<16xf32>,
        %gather3A_1137 = tpu.vector_load_idx %arg6[%add3A_1088, %rem3A_79] : memref<512x32xf32, #tpu.memory_space<vmem>>[vector<16xi32>, vector<16xi32>], vector<16xf32>,
        %scatter3A_1138 = tpu.memref_slice %arg8[%add3A_1086] : memref<16640xf32, #tpu.memory_space<vmem>> -> memref<5120xf32, #tpu.memory_space<vmem>>
        tpu.vector_store_idx %scatter3A_1138[%add3A_684], %gather3A_1137 : memref<5120xf32, #tpu.memory_space<vmem>>[vector<16xi32>], vector<16xf32>,
        %gather3A_1139 = tpu.vector_load_idx %arg6[%add3A_1088, %add3A_136] : memref<512x32xf32, #tpu.memory_space<vmem>>[vector<16xi32>, vector<16xi32>], vector<16xf32>,
        %scatter3A_1140 = tpu.memref_slice %arg8[%add3A_1090] : memref<16640xf32, #tpu.memory_space<vmem>> -> memref<5120xf32, #tpu.memory_space<vmem>>
        tpu.vector_store_idx %scatter3A_1140[%add3A_684], %gather3A_1139 : memref<5120xf32, #tpu.memory_space<vmem>>[vector<16xi32>], vector<16xf32>,
        %gather3A_1141 = tpu.vector_load_idx %arg6[%add3A_1088, %rem3A_85] : memref<512x32xf32, #tpu.memory_space<vmem>>[vector<16xi32>, vector<16xi32>], vector<16xf32>,
        %scatter3A_1142 = tpu.memref_slice %arg8[%add3A_1086] : memref<16640xf32, #tpu.memory_space<vmem>> -> memref<5120xf32, #tpu.memory_space<vmem>>
        tpu.vector_store_idx %scatter3A_1142[%add3A_726], %gather3A_1141 : memref<5120xf32, #tpu.memory_space<vmem>>[vector<16xi32>], vector<16xf32>,
        %gather3A_1143 = tpu.vector_load_idx %arg6[%add3A_1088, %add3A_139] : memref<512x32xf32, #tpu.memory_space<vmem>>[vector<16xi32>, vector<16xi32>], vector<16xf32>,
        %scatter3A_1144 = tpu.memref_slice %arg8[%add3A_1090] : memref<16640xf32, #tpu.memory_space<vmem>> -> memref<5120xf32, #tpu.memory_space<vmem>>
        tpu.vector_store_idx %scatter3A_1144[%add3A_726], %gather3A_1143 : memref<5120xf32, #tpu.memory_space<vmem>>[vector<16xi32>], vector<16xf32>,
        %gather3A_1145 = tpu.vector_load_idx %arg6[%add3A_1088, %rem3A_91] : memref<512x32xf32, #tpu.memory_space<vmem>>[vector<16xi32>, vector<16xi32>], vector<16xf32>,
        %scatter3A_1146 = tpu.memref_slice %arg8[%add3A_1086] : memref<16640xf32, #tpu.memory_space<vmem>> -> memref<5120xf32, #tpu.memory_space<vmem>>
        tpu.vector_store_idx %scatter3A_1146[%add3A_768], %gather3A_1145 : memref<5120xf32, #tpu.memory_space<vmem>>[vector<16xi32>], vector<16xf32>,
        %gather3A_1147 = tpu.vector_load_idx %arg6[%add3A_1088, %add3A_142] : memref<512x32xf32, #tpu.memory_space<vmem>>[vector<16xi32>, vector<16xi32>], vector<16xf32>,
        %scatter3A_1148 = tpu.memref_slice %arg8[%add3A_1090] : memref<16640xf32, #tpu.memory_space<vmem>> -> memref<5120xf32, #tpu.memory_space<vmem>>
        tpu.vector_store_idx %scatter3A_1148[%add3A_768], %gather3A_1147 : memref<5120xf32, #tpu.memory_space<vmem>>[vector<16xi32>], vector<16xf32>,
        %gather3A_1149 = tpu.vector_load_idx %arg6[%add3A_1088, %rem3A_97] : memref<512x32xf32, #tpu.memory_space<vmem>>[vector<16xi32>, vector<16xi32>], vector<16xf32>,
        %scatter3A_1150 = tpu.memref_slice %arg8[%add3A_1086] : memref<16640xf32, #tpu.memory_space<vmem>> -> memref<5120xf32, #tpu.memory_space<vmem>>
        tpu.vector_store_idx %scatter3A_1150[%add3A_810], %gather3A_1149 : memref<5120xf32, #tpu.memory_space<vmem>>[vector<16xi32>], vector<16xf32>,
        %gather3A_1151 = tpu.vector_load_idx %arg6[%add3A_1088, %add3A_145] : memref<512x32xf32, #tpu.memory_space<vmem>>[vector<16xi32>, vector<16xi32>], vector<16xf32>,
        %scatter3A_1152 = tpu.memref_slice %arg8[%add3A_1090] : memref<16640xf32, #tpu.memory_space<vmem>> -> memref<5120xf32, #tpu.memory_space<vmem>>
        tpu.vector_store_idx %scatter3A_1152[%add3A_810], %gather3A_1151 : memref<5120xf32, #tpu.memory_space<vmem>>[vector<16xi32>], vector<16xf32>,
        %scan3A_1153 = arith.constant 0 : i32
        scf.yield %scan3A_1153 : i32
      }
      %scan3A_873 = arith.constant 32 : i32
      %add3A_874 = arith.addi %mul3A_2, %add3A_858 : i32
      %jit3A_875 = arith.constant 32 : i32
      %div3A_876 = arith.divsi %add3A_874, %jit3A_875 : i32
      %sign3A_877 = arith.constant 0 : i32
      %sign3A_878 = arith.cmpi sgt, %add3A_874, %sign3A_877 : i32
      %sign3A_879 = arith.extui %sign3A_878 : i1 to i32
      %sign3A_880 = arith.constant 0 : i32
      %sign3A_881 = arith.cmpi slt, %add3A_874, %sign3A_880 : i32
      %sign3A_882 = arith.extui %sign3A_881 : i1 to i32
      %sign3A_883 = arith.subi %sign3A_879, %sign3A_882 : i32
      %sign3A_884 = arith.constant 0 : i32
      %sign3A_885 = arith.cmpi sgt, %jit3A_875, %sign3A_884 : i32
      %sign3A_886 = arith.extui %sign3A_885 : i1 to i32
      %sign3A_887 = arith.constant 0 : i32
      %sign3A_888 = arith.cmpi slt, %jit3A_875, %sign3A_887 : i32
      %sign3A_889 = arith.extui %sign3A_888 : i1 to i32
      %sign3A_890 = arith.subi %sign3A_886, %sign3A_889 : i32
      %ne3A_891 = arith.cmpi ne, %sign3A_883, %sign3A_890 : i32
      %rem3A_892 = arith.remsi %add3A_874, %jit3A_875 : i32
      %ne3A_893 = arith.constant 0 : i32
      %ne3A_894 = arith.cmpi ne, %rem3A_892, %ne3A_893 : i32
      %and3A_895 = arith.andi %ne3A_891, %ne3A_894 : i1
      %sub3A_896 = arith.constant 1 : i32
      %sub3A_897 = arith.subi %div3A_876, %sub3A_896 : i32
      %select_n3A_898 = arith.select %and3A_895, %sub3A_897, %div3A_876 : i32
      %rem3A_899 = arith.constant 32 : i32
      %rem3A_900 = arith.remsi %add3A_874, %rem3A_899 : i32
      %mul3A_901 = arith.constant 4096 : i32
      %mul3A_902 = arith.muli %rem3A_900, %mul3A_901 : i32
      %dma_start3A_903 = arith.constant 0 : i32
      %dma_start3A_904 = arith.constant 0 : i32
      %dma_start3A_905 = tpu.memref_slice %arg8[%dma_start3A_904] : memref<16640xf32, #tpu.memory_space<vmem>> -> memref<4096xf32, #tpu.memory_space<vmem>>
      %dma_start3A_906 = tpu.memref_slice %arg4[%select_n3A_898, %dma_start3A_903, %mul3A_902] : memref<50x4x131072xf32, #tpu.memory_space<hbm>> -> memref<1x1x4096xf32, #tpu.memory_space<hbm>>
      %dma_start3A_907 = tpu.memref_squeeze %dma_start3A_906 : memref<1x1x4096xf32, #tpu.memory_space<hbm>> -> memref<4096xf32, #tpu.memory_space<hbm>>
      %dma_start3A_908 = tpu.memref_slice %arg4[%select_n3A_898, %dma_start3A_903, %mul3A_902] : memref<50x4x131072xf32, #tpu.memory_space<hbm>> -> memref<1x1x4096xf32, #tpu.memory_space<hbm>>
      %dma_start3A_909 = tpu.memref_squeeze %dma_start3A_908 : memref<1x1x4096xf32, #tpu.memory_space<hbm>> -> memref<4096xf32, #tpu.memory_space<hbm>>
      %dma_start3A_910 = arith.constant 0 : i32
      %dma_start3A_911 = tpu.memref_slice %arg8[%dma_start3A_910] : memref<16640xf32, #tpu.memory_space<vmem>> -> memref<4096xf32, #tpu.memory_space<vmem>>
      tpu.enqueue_dma source(%dma_start3A_911 : memref<4096xf32, #tpu.memory_space<vmem>>) target(%dma_start3A_909 : memref<4096xf32, #tpu.memory_space<hbm>>) target_semaphore(%arg12 : memref<!tpu.dma_semaphore, #tpu.memory_space<semaphore_mem>>)
      %mul3A_912 = arith.constant 4096 : i32
      %mul3A_913 = arith.muli %rem3A_900, %mul3A_912 : i32
      %dma_start3A_914 = arith.constant 1 : i32
      %dma_start3A_915 = arith.constant 4096 : i32
      %dma_start3A_916 = tpu.memref_slice %arg8[%dma_start3A_915] : memref<16640xf32, #tpu.memory_space<vmem>> -> memref<4096xf32, #tpu.memory_space<vmem>>
      %dma_start3A_917 = tpu.memref_slice %arg4[%select_n3A_898, %dma_start3A_914, %mul3A_913] : memref<50x4x131072xf32, #tpu.memory_space<hbm>> -> memref<1x1x4096xf32, #tpu.memory_space<hbm>>
      %dma_start3A_918 = tpu.memref_squeeze %dma_start3A_917 : memref<1x1x4096xf32, #tpu.memory_space<hbm>> -> memref<4096xf32, #tpu.memory_space<hbm>>
      %dma_start3A_919 = tpu.memref_slice %arg4[%select_n3A_898, %dma_start3A_914, %mul3A_913] : memref<50x4x131072xf32, #tpu.memory_space<hbm>> -> memref<1x1x4096xf32, #tpu.memory_space<hbm>>
      %dma_start3A_920 = tpu.memref_squeeze %dma_start3A_919 : memref<1x1x4096xf32, #tpu.memory_space<hbm>> -> memref<4096xf32, #tpu.memory_space<hbm>>
      %dma_start3A_921 = arith.constant 4096 : i32
      %dma_start3A_922 = tpu.memref_slice %arg8[%dma_start3A_921] : memref<16640xf32, #tpu.memory_space<vmem>> -> memref<4096xf32, #tpu.memory_space<vmem>>
      tpu.enqueue_dma source(%dma_start3A_922 : memref<4096xf32, #tpu.memory_space<vmem>>) target(%dma_start3A_920 : memref<4096xf32, #tpu.memory_space<hbm>>) target_semaphore(%arg12 : memref<!tpu.dma_semaphore, #tpu.memory_space<semaphore_mem>>)
      %mul3A_923 = arith.constant 4096 : i32
      %mul3A_924 = arith.muli %rem3A_900, %mul3A_923 : i32
      %dma_start3A_925 = arith.constant 2 : i32
      %dma_start3A_926 = arith.constant 8192 : i32
      %dma_start3A_927 = tpu.memref_slice %arg8[%dma_start3A_926] : memref<16640xf32, #tpu.memory_space<vmem>> -> memref<4096xf32, #tpu.memory_space<vmem>>
      %dma_start3A_928 = tpu.memref_slice %arg4[%select_n3A_898, %dma_start3A_925, %mul3A_924] : memref<50x4x131072xf32, #tpu.memory_space<hbm>> -> memref<1x1x4096xf32, #tpu.memory_space<hbm>>
      %dma_start3A_929 = tpu.memref_squeeze %dma_start3A_928 : memref<1x1x4096xf32, #tpu.memory_space<hbm>> -> memref<4096xf32, #tpu.memory_space<hbm>>
      %dma_start3A_930 = tpu.memref_slice %arg4[%select_n3A_898, %dma_start3A_925, %mul3A_924] : memref<50x4x131072xf32, #tpu.memory_space<hbm>> -> memref<1x1x4096xf32, #tpu.memory_space<hbm>>
      %dma_start3A_931 = tpu.memref_squeeze %dma_start3A_930 : memref<1x1x4096xf32, #tpu.memory_space<hbm>> -> memref<4096xf32, #tpu.memory_space<hbm>>
      %dma_start3A_932 = arith.constant 8192 : i32
      %dma_start3A_933 = tpu.memref_slice %arg8[%dma_start3A_932] : memref<16640xf32, #tpu.memory_space<vmem>> -> memref<4096xf32, #tpu.memory_space<vmem>>
      tpu.enqueue_dma source(%dma_start3A_933 : memref<4096xf32, #tpu.memory_space<vmem>>) target(%dma_start3A_931 : memref<4096xf32, #tpu.memory_space<hbm>>) target_semaphore(%arg12 : memref<!tpu.dma_semaphore, #tpu.memory_space<semaphore_mem>>)
      %mul3A_934 = arith.constant 4096 : i32
      %mul3A_935 = arith.muli %rem3A_900, %mul3A_934 : i32
      %dma_start3A_936 = arith.constant 3 : i32
      %dma_start3A_937 = arith.constant 12288 : i32
      %dma_start3A_938 = tpu.memref_slice %arg8[%dma_start3A_937] : memref<16640xf32, #tpu.memory_space<vmem>> -> memref<4096xf32, #tpu.memory_space<vmem>>
      %dma_start3A_939 = tpu.memref_slice %arg4[%select_n3A_898, %dma_start3A_936, %mul3A_935] : memref<50x4x131072xf32, #tpu.memory_space<hbm>> -> memref<1x1x4096xf32, #tpu.memory_space<hbm>>
      %dma_start3A_940 = tpu.memref_squeeze %dma_start3A_939 : memref<1x1x4096xf32, #tpu.memory_space<hbm>> -> memref<4096xf32, #tpu.memory_space<hbm>>
      %dma_start3A_941 = tpu.memref_slice %arg4[%select_n3A_898, %dma_start3A_936, %mul3A_935] : memref<50x4x131072xf32, #tpu.memory_space<hbm>> -> memref<1x1x4096xf32, #tpu.memory_space<hbm>>
      %dma_start3A_942 = tpu.memref_squeeze %dma_start3A_941 : memref<1x1x4096xf32, #tpu.memory_space<hbm>> -> memref<4096xf32, #tpu.memory_space<hbm>>
      %dma_start3A_943 = arith.constant 12288 : i32
      %dma_start3A_944 = tpu.memref_slice %arg8[%dma_start3A_943] : memref<16640xf32, #tpu.memory_space<vmem>> -> memref<4096xf32, #tpu.memory_space<vmem>>
      tpu.enqueue_dma source(%dma_start3A_944 : memref<4096xf32, #tpu.memory_space<vmem>>) target(%dma_start3A_942 : memref<4096xf32, #tpu.memory_space<hbm>>) target_semaphore(%arg12 : memref<!tpu.dma_semaphore, #tpu.memory_space<semaphore_mem>>)
      %add3A_945 = arith.constant 2 : i32
      %add3A_946 = arith.addi %add3A_858, %add3A_945 : i32
      %lt3A = arith.constant 50 : i32
      %lt3A_947 = arith.cmpi slt, %add3A_946, %lt3A : i32
      %convert_element_type3A_948 = arith.extui %lt3A_947 : i1 to i32
      %cond3A_949 = arith.constant 0 : i32
      %cond3A_950 = arith.cmpi ne, %convert_element_type3A_948, %cond3A_949 : i32
      scf.if %cond3A_950 {
        %add3A_1052 = arith.constant 2 : i32
        %add3A_1053 = arith.addi %add3A_858, %add3A_1052 : i32
        %dma_start3A_1054 = arith.constant 0 : i32
        %dma_start3A_1055 = tpu.memref_slice %arg5[%add3A_1053, %dma_start3A_1054] : memref<50x512xi32, #tpu.memory_space<vmem>> -> memref<1x512xi32, #tpu.memory_space<vmem>>
        %dma_start3A_1056 = tpu.memref_squeeze %dma_start3A_1055 : memref<1x512xi32, #tpu.memory_space<vmem>> -> memref<512xi32, #tpu.memory_space<vmem>>
        %dma_start3A_1057 = arith.constant 0 : i32
        %dma_start3A_1058 = arith.constant 0 : i32
        %dma_start3A_1059 = tpu.memref_slice %arg2[%dma_start3A_1057, %dma_start3A_1058] : memref<1000000x32xf32, #tpu.memory_space<hbm>> -> memref<1000000x32xf32, #tpu.memory_space<hbm>>
        tpu.enqueue_indirect_dma source(%dma_start3A_1059 : memref<1000000x32xf32, #tpu.memory_space<hbm>>) target(%arg6 : memref<512x32xf32, #tpu.memory_space<vmem>>) offsets(%dma_start3A_1056 : memref<512xi32, #tpu.memory_space<vmem>>) semaphore(%arg10 : memref<!tpu.dma_semaphore, #tpu.memory_space<semaphore_mem>>)
      } else {
      }
      %mul3A_951 = arith.constant 2 : i32
      %mul3A_952 = arith.muli %scan3A_853, %mul3A_951 : i32
      %add3A_953 = arith.constant 1 : i32
      %add3A_954 = arith.addi %mul3A_952, %add3A_953 : i32
      %dma_wait3A_955 = arith.constant 0 : i32
      %dma_wait3A_956 = tpu.memref_slice %arg5[%add3A_954, %dma_wait3A_955] : memref<50x512xi32, #tpu.memory_space<vmem>> -> memref<1x512xi32, #tpu.memory_space<vmem>>
      %dma_wait3A_957 = tpu.memref_squeeze %dma_wait3A_956 : memref<1x512xi32, #tpu.memory_space<vmem>> -> memref<512xi32, #tpu.memory_space<vmem>>
      %dma_wait3A_958 = arith.constant 0 : i32
      %dma_wait3A_959 = arith.constant 0 : i32
      %dma_wait3A_960 = tpu.memref_slice %arg2[%dma_wait3A_958, %dma_wait3A_959] : memref<1000000x32xf32, #tpu.memory_space<hbm>> -> memref<1000000x32xf32, #tpu.memory_space<hbm>>
      tpu.wait_indirect_dma semaphore(%arg11 : memref<!tpu.dma_semaphore, #tpu.memory_space<semaphore_mem>>) src(%dma_wait3A_960 : memref<1000000x32xf32, #tpu.memory_space<hbm>>) dst(%arg7 : memref<512x32xf32, #tpu.memory_space<vmem>>)
      %ge3A_961 = arith.constant 2 : i32
      %ge3A_962 = arith.cmpi sge, %add3A_954, %ge3A_961 : i32
      %convert_element_type3A_963 = arith.extui %ge3A_962 : i1 to i32
      %cond3A_964 = arith.constant 0 : i32
      %cond3A_965 = arith.cmpi ne, %convert_element_type3A_963, %cond3A_964 : i32
      scf.if %cond3A_965 {
        %dma_wait3A_1052 = arith.constant 0 : i32
        %dma_wait3A_1053 = arith.constant 0 : i32
        %dma_wait3A_1054 = arith.constant 0 : i32
        %dma_wait3A_1055 = tpu.memref_slice %arg9[%dma_wait3A_1054] : memref<16640xf32, #tpu.memory_space<vmem>> -> memref<16384xf32, #tpu.memory_space<vmem>>
        %dma_wait3A_1056 = arith.constant 0 : i32
        %dma_wait3A_1057 = tpu.memref_slice %arg4[%dma_wait3A_1052, %dma_wait3A_1053, %dma_wait3A_1056] : memref<50x4x131072xf32, #tpu.memory_space<hbm>> -> memref<1x1x16384xf32, #tpu.memory_space<hbm>>
        %dma_wait3A_1058 = tpu.memref_squeeze %dma_wait3A_1057 : memref<1x1x16384xf32, #tpu.memory_space<hbm>> -> memref<16384xf32, #tpu.memory_space<hbm>>
        %dma_wait3A_1059 = arith.constant 0 : i32
        %dma_wait3A_1060 = tpu.memref_slice %arg4[%dma_wait3A_1052, %dma_wait3A_1053, %dma_wait3A_1059] : memref<50x4x131072xf32, #tpu.memory_space<hbm>> -> memref<1x1x16384xf32, #tpu.memory_space<hbm>>
        %dma_wait3A_1061 = tpu.memref_squeeze %dma_wait3A_1060 : memref<1x1x16384xf32, #tpu.memory_space<hbm>> -> memref<16384xf32, #tpu.memory_space<hbm>>
        %dma_wait3A_1062 = arith.constant 0 : i32
        %dma_wait3A_1063 = tpu.memref_slice %arg9[%dma_wait3A_1062] : memref<16640xf32, #tpu.memory_space<vmem>> -> memref<16384xf32, #tpu.memory_space<vmem>>
        tpu.wait_dma2 semaphore(%arg13 : memref<!tpu.dma_semaphore, #tpu.memory_space<semaphore_mem>>) src(%dma_wait3A_1063 : memref<16384xf32, #tpu.memory_space<vmem>>) dst(%dma_wait3A_1061 : memref<16384xf32, #tpu.memory_space<hbm>>)
      } else {
      }
      %scan3A_966 = arith.constant 0 : i32
      %scan3A_967 = arith.constant 0 : i32
      %scan3A_968 = arith.constant 32 : i32
      %scan3A_969 = arith.addi %scan3A_967, %scan3A_968 : i32
      %scan3A_970 = arith.constant 1 : i32
      %scan3A_971 = scf.for %scan3A_1052 = %scan3A_967 to %scan3A_969 step %scan3A_970 iter_args(%scan3A_1053 = %scan3A_966) -> (i32)  : i32 {
        %mul3A_1054 = arith.constant 16 : i32
        %mul3A_1055 = arith.muli %scan3A_1052, %mul3A_1054 : i32
        %jit3A_1056 = arith.constant 8 : i32
        %div3A_1057 = arith.divsi %scan3A_1052, %jit3A_1056 : i32
        %sign3A_1058 = arith.constant 0 : i32
        %sign3A_1059 = arith.cmpi sgt, %scan3A_1052, %sign3A_1058 : i32
        %sign3A_1060 = arith.extui %sign3A_1059 : i1 to i32
        %sign3A_1061 = arith.constant 0 : i32
        %sign3A_1062 = arith.cmpi slt, %scan3A_1052, %sign3A_1061 : i32
        %sign3A_1063 = arith.extui %sign3A_1062 : i1 to i32
        %sign3A_1064 = arith.subi %sign3A_1060, %sign3A_1063 : i32
        %sign3A_1065 = arith.constant 0 : i32
        %sign3A_1066 = arith.cmpi sgt, %jit3A_1056, %sign3A_1065 : i32
        %sign3A_1067 = arith.extui %sign3A_1066 : i1 to i32
        %sign3A_1068 = arith.constant 0 : i32
        %sign3A_1069 = arith.cmpi slt, %jit3A_1056, %sign3A_1068 : i32
        %sign3A_1070 = arith.extui %sign3A_1069 : i1 to i32
        %sign3A_1071 = arith.subi %sign3A_1067, %sign3A_1070 : i32
        %ne3A_1072 = arith.cmpi ne, %sign3A_1064, %sign3A_1071 : i32
        %rem3A_1073 = arith.remsi %scan3A_1052, %jit3A_1056 : i32
        %ne3A_1074 = arith.constant 0 : i32
        %ne3A_1075 = arith.cmpi ne, %rem3A_1073, %ne3A_1074 : i32
        %and3A_1076 = arith.andi %ne3A_1072, %ne3A_1075 : i1
        %sub3A_1077 = arith.constant 1 : i32
        %sub3A_1078 = arith.subi %div3A_1057, %sub3A_1077 : i32
        %select_n3A_1079 = arith.select %and3A_1076, %sub3A_1078, %div3A_1057 : i32
        %mul3A_1080 = arith.constant 1024 : i32
        %mul3A_1081 = arith.muli %select_n3A_1079, %mul3A_1080 : i32
        %rem3A_1082 = arith.constant 8 : i32
        %rem3A_1083 = arith.remsi %scan3A_1052, %rem3A_1082 : i32
        %mul3A_1084 = arith.constant 16 : i32
        %mul3A_1085 = arith.muli %rem3A_1083, %mul3A_1084 : i32
        %add3A_1086 = arith.addi %mul3A_1081, %mul3A_1085 : i32
        %add3A_1087 = vector.broadcast %mul3A_1055 : i32 to vector<16xi32>
        %add3A_1088 = arith.addi %iota3A, %add3A_1087 : vector<16xi32>
        %add3A_1089 = arith.constant 8192 : i32
        %add3A_1090 = arith.addi %add3A_1086, %add3A_1089 : i32
        %gather3A = tpu.vector_load_idx %arg7[%add3A_1088, %rem3A_7] : memref<512x32xf32, #tpu.memory_space<vmem>>[vector<16xi32>, vector<16xi32>], vector<16xf32>,
        %scatter3A = tpu.memref_slice %arg9[%add3A_1086] : memref<16640xf32, #tpu.memory_space<vmem>> -> memref<5120xf32, #tpu.memory_space<vmem>>
        tpu.vector_store_idx %scatter3A[%add3A_180], %gather3A : memref<5120xf32, #tpu.memory_space<vmem>>[vector<16xi32>], vector<16xf32>,
        %gather3A_1091 = tpu.vector_load_idx %arg7[%add3A_1088, %add3A_100] : memref<512x32xf32, #tpu.memory_space<vmem>>[vector<16xi32>, vector<16xi32>], vector<16xf32>,
        %scatter3A_1092 = tpu.memref_slice %arg9[%add3A_1090] : memref<16640xf32, #tpu.memory_space<vmem>> -> memref<5120xf32, #tpu.memory_space<vmem>>
        tpu.vector_store_idx %scatter3A_1092[%add3A_180], %gather3A_1091 : memref<5120xf32, #tpu.memory_space<vmem>>[vector<16xi32>], vector<16xf32>,
        %gather3A_1093 = tpu.vector_load_idx %arg7[%add3A_1088, %rem3A_13] : memref<512x32xf32, #tpu.memory_space<vmem>>[vector<16xi32>, vector<16xi32>], vector<16xf32>,
        %scatter3A_1094 = tpu.memref_slice %arg9[%add3A_1086] : memref<16640xf32, #tpu.memory_space<vmem>> -> memref<5120xf32, #tpu.memory_space<vmem>>
        tpu.vector_store_idx %scatter3A_1094[%add3A_222], %gather3A_1093 : memref<5120xf32, #tpu.memory_space<vmem>>[vector<16xi32>], vector<16xf32>,
        %gather3A_1095 = tpu.vector_load_idx %arg7[%add3A_1088, %add3A_103] : memref<512x32xf32, #tpu.memory_space<vmem>>[vector<16xi32>, vector<16xi32>], vector<16xf32>,
        %scatter3A_1096 = tpu.memref_slice %arg9[%add3A_1090] : memref<16640xf32, #tpu.memory_space<vmem>> -> memref<5120xf32, #tpu.memory_space<vmem>>
        tpu.vector_store_idx %scatter3A_1096[%add3A_222], %gather3A_1095 : memref<5120xf32, #tpu.memory_space<vmem>>[vector<16xi32>], vector<16xf32>,
        %gather3A_1097 = tpu.vector_load_idx %arg7[%add3A_1088, %rem3A_19] : memref<512x32xf32, #tpu.memory_space<vmem>>[vector<16xi32>, vector<16xi32>], vector<16xf32>,
        %scatter3A_1098 = tpu.memref_slice %arg9[%add3A_1086] : memref<16640xf32, #tpu.memory_space<vmem>> -> memref<5120xf32, #tpu.memory_space<vmem>>
        tpu.vector_store_idx %scatter3A_1098[%add3A_264], %gather3A_1097 : memref<5120xf32, #tpu.memory_space<vmem>>[vector<16xi32>], vector<16xf32>,
        %gather3A_1099 = tpu.vector_load_idx %arg7[%add3A_1088, %add3A_106] : memref<512x32xf32, #tpu.memory_space<vmem>>[vector<16xi32>, vector<16xi32>], vector<16xf32>,
        %scatter3A_1100 = tpu.memref_slice %arg9[%add3A_1090] : memref<16640xf32, #tpu.memory_space<vmem>> -> memref<5120xf32, #tpu.memory_space<vmem>>
        tpu.vector_store_idx %scatter3A_1100[%add3A_264], %gather3A_1099 : memref<5120xf32, #tpu.memory_space<vmem>>[vector<16xi32>], vector<16xf32>,
        %gather3A_1101 = tpu.vector_load_idx %arg7[%add3A_1088, %rem3A_25] : memref<512x32xf32, #tpu.memory_space<vmem>>[vector<16xi32>, vector<16xi32>], vector<16xf32>,
        %scatter3A_1102 = tpu.memref_slice %arg9[%add3A_1086] : memref<16640xf32, #tpu.memory_space<vmem>> -> memref<5120xf32, #tpu.memory_space<vmem>>
        tpu.vector_store_idx %scatter3A_1102[%add3A_306], %gather3A_1101 : memref<5120xf32, #tpu.memory_space<vmem>>[vector<16xi32>], vector<16xf32>,
        %gather3A_1103 = tpu.vector_load_idx %arg7[%add3A_1088, %add3A_109] : memref<512x32xf32, #tpu.memory_space<vmem>>[vector<16xi32>, vector<16xi32>], vector<16xf32>,
        %scatter3A_1104 = tpu.memref_slice %arg9[%add3A_1090] : memref<16640xf32, #tpu.memory_space<vmem>> -> memref<5120xf32, #tpu.memory_space<vmem>>
        tpu.vector_store_idx %scatter3A_1104[%add3A_306], %gather3A_1103 : memref<5120xf32, #tpu.memory_space<vmem>>[vector<16xi32>], vector<16xf32>,
        %gather3A_1105 = tpu.vector_load_idx %arg7[%add3A_1088, %rem3A_31] : memref<512x32xf32, #tpu.memory_space<vmem>>[vector<16xi32>, vector<16xi32>], vector<16xf32>,
        %scatter3A_1106 = tpu.memref_slice %arg9[%add3A_1086] : memref<16640xf32, #tpu.memory_space<vmem>> -> memref<5120xf32, #tpu.memory_space<vmem>>
        tpu.vector_store_idx %scatter3A_1106[%add3A_348], %gather3A_1105 : memref<5120xf32, #tpu.memory_space<vmem>>[vector<16xi32>], vector<16xf32>,
        %gather3A_1107 = tpu.vector_load_idx %arg7[%add3A_1088, %add3A_112] : memref<512x32xf32, #tpu.memory_space<vmem>>[vector<16xi32>, vector<16xi32>], vector<16xf32>,
        %scatter3A_1108 = tpu.memref_slice %arg9[%add3A_1090] : memref<16640xf32, #tpu.memory_space<vmem>> -> memref<5120xf32, #tpu.memory_space<vmem>>
        tpu.vector_store_idx %scatter3A_1108[%add3A_348], %gather3A_1107 : memref<5120xf32, #tpu.memory_space<vmem>>[vector<16xi32>], vector<16xf32>,
        %gather3A_1109 = tpu.vector_load_idx %arg7[%add3A_1088, %rem3A_37] : memref<512x32xf32, #tpu.memory_space<vmem>>[vector<16xi32>, vector<16xi32>], vector<16xf32>,
        %scatter3A_1110 = tpu.memref_slice %arg9[%add3A_1086] : memref<16640xf32, #tpu.memory_space<vmem>> -> memref<5120xf32, #tpu.memory_space<vmem>>
        tpu.vector_store_idx %scatter3A_1110[%add3A_390], %gather3A_1109 : memref<5120xf32, #tpu.memory_space<vmem>>[vector<16xi32>], vector<16xf32>,
        %gather3A_1111 = tpu.vector_load_idx %arg7[%add3A_1088, %add3A_115] : memref<512x32xf32, #tpu.memory_space<vmem>>[vector<16xi32>, vector<16xi32>], vector<16xf32>,
        %scatter3A_1112 = tpu.memref_slice %arg9[%add3A_1090] : memref<16640xf32, #tpu.memory_space<vmem>> -> memref<5120xf32, #tpu.memory_space<vmem>>
        tpu.vector_store_idx %scatter3A_1112[%add3A_390], %gather3A_1111 : memref<5120xf32, #tpu.memory_space<vmem>>[vector<16xi32>], vector<16xf32>,
        %gather3A_1113 = tpu.vector_load_idx %arg7[%add3A_1088, %rem3A_43] : memref<512x32xf32, #tpu.memory_space<vmem>>[vector<16xi32>, vector<16xi32>], vector<16xf32>,
        %scatter3A_1114 = tpu.memref_slice %arg9[%add3A_1086] : memref<16640xf32, #tpu.memory_space<vmem>> -> memref<5120xf32, #tpu.memory_space<vmem>>
        tpu.vector_store_idx %scatter3A_1114[%add3A_432], %gather3A_1113 : memref<5120xf32, #tpu.memory_space<vmem>>[vector<16xi32>], vector<16xf32>,
        %gather3A_1115 = tpu.vector_load_idx %arg7[%add3A_1088, %add3A_118] : memref<512x32xf32, #tpu.memory_space<vmem>>[vector<16xi32>, vector<16xi32>], vector<16xf32>,
        %scatter3A_1116 = tpu.memref_slice %arg9[%add3A_1090] : memref<16640xf32, #tpu.memory_space<vmem>> -> memref<5120xf32, #tpu.memory_space<vmem>>
        tpu.vector_store_idx %scatter3A_1116[%add3A_432], %gather3A_1115 : memref<5120xf32, #tpu.memory_space<vmem>>[vector<16xi32>], vector<16xf32>,
        %gather3A_1117 = tpu.vector_load_idx %arg7[%add3A_1088, %rem3A_49] : memref<512x32xf32, #tpu.memory_space<vmem>>[vector<16xi32>, vector<16xi32>], vector<16xf32>,
        %scatter3A_1118 = tpu.memref_slice %arg9[%add3A_1086] : memref<16640xf32, #tpu.memory_space<vmem>> -> memref<5120xf32, #tpu.memory_space<vmem>>
        tpu.vector_store_idx %scatter3A_1118[%add3A_474], %gather3A_1117 : memref<5120xf32, #tpu.memory_space<vmem>>[vector<16xi32>], vector<16xf32>,
        %gather3A_1119 = tpu.vector_load_idx %arg7[%add3A_1088, %add3A_121] : memref<512x32xf32, #tpu.memory_space<vmem>>[vector<16xi32>, vector<16xi32>], vector<16xf32>,
        %scatter3A_1120 = tpu.memref_slice %arg9[%add3A_1090] : memref<16640xf32, #tpu.memory_space<vmem>> -> memref<5120xf32, #tpu.memory_space<vmem>>
        tpu.vector_store_idx %scatter3A_1120[%add3A_474], %gather3A_1119 : memref<5120xf32, #tpu.memory_space<vmem>>[vector<16xi32>], vector<16xf32>,
        %gather3A_1121 = tpu.vector_load_idx %arg7[%add3A_1088, %rem3A_55] : memref<512x32xf32, #tpu.memory_space<vmem>>[vector<16xi32>, vector<16xi32>], vector<16xf32>,
        %scatter3A_1122 = tpu.memref_slice %arg9[%add3A_1086] : memref<16640xf32, #tpu.memory_space<vmem>> -> memref<5120xf32, #tpu.memory_space<vmem>>
        tpu.vector_store_idx %scatter3A_1122[%add3A_516], %gather3A_1121 : memref<5120xf32, #tpu.memory_space<vmem>>[vector<16xi32>], vector<16xf32>,
        %gather3A_1123 = tpu.vector_load_idx %arg7[%add3A_1088, %add3A_124] : memref<512x32xf32, #tpu.memory_space<vmem>>[vector<16xi32>, vector<16xi32>], vector<16xf32>,
        %scatter3A_1124 = tpu.memref_slice %arg9[%add3A_1090] : memref<16640xf32, #tpu.memory_space<vmem>> -> memref<5120xf32, #tpu.memory_space<vmem>>
        tpu.vector_store_idx %scatter3A_1124[%add3A_516], %gather3A_1123 : memref<5120xf32, #tpu.memory_space<vmem>>[vector<16xi32>], vector<16xf32>,
        %gather3A_1125 = tpu.vector_load_idx %arg7[%add3A_1088, %rem3A_61] : memref<512x32xf32, #tpu.memory_space<vmem>>[vector<16xi32>, vector<16xi32>], vector<16xf32>,
        %scatter3A_1126 = tpu.memref_slice %arg9[%add3A_1086] : memref<16640xf32, #tpu.memory_space<vmem>> -> memref<5120xf32, #tpu.memory_space<vmem>>
        tpu.vector_store_idx %scatter3A_1126[%add3A_558], %gather3A_1125 : memref<5120xf32, #tpu.memory_space<vmem>>[vector<16xi32>], vector<16xf32>,
        %gather3A_1127 = tpu.vector_load_idx %arg7[%add3A_1088, %add3A_127] : memref<512x32xf32, #tpu.memory_space<vmem>>[vector<16xi32>, vector<16xi32>], vector<16xf32>,
        %scatter3A_1128 = tpu.memref_slice %arg9[%add3A_1090] : memref<16640xf32, #tpu.memory_space<vmem>> -> memref<5120xf32, #tpu.memory_space<vmem>>
        tpu.vector_store_idx %scatter3A_1128[%add3A_558], %gather3A_1127 : memref<5120xf32, #tpu.memory_space<vmem>>[vector<16xi32>], vector<16xf32>,
        %gather3A_1129 = tpu.vector_load_idx %arg7[%add3A_1088, %rem3A_67] : memref<512x32xf32, #tpu.memory_space<vmem>>[vector<16xi32>, vector<16xi32>], vector<16xf32>,
        %scatter3A_1130 = tpu.memref_slice %arg9[%add3A_1086] : memref<16640xf32, #tpu.memory_space<vmem>> -> memref<5120xf32, #tpu.memory_space<vmem>>
        tpu.vector_store_idx %scatter3A_1130[%add3A_600], %gather3A_1129 : memref<5120xf32, #tpu.memory_space<vmem>>[vector<16xi32>], vector<16xf32>,
        %gather3A_1131 = tpu.vector_load_idx %arg7[%add3A_1088, %add3A_130] : memref<512x32xf32, #tpu.memory_space<vmem>>[vector<16xi32>, vector<16xi32>], vector<16xf32>,
        %scatter3A_1132 = tpu.memref_slice %arg9[%add3A_1090] : memref<16640xf32, #tpu.memory_space<vmem>> -> memref<5120xf32, #tpu.memory_space<vmem>>
        tpu.vector_store_idx %scatter3A_1132[%add3A_600], %gather3A_1131 : memref<5120xf32, #tpu.memory_space<vmem>>[vector<16xi32>], vector<16xf32>,
        %gather3A_1133 = tpu.vector_load_idx %arg7[%add3A_1088, %rem3A_73] : memref<512x32xf32, #tpu.memory_space<vmem>>[vector<16xi32>, vector<16xi32>], vector<16xf32>,
        %scatter3A_1134 = tpu.memref_slice %arg9[%add3A_1086] : memref<16640xf32, #tpu.memory_space<vmem>> -> memref<5120xf32, #tpu.memory_space<vmem>>
        tpu.vector_store_idx %scatter3A_1134[%add3A_642], %gather3A_1133 : memref<5120xf32, #tpu.memory_space<vmem>>[vector<16xi32>], vector<16xf32>,
        %gather3A_1135 = tpu.vector_load_idx %arg7[%add3A_1088, %add3A_133] : memref<512x32xf32, #tpu.memory_space<vmem>>[vector<16xi32>, vector<16xi32>], vector<16xf32>,
        %scatter3A_1136 = tpu.memref_slice %arg9[%add3A_1090] : memref<16640xf32, #tpu.memory_space<vmem>> -> memref<5120xf32, #tpu.memory_space<vmem>>
        tpu.vector_store_idx %scatter3A_1136[%add3A_642], %gather3A_1135 : memref<5120xf32, #tpu.memory_space<vmem>>[vector<16xi32>], vector<16xf32>,
        %gather3A_1137 = tpu.vector_load_idx %arg7[%add3A_1088, %rem3A_79] : memref<512x32xf32, #tpu.memory_space<vmem>>[vector<16xi32>, vector<16xi32>], vector<16xf32>,
        %scatter3A_1138 = tpu.memref_slice %arg9[%add3A_1086] : memref<16640xf32, #tpu.memory_space<vmem>> -> memref<5120xf32, #tpu.memory_space<vmem>>
        tpu.vector_store_idx %scatter3A_1138[%add3A_684], %gather3A_1137 : memref<5120xf32, #tpu.memory_space<vmem>>[vector<16xi32>], vector<16xf32>,
        %gather3A_1139 = tpu.vector_load_idx %arg7[%add3A_1088, %add3A_136] : memref<512x32xf32, #tpu.memory_space<vmem>>[vector<16xi32>, vector<16xi32>], vector<16xf32>,
        %scatter3A_1140 = tpu.memref_slice %arg9[%add3A_1090] : memref<16640xf32, #tpu.memory_space<vmem>> -> memref<5120xf32, #tpu.memory_space<vmem>>
        tpu.vector_store_idx %scatter3A_1140[%add3A_684], %gather3A_1139 : memref<5120xf32, #tpu.memory_space<vmem>>[vector<16xi32>], vector<16xf32>,
        %gather3A_1141 = tpu.vector_load_idx %arg7[%add3A_1088, %rem3A_85] : memref<512x32xf32, #tpu.memory_space<vmem>>[vector<16xi32>, vector<16xi32>], vector<16xf32>,
        %scatter3A_1142 = tpu.memref_slice %arg9[%add3A_1086] : memref<16640xf32, #tpu.memory_space<vmem>> -> memref<5120xf32, #tpu.memory_space<vmem>>
        tpu.vector_store_idx %scatter3A_1142[%add3A_726], %gather3A_1141 : memref<5120xf32, #tpu.memory_space<vmem>>[vector<16xi32>], vector<16xf32>,
        %gather3A_1143 = tpu.vector_load_idx %arg7[%add3A_1088, %add3A_139] : memref<512x32xf32, #tpu.memory_space<vmem>>[vector<16xi32>, vector<16xi32>], vector<16xf32>,
        %scatter3A_1144 = tpu.memref_slice %arg9[%add3A_1090] : memref<16640xf32, #tpu.memory_space<vmem>> -> memref<5120xf32, #tpu.memory_space<vmem>>
        tpu.vector_store_idx %scatter3A_1144[%add3A_726], %gather3A_1143 : memref<5120xf32, #tpu.memory_space<vmem>>[vector<16xi32>], vector<16xf32>,
        %gather3A_1145 = tpu.vector_load_idx %arg7[%add3A_1088, %rem3A_91] : memref<512x32xf32, #tpu.memory_space<vmem>>[vector<16xi32>, vector<16xi32>], vector<16xf32>,
        %scatter3A_1146 = tpu.memref_slice %arg9[%add3A_1086] : memref<16640xf32, #tpu.memory_space<vmem>> -> memref<5120xf32, #tpu.memory_space<vmem>>
        tpu.vector_store_idx %scatter3A_1146[%add3A_768], %gather3A_1145 : memref<5120xf32, #tpu.memory_space<vmem>>[vector<16xi32>], vector<16xf32>,
        %gather3A_1147 = tpu.vector_load_idx %arg7[%add3A_1088, %add3A_142] : memref<512x32xf32, #tpu.memory_space<vmem>>[vector<16xi32>, vector<16xi32>], vector<16xf32>,
        %scatter3A_1148 = tpu.memref_slice %arg9[%add3A_1090] : memref<16640xf32, #tpu.memory_space<vmem>> -> memref<5120xf32, #tpu.memory_space<vmem>>
        tpu.vector_store_idx %scatter3A_1148[%add3A_768], %gather3A_1147 : memref<5120xf32, #tpu.memory_space<vmem>>[vector<16xi32>], vector<16xf32>,
        %gather3A_1149 = tpu.vector_load_idx %arg7[%add3A_1088, %rem3A_97] : memref<512x32xf32, #tpu.memory_space<vmem>>[vector<16xi32>, vector<16xi32>], vector<16xf32>,
        %scatter3A_1150 = tpu.memref_slice %arg9[%add3A_1086] : memref<16640xf32, #tpu.memory_space<vmem>> -> memref<5120xf32, #tpu.memory_space<vmem>>
        tpu.vector_store_idx %scatter3A_1150[%add3A_810], %gather3A_1149 : memref<5120xf32, #tpu.memory_space<vmem>>[vector<16xi32>], vector<16xf32>,
        %gather3A_1151 = tpu.vector_load_idx %arg7[%add3A_1088, %add3A_145] : memref<512x32xf32, #tpu.memory_space<vmem>>[vector<16xi32>, vector<16xi32>], vector<16xf32>,
        %scatter3A_1152 = tpu.memref_slice %arg9[%add3A_1090] : memref<16640xf32, #tpu.memory_space<vmem>> -> memref<5120xf32, #tpu.memory_space<vmem>>
        tpu.vector_store_idx %scatter3A_1152[%add3A_810], %gather3A_1151 : memref<5120xf32, #tpu.memory_space<vmem>>[vector<16xi32>], vector<16xf32>,
        %scan3A_1153 = arith.constant 0 : i32
        scf.yield %scan3A_1153 : i32
      }
      %scan3A_972 = arith.constant 32 : i32
      %add3A_973 = arith.addi %mul3A_2, %add3A_954 : i32
      %jit3A_974 = arith.constant 32 : i32
      %div3A_975 = arith.divsi %add3A_973, %jit3A_974 : i32
      %sign3A_976 = arith.constant 0 : i32
      %sign3A_977 = arith.cmpi sgt, %add3A_973, %sign3A_976 : i32
      %sign3A_978 = arith.extui %sign3A_977 : i1 to i32
      %sign3A_979 = arith.constant 0 : i32
      %sign3A_980 = arith.cmpi slt, %add3A_973, %sign3A_979 : i32
      %sign3A_981 = arith.extui %sign3A_980 : i1 to i32
      %sign3A_982 = arith.subi %sign3A_978, %sign3A_981 : i32
      %sign3A_983 = arith.constant 0 : i32
      %sign3A_984 = arith.cmpi sgt, %jit3A_974, %sign3A_983 : i32
      %sign3A_985 = arith.extui %sign3A_984 : i1 to i32
      %sign3A_986 = arith.constant 0 : i32
      %sign3A_987 = arith.cmpi slt, %jit3A_974, %sign3A_986 : i32
      %sign3A_988 = arith.extui %sign3A_987 : i1 to i32
      %sign3A_989 = arith.subi %sign3A_985, %sign3A_988 : i32
      %ne3A_990 = arith.cmpi ne, %sign3A_982, %sign3A_989 : i32
      %rem3A_991 = arith.remsi %add3A_973, %jit3A_974 : i32
      %ne3A_992 = arith.constant 0 : i32
      %ne3A_993 = arith.cmpi ne, %rem3A_991, %ne3A_992 : i32
      %and3A_994 = arith.andi %ne3A_990, %ne3A_993 : i1
      %sub3A_995 = arith.constant 1 : i32
      %sub3A_996 = arith.subi %div3A_975, %sub3A_995 : i32
      %select_n3A_997 = arith.select %and3A_994, %sub3A_996, %div3A_975 : i32
      %rem3A_998 = arith.constant 32 : i32
      %rem3A_999 = arith.remsi %add3A_973, %rem3A_998 : i32
      %mul3A_1000 = arith.constant 4096 : i32
      %mul3A_1001 = arith.muli %rem3A_999, %mul3A_1000 : i32
      %dma_start3A_1002 = arith.constant 0 : i32
      %dma_start3A_1003 = arith.constant 0 : i32
      %dma_start3A_1004 = tpu.memref_slice %arg9[%dma_start3A_1003] : memref<16640xf32, #tpu.memory_space<vmem>> -> memref<4096xf32, #tpu.memory_space<vmem>>
      %dma_start3A_1005 = tpu.memref_slice %arg4[%select_n3A_997, %dma_start3A_1002, %mul3A_1001] : memref<50x4x131072xf32, #tpu.memory_space<hbm>> -> memref<1x1x4096xf32, #tpu.memory_space<hbm>>
      %dma_start3A_1006 = tpu.memref_squeeze %dma_start3A_1005 : memref<1x1x4096xf32, #tpu.memory_space<hbm>> -> memref<4096xf32, #tpu.memory_space<hbm>>
      %dma_start3A_1007 = tpu.memref_slice %arg4[%select_n3A_997, %dma_start3A_1002, %mul3A_1001] : memref<50x4x131072xf32, #tpu.memory_space<hbm>> -> memref<1x1x4096xf32, #tpu.memory_space<hbm>>
      %dma_start3A_1008 = tpu.memref_squeeze %dma_start3A_1007 : memref<1x1x4096xf32, #tpu.memory_space<hbm>> -> memref<4096xf32, #tpu.memory_space<hbm>>
      %dma_start3A_1009 = arith.constant 0 : i32
      %dma_start3A_1010 = tpu.memref_slice %arg9[%dma_start3A_1009] : memref<16640xf32, #tpu.memory_space<vmem>> -> memref<4096xf32, #tpu.memory_space<vmem>>
      tpu.enqueue_dma source(%dma_start3A_1010 : memref<4096xf32, #tpu.memory_space<vmem>>) target(%dma_start3A_1008 : memref<4096xf32, #tpu.memory_space<hbm>>) target_semaphore(%arg13 : memref<!tpu.dma_semaphore, #tpu.memory_space<semaphore_mem>>)
      %mul3A_1011 = arith.constant 4096 : i32
      %mul3A_1012 = arith.muli %rem3A_999, %mul3A_1011 : i32
      %dma_start3A_1013 = arith.constant 1 : i32
      %dma_start3A_1014 = arith.constant 4096 : i32
      %dma_start3A_1015 = tpu.memref_slice %arg9[%dma_start3A_1014] : memref<16640xf32, #tpu.memory_space<vmem>> -> memref<4096xf32, #tpu.memory_space<vmem>>
      %dma_start3A_1016 = tpu.memref_slice %arg4[%select_n3A_997, %dma_start3A_1013, %mul3A_1012] : memref<50x4x131072xf32, #tpu.memory_space<hbm>> -> memref<1x1x4096xf32, #tpu.memory_space<hbm>>
      %dma_start3A_1017 = tpu.memref_squeeze %dma_start3A_1016 : memref<1x1x4096xf32, #tpu.memory_space<hbm>> -> memref<4096xf32, #tpu.memory_space<hbm>>
      %dma_start3A_1018 = tpu.memref_slice %arg4[%select_n3A_997, %dma_start3A_1013, %mul3A_1012] : memref<50x4x131072xf32, #tpu.memory_space<hbm>> -> memref<1x1x4096xf32, #tpu.memory_space<hbm>>
      %dma_start3A_1019 = tpu.memref_squeeze %dma_start3A_1018 : memref<1x1x4096xf32, #tpu.memory_space<hbm>> -> memref<4096xf32, #tpu.memory_space<hbm>>
      %dma_start3A_1020 = arith.constant 4096 : i32
      %dma_start3A_1021 = tpu.memref_slice %arg9[%dma_start3A_1020] : memref<16640xf32, #tpu.memory_space<vmem>> -> memref<4096xf32, #tpu.memory_space<vmem>>
      tpu.enqueue_dma source(%dma_start3A_1021 : memref<4096xf32, #tpu.memory_space<vmem>>) target(%dma_start3A_1019 : memref<4096xf32, #tpu.memory_space<hbm>>) target_semaphore(%arg13 : memref<!tpu.dma_semaphore, #tpu.memory_space<semaphore_mem>>)
      %mul3A_1022 = arith.constant 4096 : i32
      %mul3A_1023 = arith.muli %rem3A_999, %mul3A_1022 : i32
      %dma_start3A_1024 = arith.constant 2 : i32
      %dma_start3A_1025 = arith.constant 8192 : i32
      %dma_start3A_1026 = tpu.memref_slice %arg9[%dma_start3A_1025] : memref<16640xf32, #tpu.memory_space<vmem>> -> memref<4096xf32, #tpu.memory_space<vmem>>
      %dma_start3A_1027 = tpu.memref_slice %arg4[%select_n3A_997, %dma_start3A_1024, %mul3A_1023] : memref<50x4x131072xf32, #tpu.memory_space<hbm>> -> memref<1x1x4096xf32, #tpu.memory_space<hbm>>
      %dma_start3A_1028 = tpu.memref_squeeze %dma_start3A_1027 : memref<1x1x4096xf32, #tpu.memory_space<hbm>> -> memref<4096xf32, #tpu.memory_space<hbm>>
      %dma_start3A_1029 = tpu.memref_slice %arg4[%select_n3A_997, %dma_start3A_1024, %mul3A_1023] : memref<50x4x131072xf32, #tpu.memory_space<hbm>> -> memref<1x1x4096xf32, #tpu.memory_space<hbm>>
      %dma_start3A_1030 = tpu.memref_squeeze %dma_start3A_1029 : memref<1x1x4096xf32, #tpu.memory_space<hbm>> -> memref<4096xf32, #tpu.memory_space<hbm>>
      %dma_start3A_1031 = arith.constant 8192 : i32
      %dma_start3A_1032 = tpu.memref_slice %arg9[%dma_start3A_1031] : memref<16640xf32, #tpu.memory_space<vmem>> -> memref<4096xf32, #tpu.memory_space<vmem>>
      tpu.enqueue_dma source(%dma_start3A_1032 : memref<4096xf32, #tpu.memory_space<vmem>>) target(%dma_start3A_1030 : memref<4096xf32, #tpu.memory_space<hbm>>) target_semaphore(%arg13 : memref<!tpu.dma_semaphore, #tpu.memory_space<semaphore_mem>>)
      %mul3A_1033 = arith.constant 4096 : i32
      %mul3A_1034 = arith.muli %rem3A_999, %mul3A_1033 : i32
      %dma_start3A_1035 = arith.constant 3 : i32
      %dma_start3A_1036 = arith.constant 12288 : i32
      %dma_start3A_1037 = tpu.memref_slice %arg9[%dma_start3A_1036] : memref<16640xf32, #tpu.memory_space<vmem>> -> memref<4096xf32, #tpu.memory_space<vmem>>
      %dma_start3A_1038 = tpu.memref_slice %arg4[%select_n3A_997, %dma_start3A_1035, %mul3A_1034] : memref<50x4x131072xf32, #tpu.memory_space<hbm>> -> memref<1x1x4096xf32, #tpu.memory_space<hbm>>
      %dma_start3A_1039 = tpu.memref_squeeze %dma_start3A_1038 : memref<1x1x4096xf32, #tpu.memory_space<hbm>> -> memref<4096xf32, #tpu.memory_space<hbm>>
      %dma_start3A_1040 = tpu.memref_slice %arg4[%select_n3A_997, %dma_start3A_1035, %mul3A_1034] : memref<50x4x131072xf32, #tpu.memory_space<hbm>> -> memref<1x1x4096xf32, #tpu.memory_space<hbm>>
      %dma_start3A_1041 = tpu.memref_squeeze %dma_start3A_1040 : memref<1x1x4096xf32, #tpu.memory_space<hbm>> -> memref<4096xf32, #tpu.memory_space<hbm>>
      %dma_start3A_1042 = arith.constant 12288 : i32
      %dma_start3A_1043 = tpu.memref_slice %arg9[%dma_start3A_1042] : memref<16640xf32, #tpu.memory_space<vmem>> -> memref<4096xf32, #tpu.memory_space<vmem>>
      tpu.enqueue_dma source(%dma_start3A_1043 : memref<4096xf32, #tpu.memory_space<vmem>>) target(%dma_start3A_1041 : memref<4096xf32, #tpu.memory_space<hbm>>) target_semaphore(%arg13 : memref<!tpu.dma_semaphore, #tpu.memory_space<semaphore_mem>>)
      %add3A_1044 = arith.constant 2 : i32
      %add3A_1045 = arith.addi %add3A_954, %add3A_1044 : i32
      %lt3A_1046 = arith.constant 50 : i32
      %lt3A_1047 = arith.cmpi slt, %add3A_1045, %lt3A_1046 : i32
      %convert_element_type3A_1048 = arith.extui %lt3A_1047 : i1 to i32
      %cond3A_1049 = arith.constant 0 : i32
      %cond3A_1050 = arith.cmpi ne, %convert_element_type3A_1048, %cond3A_1049 : i32
      scf.if %cond3A_1050 {
        %add3A_1052 = arith.constant 2 : i32
        %add3A_1053 = arith.addi %add3A_954, %add3A_1052 : i32
        %dma_start3A_1054 = arith.constant 0 : i32
        %dma_start3A_1055 = tpu.memref_slice %arg5[%add3A_1053, %dma_start3A_1054] : memref<50x512xi32, #tpu.memory_space<vmem>> -> memref<1x512xi32, #tpu.memory_space<vmem>>
        %dma_start3A_1056 = tpu.memref_squeeze %dma_start3A_1055 : memref<1x512xi32, #tpu.memory_space<vmem>> -> memref<512xi32, #tpu.memory_space<vmem>>
        %dma_start3A_1057 = arith.constant 0 : i32
        %dma_start3A_1058 = arith.constant 0 : i32
        %dma_start3A_1059 = tpu.memref_slice %arg2[%dma_start3A_1057, %dma_start3A_1058] : memref<1000000x32xf32, #tpu.memory_space<hbm>> -> memref<1000000x32xf32, #tpu.memory_space<hbm>>
        tpu.enqueue_indirect_dma source(%dma_start3A_1059 : memref<1000000x32xf32, #tpu.memory_space<hbm>>) target(%arg7 : memref<512x32xf32, #tpu.memory_space<vmem>>) offsets(%dma_start3A_1056 : memref<512xi32, #tpu.memory_space<vmem>>) semaphore(%arg11 : memref<!tpu.dma_semaphore, #tpu.memory_space<semaphore_mem>>)
      } else {
      }
      %scan3A_1051 = arith.constant 0 : i32
      scf.yield %scan3A_1051 : i32
    }
    %scan3A_829 = arith.constant 25 : i32
    %dma_wait3A = arith.constant 0 : i32
    %dma_wait3A_830 = arith.constant 0 : i32
    %dma_wait3A_831 = arith.constant 0 : i32
    %dma_wait3A_832 = tpu.memref_slice %arg8[%dma_wait3A_831] : memref<16640xf32, #tpu.memory_space<vmem>> -> memref<16384xf32, #tpu.memory_space<vmem>>
    %dma_wait3A_833 = arith.constant 0 : i32
    %dma_wait3A_834 = tpu.memref_slice %arg4[%dma_wait3A, %dma_wait3A_830, %dma_wait3A_833] : memref<50x4x131072xf32, #tpu.memory_space<hbm>> -> memref<1x1x16384xf32, #tpu.memory_space<hbm>>
    %dma_wait3A_835 = tpu.memref_squeeze %dma_wait3A_834 : memref<1x1x16384xf32, #tpu.memory_space<hbm>> -> memref<16384xf32, #tpu.memory_space<hbm>>
    %dma_wait3A_836 = arith.constant 0 : i32
    %dma_wait3A_837 = tpu.memref_slice %arg4[%dma_wait3A, %dma_wait3A_830, %dma_wait3A_836] : memref<50x4x131072xf32, #tpu.memory_space<hbm>> -> memref<1x1x16384xf32, #tpu.memory_space<hbm>>
    %dma_wait3A_838 = tpu.memref_squeeze %dma_wait3A_837 : memref<1x1x16384xf32, #tpu.memory_space<hbm>> -> memref<16384xf32, #tpu.memory_space<hbm>>
    %dma_wait3A_839 = arith.constant 0 : i32
    %dma_wait3A_840 = tpu.memref_slice %arg8[%dma_wait3A_839] : memref<16640xf32, #tpu.memory_space<vmem>> -> memref<16384xf32, #tpu.memory_space<vmem>>
    tpu.wait_dma2 semaphore(%arg12 : memref<!tpu.dma_semaphore, #tpu.memory_space<semaphore_mem>>) src(%dma_wait3A_840 : memref<16384xf32, #tpu.memory_space<vmem>>) dst(%dma_wait3A_838 : memref<16384xf32, #tpu.memory_space<hbm>>)
    %dma_wait3A_841 = arith.constant 0 : i32
    %dma_wait3A_842 = arith.constant 0 : i32
    %dma_wait3A_843 = arith.constant 0 : i32
    %dma_wait3A_844 = tpu.memref_slice %arg9[%dma_wait3A_843] : memref<16640xf32, #tpu.memory_space<vmem>> -> memref<16384xf32, #tpu.memory_space<vmem>>
    %dma_wait3A_845 = arith.constant 0 : i32
    %dma_wait3A_846 = tpu.memref_slice %arg4[%dma_wait3A_841, %dma_wait3A_842, %dma_wait3A_845] : memref<50x4x131072xf32, #tpu.memory_space<hbm>> -> memref<1x1x16384xf32, #tpu.memory_space<hbm>>
    %dma_wait3A_847 = tpu.memref_squeeze %dma_wait3A_846 : memref<1x1x16384xf32, #tpu.memory_space<hbm>> -> memref<16384xf32, #tpu.memory_space<hbm>>
    %dma_wait3A_848 = arith.constant 0 : i32
    %dma_wait3A_849 = tpu.memref_slice %arg4[%dma_wait3A_841, %dma_wait3A_842, %dma_wait3A_848] : memref<50x4x131072xf32, #tpu.memory_space<hbm>> -> memref<1x1x16384xf32, #tpu.memory_space<hbm>>
    %dma_wait3A_850 = tpu.memref_squeeze %dma_wait3A_849 : memref<1x1x16384xf32, #tpu.memory_space<hbm>> -> memref<16384xf32, #tpu.memory_space<hbm>>
    %dma_wait3A_851 = arith.constant 0 : i32
    %dma_wait3A_852 = tpu.memref_slice %arg9[%dma_wait3A_851] : memref<16640xf32, #tpu.memory_space<vmem>> -> memref<16384xf32, #tpu.memory_space<vmem>>
    tpu.wait_dma2 semaphore(%arg13 : memref<!tpu.dma_semaphore, #tpu.memory_space<semaphore_mem>>) src(%dma_wait3A_852 : memref<16384xf32, #tpu.memory_space<vmem>>) dst(%dma_wait3A_850 : memref<16384xf32, #tpu.memory_space<hbm>>)
    return
  }
}

</mosaic_0001>

<sc_bundles>
// kernel: kernel.3.cloned.1.call-start
scs
__scs_entry_jumppad:
0x0: {  	(pc) =	sbr.rel $0x88, $3  }
0x1: {  	(tag) =	ssettag $0x0;
	lr =	simm.s32 $0x1  }
0x2: {  	[smem:$0x3F9F] =	sst lr;
	_ =	strace $0xD0000000  }
0x3: {  	_ = 	snop  }
0x4: {  	_ = 	snop  }
0x5: {  	_ = 	snop  }
0x6: {  	_ = 	snop  }
0x7: {  	_ = 	snop  }
__scs_overlays_trampoline_lowered:
0x8: {  	[smem:$0x3FAE] =	sst s0  }
0x9: {  	[smem:$0x3FAF] =	sst s1  }
0xa: {  	[smem:$0x3FB0] =	sst s2  }
0xb: {  	[smem:$0x3FB1] =	sst s3  }
0xc: {  	[smem:$0x3FB2] =	sst s4  }
0xd: {  	[smem:$0x3FB3] =	sst s5  }
0xe: {  	[smem:$0x3FB4] =	sst s6  }
0xf: {  	[smem:$0x3FB5] =	sst s7  }
0x10: {  	[smem:$0x3FB6] =	sst s8  }
0x11: {  	[smem:$0x3FB7] =	sst s9;
	s0 =	simm.s32 @!p0 $0x0  }
0x12: {  	s1 =	sld [smem:$0x3F9D];
	s0 =	simm.s32 @p0 $0x1  }
0x13: {  	[smem:$0x3FB8] =	sst s0;
	s0 =	simm.s32 @!p1 $0x0  }
0x14: {  	s2 =	sld [smem:$0x3F9C];
	s0 =	simm.s32 @p1 $0x1  }
0x15: {  	[smem:$0x3FB9] =	sst s0;
	s0 =	simm.s32 @!p2 $0x0  }
0x16: {  	s3 =	sld [smem:$0x3FDB];
	s0 =	simm.s32 @p2 $0x1  }
0x17: {  	s4 =	simm.s32 $0x1BF5;
	[smem:$0x3FBB] =	sst s0  }
0x18: {  	s0 =	sld [smem:$0x3F9E];
	_ =	swait.ge [sflag:s4], $0x0  }
0x19: {  	s7 =	sld [smem:$0x3F9F]  }
0x1a: {  	s8 =	sadd.s32 $0xFFFFE003, lr  }
0x1b: {  	s9 =	sadd.s32 $0xFFFFFEF7, lr;
	s5 =	simm.s32 $0xFFFFFFFF;
	p2 =	slt.u32 s8, $0xFFFFF086  }
0x1c: {  	p1 =	slt.u32 s9, $0xF7A;
	s5 =	simm.s32 @!p2 $0x0  }
0x1d: {  	s5 =	simm.s32 @p1 $0x1;
	p0 =	seq.s32 s7, s2  }
0x1e: {  	s7 =	smul.u32 @!p0 $0xF7A, s2;
	p2 =	seq.s32 @!p0 s5, $0x0  }
0x1f: {  	s9 =	smul.u32 $0xF7A, s1;
	s8 =	simm.s32 @!p0 $0x1BF5;
	p2 =	por !p2, p0  }
0x20: {  	[sflag:s8] =	ssyncset.s32 @!p0 $0xFFFFF086;
	s6 =	sadd.s32 @!p0 s3, s7;
	s7 =	simm.s32 @!p0 $0x108  }
0x21: {  	s3 =	sadd.s32 s3, s9;
	s6 =	sadd.s32 @!p0 $0x88, s6;
	s7 =	simm.s32 @p2 $0x1082  }
0x22: {  	[simem:s7], [sflag:s8] =	dma.local @!p0 [hbm:s6], $0xF7A  }
0x23: {  	s9 =	sor.u32 $0xD0000000, s2;
	s6 =	simm.s32 $0x108;
	_ =	swait.ge @!p0 [sflag:s8], $0x0  }
0x24: {  	s3 =	sadd.s32 $0x88, s3;
	s6 =	simm.s32 @!p1 $0x1082;
	[sflag:s4] =	ssyncset.s32 $0xFFFFF086  }
0x25: {  	[simem:s6], [sflag:s4] =	dma.local [hbm:s3], $0xF7A  }
0x26: {  	[smem:$0x3F9F] =	sst s1;
	(tag) =	ssettag s2;
	_ =	strace s9  }
0x27: {  	s1 =	sld [smem:$0x3FAF]  }
0x28: {  	s2 =	sld [smem:$0x3FB0]  }
0x29: {  	s4 =	sld [smem:$0x3FB2]  }
0x2a: {  	p0 =	seq.s32 s5, $0x0;
	s5 =	sld [smem:$0x3FB3]  }
0x2b: {  	s6 =	sld [smem:$0x3FB4]  }
0x2c: {  	s7 =	sld [smem:$0x3FB5]  }
0x2d: {  	s3 =	simm.s32 $0x108;
	s8 =	sld [smem:$0x3FB6]  }
0x2e: {  	s3 =	simm.s32 @!p0 $0x1082;
	s9 =	sld [smem:$0x3FB7]  }
0x2f: {  	lr =	sadd.s32 s0, s3;
	s0 =	sld [smem:$0x3FAE]  }
0x30: {  	s3 =	sld [smem:$0x3FB1]  }
0x31: {  	[smem:$0x3FBA] =	sst s10  }
0x32: {  	s10 =	sld [smem:$0x3FB8];
	_ =	sdelay $0x3  }
0x33: {  	p0 =	seq.s32 s10, $0x1;
	s10 =	sld [smem:$0x3FBA];
	_ =	sdelay $0x3  }
0x34: {  	[smem:$0x3FBA] =	sst s10  }
0x35: {  	s10 =	sld [smem:$0x3FB9];
	_ =	sdelay $0x3  }
0x36: {  	p1 =	seq.s32 s10, $0x1;
	s10 =	sld [smem:$0x3FBA];
	_ =	sdelay $0x3  }
0x37: {  	[smem:$0x3FBA] =	sst s10  }
0x38: {  	s10 =	sld [smem:$0x3FBB]  }
0x39: {  	_ = 	snop;
	(pc) =	sbr.ind lr, $3  }
0x3a: {  	_ = 	snop  }
0x3b: {  	_ = 	snop  }
0x3c: {  	p2 =	seq.s32 s10, $0x1;
	s10 =	sld [smem:$0x3FBA]  }
0x3d: {  	_ =	shalt  }
0x3e: {  	_ =	shalt  }
0x3f: {  	_ =	shalt  }
0x40: {  	_ =	shalt  }
0x41: {  	_ =	shalt  }
0x42: {  	_ =	shalt  }
0x43: {  	_ =	shalt  }
0x44: {  	_ =	shalt  }
0x45: {  	_ =	shalt  }
0x46: {  	_ =	shalt  }
0x47: {  	_ =	shalt  }
0x48: {  	_ =	shalt  }
0x49: {  	_ =	shalt  }
0x4a: {  	_ =	shalt  }
0x4b: {  	_ =	shalt  }
0x4c: {  	_ =	shalt  }
0x4d: {  	_ =	shalt  }
0x4e: {  	_ =	shalt  }
0x4f: {  	_ =	shalt  }
0x50: {  	_ =	shalt  }
0x51: {  	_ =	shalt  }
0x52: {  	_ =	shalt  }
0x53: {  	_ =	shalt  }
0x54: {  	_ =	shalt  }
0x55: {  	_ =	shalt  }
0x56: {  	_ =	shalt  }
0x57: {  	_ =	shalt  }
0x58: {  	_ =	shalt  }
0x59: {  	_ =	shalt  }
0x5a: {  	_ =	shalt  }
0x5b: {  	_ =	shalt  }
0x5c: {  	_ =	shalt  }
0x5d: {  	_ =	shalt  }
0x5e: {  	_ =	shalt  }
0x5f: {  	_ =	shalt  }
0x60: {  	_ =	shalt  }
0x61: {  	_ =	shalt  }
0x62: {  	_ =	shalt  }
0x63: {  	_ =	shalt  }
0x64: {  	_ =	shalt  }
0x65: {  	_ =	shalt  }
0x66: {  	_ =	shalt  }
0x67: {  	_ =	shalt  }
0x68: {  	_ =	shalt  }
0x69: {  	_ =	shalt  }
0x6a: {  	_ =	shalt  }
0x6b: {  	_ =	shalt  }
0x6c: {  	_ =	shalt  }
0x6d: {  	_ =	shalt  }
0x6e: {  	_ =	shalt  }
0x6f: {  	_ =	shalt  }
0x70: {  	_ =	shalt  }
0x71: {  	_ =	shalt  }
0x72: {  	_ =	shalt  }
0x73: {  	_ =	shalt  }
0x74: {  	_ =	shalt  }
0x75: {  	_ =	shalt  }
0x76: {  	_ =	shalt  }
0x77: {  	_ =	shalt  }
0x78: {  	_ =	shalt  }
0x79: {  	_ =	shalt  }
0x7a: {  	_ =	shalt  }
0x7b: {  	_ =	shalt  }
0x7c: {  	_ =	shalt  }
0x7d: {  	_ =	shalt  }
0x7e: {  	_ =	shalt  }
0x7f: {  	_ =	shalt  }
0x80: {  	_ =	shalt  }
0x81: {  	_ =	shalt  }
0x82: {  	_ =	shalt  }
0x83: {  	_ =	shalt  }
0x84: {  	_ =	shalt  }
0x85: {  	_ =	shalt  }
0x86: {  	_ =	shalt  }
0x87: {  	_ =	shalt  }
.Lfunc_end0:
.L_simem_size_0:
called_computation_lowered:
.L_overlay_start_0:
0x88: {  	s2 =	sld [smem:$0x3FD9]  }
0x89: {  	s3 =	sld [smem:$0x3FFE];
	_ =	sdelay $0x1  }
0x8a: {  	s1 =	srdreg.scid  }
0x8b: {  	s0 =	sand.u32 $0x1, s1  }
0x8c: {  	s17 =	sshll.u32 s0, $0xA;
	s2 =	sadd.s32 s3, s2  }
0x8d: {  	s2 =	sadd.s32 s2, s17  }
0x8e: {  	[smem:$0x3FC6] =	sst s2  }
0x8f: {  	_ = 	snop  }
0x90: {  	s2 =	sld [smem:$0x3FD0];
	(tm) =	ssettm $0x1  }
0x91: {  	s18 =	sld [smem:$0x3FFB];
	_ =	sdelay $0x3  }
0x92: {  	_ =	strace s18  }
0x93: {  	s3 =	sld [smem:$0x3FFC];
	_ =	sdelay $0x3  }
0x94: {  	_ =	strace s3  }
0x95: {  	s3 =	sld [smem:$0x3FFD];
	_ =	sdelay $0x3  }
0x96: {  	_ =	strace s3  }
0x97: {  	_ =	strace $0x8FFFFFFF  }
0x98: {  	s19 =	sld [smem:$0x3FDB];
	_ =	sdelay $0x1  }
0x99: {  	s4 =	simm.s32 $_scs_section_size  }
0x9a: {  	s5 =	simm.s32 $_size__tile_overlayer_lowered;
	s6 =	simm.s32 $_tile_overlayer_lowered  }
0x9b: {  	s22 =	simm.s32 $0x1BFF;
	s21 =	sshll.u32 s6, $0x1;
	s3 =	sadd.s32 s4, s19  }
0x9c: {  	s7 =	simm.s32 $0x0;
	s20 =	sshll.u32 s5, $0x1;
	s5 =	sadd.s32 s21, s3  }
0x9d: {  	[timem:s7], [sflag:s22] =	dma.local [hbm:s5], s20  }
0x9e: {  	_ =	swait.ge [sflag:s22], s20  }
0x9f: {  	s4 =	ssub.s32 $0x0, s20;
	[sflag:s22] =	ssyncset.done $0x0  }
0xa0: {  	[sflag:s22] =	ssyncadd.s32 s4;
	_ =	sdelay $0x1  }
0xa1: {  	s23 =	simm.s32 $0x1B8B  }
0xa2: {  	_ =	swait.ge [sflag:s23], $0x1  }
0xa3: {  	[sflag:s23] =	ssyncset.done $0x0  }
0xa4: {  	s25 =	simm.s32 $0x1B8E;
	s24 =	sld [smem:$0x3FFE];
	[sflag:s23] =	ssyncadd.s32 $0xFFFFFFFF  }
0xa5: {  	s26 =	simm.s32 $execute0_lowered;
	[smem:$0x3FD2] =	sst s25  }
0xa6: {  	s5 =	sshll.u32 s26, $0x1;
	_ =	strace $0x80000046;
	[dreg:$0x1] =	wrdreg $0xFFFFFFFF  }
0xa7: {  	s28 =	simm.s32 $_size_execute0_lowered;
	s3 =	sadd.s32 s3, s5;
	[dreg:$0x0] =	wrdreg $0x0  }
0xa8: {  	s5 =	sshll.u32 s28, $0x1;
	[dreg:$0x2] =	wrdreg s3  }
0xa9: {  	[dreg:$0x3] =	wrdreg s5  }
0xaa: {  	[dreg:$0x4] =	wrdreg $0xC0  }
0xab: {  	_ =	task [dreg:s7], $0x5FFFF  }
0xac: {  	[dreg:$0x1] =	wrdreg $0xFFFFFFFF  }
0xad: {  	[dreg:$0x0] =	wrdreg $0x60  }
0xae: {  	[dreg:$0x2] =	wrdreg s24  }
0xaf: {  	[dreg:$0x3] =	wrdreg s2  }
0xb0: {  	[dreg:$0x4] =	wrdreg $0x9  }
0xb1: {  	_ =	task.clear_ibuf [dreg:s7], $0x5FFFF;
	_ =	strace $0x90000046  }
0xb2: {  	s29 =	simm.s32 $0x9;
	_ =	strace $0x80000048  }
0xb3: {  	_ =	swait.ge [sflag:s29], $0x1  }
0xb4: {  	[sflag:s29] =	ssyncadd.s32 $0xFFFFFFFF  }
0xb5: {  	_ =	strace $0x90000048  }
0xb6: {  	_ =	sfence  }
0xb7: {  	s30 =	sld [smem:$0x0];
	_ =	sdelay $0x2  }
0xb8: {  	s31 =	sshll.u32 s1, $0xD;
	s1 =	sshrl.u32 s1, $0x2  }
0xb9: {  	s3 =	sand.u32 $0x4000, s31;
	s1 =	sadd.s32 s1, s30  }
0xba: {  	s0 =	sor.u32 s3, s0;
	s1 =	sshll.u32 s1, $0x11  }
0xbb: {  	s0 =	sor.u32 s1, s0  }
0xbc: {  	s0 =	sadd.s32 $0x8F2B, s0  }
0xbd: {  	[sflag:s0] =	ssyncadd.remote.s32 $0x1  }
0xbe: {  	_ =	sfence.sel $0xFFFF  }
0xbf: {  	[dreg:$0x0] =	wrdreg $0xFFFFFFFF;
	(pc) =	sbr.abs _section_cstart, $3  }
0xc0: {  	[dreg:$0x1] =	wrdreg $0xFFFFFFFF  }
0xc1: {  	_ =	task.clear_ibuf [dreg:s7], $0x2FFFF;
	_ =	strace $0x9FFFFFFF  }
0xc2: {  	(tm) =	ssettm $0x7FFFFFFF  }
0xc3: {  	_ =	shalt  }
tec
execute0_lowered:
.L_overlay_start_1:
0x0: {  	(tag) =	ssettag $0x1  }
0x1: {  	v0 =	vimm.s32 $0x138F;
	vm15 =	vcmask $0x300;
	vm14 =	vcmask $0x704  }
0x2: {  	vm13 =	vcmask $0xB08;
	vm12 =	vcmask $0xF0C;
	vm11 =	vcmask $0x1310  }
0x3: {  	vm10 =	vcmask $0x1714;
	vm9 =	vcmask $0x1B18;
	vm8 =	vcmask $0x1F1C  }
0x4: {  	v2 =	vimm.s32 $0xF;
	vm7 =	vcmask $0x2320;
	vm6 =	vcmask $0x2724  }
0x5: {  	vm4 =	vcmask $0x2B28;
	vm5 =	vcmask $0x2F2C;
	vm2 =	vcmask $0x3330  }
0x6: {  	vm1 =	vcmask $0x3734;
	v3 =	vimm.s32 $0xFEDCBA9;
	v4 =	vimm.s32 $0x87654321  }
0x7: {  	vm3 =	vcmask $0x3B38;
	vm0 =	vcmask $0x1F10;
	v8 =	vimm.s32 $0x101F1E1D  }
0x8: {  	v54 =	vimm.s32 $0x14131211;
	v10 =	vimm.s32 $0x18171615;
	v56 =	vimm.s32 $0x10FEDCBA  }
0x9: {  	v12 =	vimm.s32 $0x98765432;
	v57 =	vimm.s32 $0x10F;
	v59 =	vimm.s32 $0x1D1C1B1A  }
0xa: {  	v17 =	vimm.s32 $0x19181716;
	v18 =	vimm.s32 $0x210FEDCB;
	v19 =	vimm.s32 $0xA9876543  }
0xb: {  	v23 =	vimm.s32 $0x3210FEDC;
	v24 =	vimm.s32 $0xBA987654;
	v62 =	vimm.s32 $0x30F  }
0xc: {  	v63 =	vimm.s32 $0xFEDCBA98;
	v0 =	vsel vm15, $0x0, v0;
	v2 =	vsel vm15, $0x80, v2  }
0xd: {  	v3 =	vunpack.c.l.s4.s8 v3;
	v4 =	vunpack.c.l.s4.s8 v4;
	v12 =	vunpack.c.l.s4.s8 v12  }
0xe: {  	v58 =	vsel vm15, $0x180, v57;
	v60 =	vunpack.c.0.s8.s32 v59;
	v18 =	vunpack.c.l.s4.s8 v18  }
0xf: {  	v19 =	vunpack.c.l.s4.s8 v19;
	v17 =	vunpack.c.0.s8.s32 v17;
	v23 =	vunpack.c.l.s4.s8 v23  }
0x10: {  	v24 =	vunpack.c.l.s4.s8 v24;
	v0 =	vsel vm14, $0x81, v0;
	v2 =	vsel vm14, $0x101, v2  }
0x11: {  	v0 =	vsel vm13, $0x102, v0;
	v2 =	vsel vm13, $0x182, v2;
	v5 =	vunpack.c.0.s8.s32 v3  }
0x12: {  	v6 =	vunpack.c.0.s8.s32 v4;
	v16 =	vunpack.c.0.s8.s32 v12;
	v0 =	vsel vm12, $0x183, v0  }
0x13: {  	v20 =	vunpack.c.0.s8.s32 v18;
	v19 =	vunpack.c.0.s8.s32 v19;
	v1 =	vsel vm11, $0x204, v0  }
0x14: {  	v18 =	vimm.s32 $0x18F;
	v23 =	vunpack.c.0.s8.s32 v23;
	v1 =	vsel vm10, $0x285, v1  }
0x15: {  	v24 =	vunpack.c.0.s8.s32 v24;
	v51 =	vsel vm0, v60, v17;
	v1 =	vsel vm9, $0x306, v1  }
0x16: {  	v2 =	vsel vm12, $0x203, v2;
	v18 =	vsel vm15, $0x200, v18;
	v1 =	vsel vm8, $0x387, v1  }
0x17: {  	v0 =	vlaneseq.u32;
	v2 =	vsel vm11, $0x284, v2;
	v1 =	vsel vm7, $0x1008, v1  }
0x18: {  	[tilespmem:$0x1FEF0] =	vst v20;
	v20 =	vcombine.low v19, v20;
	v2 =	vsel vm10, $0x305, v2;
	v1 =	vsel vm6, $0x1089, v1  }
0x19: {  	v18 =	vsel vm14, $0x281, v18;
	v2 =	vsel vm9, $0x386, v2;
	v1 =	vsel vm4, $0x110A, v1  }
0x1a: {  	v3 =	vmul.u32 $0x20, v0;
	v2 =	vsel vm8, $0x1007, v2;
	v1 =	vsel vm5, $0x118B, v1  }
0x1b: {  	v18 =	vsel vm13, $0x302, v18;
	v2 =	vsel vm7, $0x1088, v2;
	v1 =	vsel vm2, $0x120C, v1  }
0x1c: {  	v18 =	vsel vm12, $0x383, v18;
	v2 =	vsel vm6, $0x1109, v2;
	v1 =	vsel vm1, $0x128D, v1  }
0x1d: {  	v18 =	vsel vm11, $0x1004, v18;
	v4 =	vsel vm3, $0x130E, v1;
	v1 =	vsel vm4, $0x118A, v2  }
0x1e: {  	[tilespmem:$0x1FEA0] =	vst v6;
	v2 =	vcombine.low v6, v5;
	v6 =	vimm.s32 $0x8F;
	v1 =	vsel vm5, $0x120B, v1  }
0x1f: {  	v18 =	vsel vm10, $0x1085, v18;
	v7 =	vsel vm15, $0x100, v6;
	v1 =	vsel vm2, $0x128C, v1  }
0x20: {  	v6 =	vand.u32 $0xF, v2;
	v2 =	vsel vm14, $0x181, v7;
	v1 =	vsel vm1, $0x130D, v1  }
0x21: {  	v18 =	vsel vm9, $0x1106, v18;
	v7 =	vsel vm3, $0x138E, v1;
	v1 =	vsel vm13, $0x202, v2  }
0x22: {  	v18 =	vsel vm8, $0x1187, v18;
	v2 =	vimm.s32 $0x1C1B1A19;
	v9 =	vsel vm12, $0x283, v1  }
0x23: {  	v1 =	vunpack.c.0.s8.s32 v2;
	v2 =	vunpack.c.0.s8.s32 v8;
	v8 =	vsel vm11, $0x304, v9  }
0x24: {  	v18 =	vsel vm7, $0x1208, v18;
	v9 =	vunpack.c.0.s8.s32 v54;
	v11 =	vsel vm10, $0x385, v8  }
0x25: {  	v8 =	vunpack.c.0.s8.s32 v10;
	v55 =	vsel vm9, $0x1006, v11;
	v11 =	vunpack.c.l.s4.s8 v56  }
0x26: {  	[tilespmem:$0x1FE90] =	vst v5;
	v20 =	vand.u32 $0xF, v20;
	v18 =	vsel vm6, $0x1289, v18;
	v5 =	vor.u32 $0x10, v0  }
0x27: {  	[tilespmem:$0x1FEE0] =	vst v16;
	v13 =	vsel vm0, v2, v1;
	v14 =	vsel vm0, v8, v9;
	v15 =	vunpack.c.0.s8.s32 v11  }
0x28: {  	[tilespmem:$0x1FEB0] =	vst v13;
	v46 =	vsel vm0, v9, v2;
	v10 =	vsel vm8, $0x1087, v55;
	v12 =	vcombine.low v14, v13  }
0x29: {  	[tilespmem:$0x1FED0] =	vst v15;
	v13 =	vcombine.low v16, v15;
	v15 =	vimm.s32 $0x11101F1E;
	v16 =	vsel vm14, $0x201, v58  }
0x2a: {  	v61 =	vunpack.c.0.s8.s32 v15;
	v15 =	vsel vm13, $0x282, v16;
	v16 =	vimm.s32 $0x15141312  }
0x2b: {  	v9 =	vsel vm15, $0x380, v62;
	v15 =	vsel vm12, $0x303, v15;
	v16 =	vunpack.c.0.s8.s32 v16  }
0x2c: {  	v47 =	vsel vm0, v1, v8;
	v8 =	vimm.s32 $0xEDCBA987;
	v15 =	vsel vm11, $0x384, v15  }
0x2d: {  	[tilespmem:$0x1FF00] =	vst v19;
	v21 =	vsel vm0, v61, v60;
	v15 =	vsel vm10, $0x1005, v15;
	v22 =	vsel vm0, v17, v16  }
0x2e: {  	v10 =	vsel vm7, $0x1108, v10;
	[tilespmem:$0x1FF10] =	vst v21;
	v15 =	vsel vm9, $0x1086, v15;
	v19 =	vcombine.low v22, v21  }
0x2f: {  	[tilespmem:$0x1FF20] =	vst v22;
	v21 =	vimm.s32 $0x1E1D1C1B;
	v22 =	vimm.s32 $0x1211101F;
	v15 =	vsel vm8, $0x1107, v15  }
0x30: {  	v25 =	vunpack.c.0.s8.s32 v21;
	v26 =	vunpack.c.0.s8.s32 v22;
	v15 =	vsel vm7, $0x1188, v15  }
0x31: {  	v21 =	vimm.s32 $0x16151413;
	v22 =	vimm.s32 $0x1A191817;
	v15 =	vsel vm6, $0x1209, v15  }
0x32: {  	v21 =	vunpack.c.0.s8.s32 v21;
	v22 =	vunpack.c.0.s8.s32 v22;
	v15 =	vsel vm4, $0x128A, v15  }
0x33: {  	v8 =	vunpack.c.l.s4.s8 v8;
	v10 =	vsel vm6, $0x1189, v10;
	[tilespmem:$0x1FF30] =	vst v25;
	v15 =	vsel vm5, $0x130B, v15  }
0x34: {  	v25 =	vsel vm0, v26, v25;
	[tilespmem:$0x1FF50] =	vst v21;
	v21 =	vsel vm0, v22, v21;
	v15 =	vsel vm2, $0x138C, v15  }
0x35: {  	[tilespmem:$0x1FF60] =	vst v22;
	v22 =	vimm.s32 $0x13121110;
	v30 =	vcombine.low v21, v25;
	v15 =	vsel vm1, $0xD, v15  }
0x36: {  	v27 =	vsel vm3, $0x8E, v15;
	v15 =	vsel vm4, $0x130A, v18;
	v18 =	vcombine.low v24, v23  }
0x37: {  	[tilespmem:$0x1FF80] =	vst v24;
	v24 =	vunpack.c.0.s8.s32 v22;
	v22 =	vimm.s32 $0x1B1A1918;
	v15 =	vsel vm5, $0x138B, v15  }
0x38: {  	[tilespmem:$0x1FFA0] =	vst v21;
	v21 =	vimm.s32 $0x20F;
	v22 =	vunpack.c.0.s8.s32 v22;
	v15 =	vsel vm2, $0xC, v15  }
0x39: {  	v31 =	vand.u32 $0xF, v18;
	v18 =	vsel vm15, $0x280, v21;
	v21 =	vimm.s32 $0x1F1E1D1C  }
0x3a: {  	[tilespmem:$0x1FF70] =	vst v23;
	v18 =	vsel vm14, $0x301, v18;
	v23 =	vunpack.c.0.s8.s32 v21;
	v21 =	vimm.s32 $0x17161514  }
0x3b: {  	v15 =	vsel vm1, $0x8D, v15;
	v18 =	vsel vm13, $0x382, v18;
	v21 =	vunpack.c.0.s8.s32 v21  }
0x3c: {  	v10 =	vsel vm4, $0x120A, v10;
	[tilespmem:$0x1FFC0] =	vst v24;
	v36 =	vsel vm3, $0x10E, v15;
	v18 =	vsel vm12, $0x1003, v18  }
0x3d: {  	[tilespmem:$0x1FFB0] =	vst v23;
	v23 =	vsel vm0, v24, v23;
	v18 =	vsel vm11, $0x1084, v18;
	v24 =	vsel vm0, v22, v21  }
0x3e: {  	[tilespmem:$0x1FFD0] =	vst v21;
	v21 =	vimm.s32 $0x28F;
	v15 =	vsel vm10, $0x1105, v18;
	v18 =	vimm.s32 $0x43210FED  }
0x3f: {  	v21 =	vsel vm15, $0x300, v21;
	v15 =	vsel vm9, $0x1186, v15;
	v18 =	vunpack.c.l.s4.s8 v18  }
0x40: {  	v53 =	vunpack.c.0.s8.s32 v8;
	v21 =	vsel vm14, $0x381, v21;
	v15 =	vsel vm8, $0x1207, v15  }
0x41: {  	[tilespmem:$0x1FF90] =	vst v25;
	v15 =	vsel vm7, $0x1288, v15;
	v25 =	vunpack.c.0.s8.s32 v18;
	v18 =	vsel vm13, $0x1002, v21  }
0x42: {  	v8 =	vimm.s32 $0x100F;
	v15 =	vsel vm6, $0x1309, v15;
	v18 =	vsel vm12, $0x1083, v18  }
0x43: {  	v10 =	vsel vm5, $0x128B, v10;
	v15 =	vsel vm4, $0x138A, v15;
	v18 =	vsel vm11, $0x1104, v18  }
0x44: {  	v8 =	vsel vm15, $0x1080, v8;
	v15 =	vsel vm5, $0xB, v15;
	v18 =	vsel vm10, $0x1185, v18  }
0x45: {  	[tilespmem:$0x1FEC0] =	vst v14;
	v14 =	vsel vm2, $0x130C, v10;
	v15 =	vsel vm2, $0x8C, v15;
	v18 =	vsel vm9, $0x1206, v18  }
0x46: {  	v13 =	vand.u32 $0xF, v13;
	v15 =	vsel vm1, $0x10D, v15;
	v18 =	vsel vm8, $0x1287, v18  }
0x47: {  	v8 =	vsel vm14, $0x1101, v8;
	v43 =	vsel vm3, $0x18E, v15;
	v15 =	vsel vm7, $0x1308, v18  }
0x48: {  	v14 =	vsel vm1, $0x138D, v14;
	v8 =	vsel vm13, $0x1182, v8;
	v15 =	vsel vm6, $0x1389, v15  }
0x49: {  	v14 =	vsel vm3, $0xE, v14;
	v50 =	vsel vm0, v16, v61;
	v2 =	vsel vm4, $0xA, v15  }
0x4a: {  	v8 =	vsel vm12, $0x1203, v8;
	[tilespmem:$0x1FFE0] =	vst v22;
	v22 =	vimm.s32 $0xCBA98765;
	v2 =	vsel vm5, $0x8B, v2  }
0x4b: {  	v22 =	vunpack.c.l.s4.s8 v22;
	v1 =	vsel vm2, $0x10C, v2;
	v2 =	vsel vm14, $0x1001, v9  }
0x4c: {  	v41 =	vcombine.low v24, v23;
	v1 =	vsel vm1, $0x18D, v1;
	v2 =	vsel vm13, $0x1082, v2  }
0x4d: {  	v49 =	vsel vm3, $0x20E, v1;
	v1 =	vimm.s32 $0x6543210F;
	v2 =	vsel vm12, $0x1103, v2  }
0x4e: {  	[tilespmem:$0x1FFF0] =	vst v23;
	v23 =	vimm.s32 $0xDCBA9876;
	v1 =	vunpack.c.l.s4.s8 v1;
	v2 =	vsel vm11, $0x1184, v2  }
0x4f: {  	v8 =	vsel vm11, $0x1284, v8;
	v23 =	vunpack.c.l.s4.s8 v23;
	v2 =	vsel vm10, $0x1205, v2  }
0x50: {  	v21 =	vunpack.c.0.s8.s32 v22;
	v52 =	vunpack.c.0.s8.s32 v1;
	v1 =	vsel vm9, $0x1286, v2  }
0x51: {  	v22 =	vimm.s32 $0x543210FE;
	v2 =	vimm.s32 $0x38F;
	v1 =	vsel vm8, $0x1307, v1  }
0x52: {  	v45 =	vunpack.c.0.s8.s32 v23;
	v2 =	vsel vm15, $0x1000, v2;
	v1 =	vsel vm7, $0x1388, v1  }
0x53: {  	v22 =	vunpack.c.l.s4.s8 v22;
	v2 =	vsel vm14, $0x1081, v2;
	v1 =	vsel vm6, $0x9, v1  }
0x54: {  	v38 =	vmovc v21;
	v21 =	vcombine.low v21, v25;
	v2 =	vsel vm13, $0x1102, v2;
	v1 =	vsel vm4, $0x8A, v1  }
0x55: {  	v44 =	vunpack.c.0.s8.s32 v22;
	v2 =	vsel vm12, $0x1183, v2;
	v1 =	vsel vm5, $0x10B, v1  }
0x56: {  	v42 =	vand.u32 $0xF, v21;
	v2 =	vsel vm11, $0x1204, v2;
	v1 =	vsel vm2, $0x18C, v1  }
0x57: {  	v15 =	vcombine.low v45, v44;
	v2 =	vsel vm10, $0x1285, v2;
	v1 =	vsel vm1, $0x20D, v1  }
0x58: {  	v54 =	vsel vm3, $0x28E, v1;
	v1 =	vsel vm9, $0x1306, v2;
	v2 =	vsel vm10, $0x1305, v8  }
0x59: {  	v48 =	vand.u32 $0xF, v15;
	v1 =	vsel vm8, $0x1387, v1;
	v2 =	vsel vm9, $0x1386, v2  }
0x5a: {  	v9 =	vunpack.c.l.s4.s8 v63;
	v1 =	vsel vm7, $0x8, v1;
	v2 =	vsel vm8, $0x7, v2  }
0x5b: {  	v8 =	vimm.s32 $0x76543210;
	v1 =	vsel vm6, $0x89, v1;
	v2 =	vsel vm7, $0x88, v2  }
0x5c: {  	v8 =	vunpack.c.l.s4.s8 v8;
	v1 =	vsel vm4, $0x10A, v1;
	v2 =	vsel vm6, $0x109, v2  }
0x5d: {  	v9 =	vunpack.c.0.s8.s32 v9;
	v1 =	vsel vm5, $0x18B, v1;
	v2 =	vsel vm4, $0x18A, v2  }
0x5e: {  	v8 =	vunpack.c.0.s8.s32 v8;
	v1 =	vsel vm2, $0x20C, v1;
	v2 =	vsel vm5, $0x20B, v2  }
0x5f: {  	v9 =	vand.u32 $0xF, v9;
	v1 =	vsel vm1, $0x28D, v1;
	v2 =	vsel vm2, $0x28C, v2  }
0x60: {  	v55 =	vcombine.low v9, v8;
	v56 =	vsel vm3, $0x30E, v1;
	v1 =	vsel vm1, $0x30D, v2  }
0x61: {  	v2 =	vimm.s32 $0x110F;
	v57 =	vsel vm3, $0x38E, v1;
	v1 =	vimm.s32 $0x108F  }
0x62: {  	v8 =	vimm.s32 $0x118F;
	v2 =	vsel vm15, $0x1180, v2;
	v1 =	vsel vm15, $0x1100, v1  }
0x63: {  	v8 =	vsel vm15, $0x1200, v8;
	v2 =	vsel vm14, $0x1201, v2;
	v1 =	vsel vm14, $0x1181, v1  }
0x64: {  	v8 =	vsel vm14, $0x1281, v8;
	v2 =	vsel vm13, $0x1282, v2;
	v1 =	vsel vm13, $0x1202, v1  }
0x65: {  	v8 =	vsel vm13, $0x1302, v8;
	v2 =	vsel vm12, $0x1303, v2;
	v1 =	vsel vm12, $0x1283, v1  }
0x66: {  	v8 =	vsel vm12, $0x1383, v8;
	v2 =	vsel vm11, $0x1384, v2;
	v1 =	vsel vm11, $0x1304, v1  }
0x67: {  	v8 =	vsel vm11, $0x4, v8;
	v2 =	vsel vm10, $0x5, v2;
	v1 =	vsel vm10, $0x1385, v1  }
0x68: {  	v8 =	vsel vm10, $0x85, v8;
	v2 =	vsel vm9, $0x86, v2;
	v1 =	vsel vm9, $0x6, v1  }
0x69: {  	v8 =	vsel vm9, $0x106, v8;
	v2 =	vsel vm8, $0x107, v2;
	v1 =	vsel vm8, $0x87, v1  }
0x6a: {  	v8 =	vsel vm8, $0x187, v8;
	v2 =	vsel vm7, $0x188, v2;
	v1 =	vsel vm7, $0x108, v1  }
0x6b: {  	v8 =	vsel vm7, $0x208, v8;
	v2 =	vsel vm6, $0x209, v2;
	v1 =	vsel vm6, $0x189, v1  }
0x6c: {  	v8 =	vsel vm6, $0x289, v8;
	v2 =	vsel vm4, $0x28A, v2;
	v1 =	vsel vm4, $0x20A, v1  }
0x6d: {  	v8 =	vsel vm4, $0x30A, v8;
	v2 =	vsel vm5, $0x30B, v2;
	v1 =	vsel vm5, $0x28B, v1  }
0x6e: {  	v8 =	vsel vm5, $0x38B, v8;
	v2 =	vsel vm2, $0x38C, v2;
	v1 =	vsel vm2, $0x30C, v1  }
0x6f: {  	v8 =	vsel vm2, $0x100C, v8;
	v2 =	vsel vm1, $0x100D, v2;
	v1 =	vsel vm1, $0x38D, v1  }
0x70: {  	v59 =	vsel vm3, $0x108E, v2;
	v58 =	vsel vm3, $0x100E, v1;
	v1 =	vsel vm1, $0x108D, v8  }
0x71: {  	v2 =	vimm.s32 $0x128F;
	v60 =	vsel vm3, $0x110E, v1;
	v1 =	vimm.s32 $0x120F  }
0x72: {  	v2 =	vsel vm15, $0x1300, v2;
	v8 =	vimm.s32 $0x130F;
	v1 =	vsel vm15, $0x1280, v1  }
0x73: {  	s0 =	rddreg [dreg:$0x0];
	v2 =	vsel vm14, $0x1381, v2;
	v8 =	vsel vm15, $0x1380, v8;
	v1 =	vsel vm14, $0x1301, v1  }
0x74: {  	s1 =	srdreg.scid;
	s3 =	stileid.u32;
	v2 =	vsel vm13, $0x2, v2;
	v8 =	vsel vm14, $0x1, v8;
	v1 =	vsel vm13, $0x1382, v1  }
0x75: {  	s2 =	rddreg [dreg:$0x1];
	s11 =	simm.s32 $0x5;
	s12 =	simm.s32 $0x200;
	v2 =	vsel vm12, $0x83, v2;
	v8 =	vsel vm13, $0x82, v8;
	v1 =	vsel vm12, $0x3, v1  }
0x76: {  	s13 =	simm.s32 $0x6400;
	s14 =	simm.s32 $0xA400;
	s15 =	simm.s32 $0x1;
	v2 =	vsel vm11, $0x104, v2;
	v8 =	vsel vm12, $0x103, v8;
	v1 =	vsel vm11, $0x84, v1  }
0x77: {  	s16 =	simm.s32 $0xE400;
	s17 =	simm.s32 $0xF400;
	s18 =	simm.s32 $0x10400;
	v2 =	vsel vm10, $0x185, v2;
	v8 =	vsel vm11, $0x184, v8;
	v1 =	vsel vm10, $0x105, v1  }
0x78: {  	s19 =	simm.s32 $0x11400;
	s20 =	simm.s32 $0x2;
	s21 =	simm.s32 $0x12500;
	v2 =	vsel vm9, $0x206, v2;
	v8 =	vsel vm10, $0x205, v8;
	v1 =	vsel vm9, $0x186, v1  }
0x79: {  	s22 =	simm.s32 $0x13500;
	s23 =	simm.s32 $0x14500;
	s24 =	simm.s32 $0x15500;
	v2 =	vsel vm8, $0x287, v2;
	v8 =	vsel vm9, $0x286, v8;
	v1 =	vsel vm8, $0x207, v1  }
0x7a: {  	s25 =	simm.s32 $0x3;
	s1 =	sand.u32 $0x1, s1;
	s4 =	sshll.u32 s3, $0x1;
	v2 =	vsel vm7, $0x308, v2;
	v8 =	vsel vm8, $0x307, v8;
	v1 =	vsel vm7, $0x288, v1  }
0x7b: {  	s26 =	simm.s32 $0x4;
	s28 =	simm.s32 $0x0;
	s5 =	sor.u32 s1, s4;
	v2 =	vsel vm6, $0x389, v2;
	v8 =	vsel vm7, $0x388, v8;
	v1 =	vsel vm6, $0x309, v1  }
0x7c: {  	s3 =	simm.s32 $0x0;
	s7 =	sadd.s32 $0x4000, s2;
	s6 =	smul.u32 $0xC80, s5;
	v2 =	vsel vm4, $0x100A, v2;
	v8 =	vsel vm6, $0x1009, v8;
	v1 =	vsel vm4, $0x38A, v1  }
.Ltmp0:
0x7d: {  	s8 =	sadd.s32 $0x8000, s2;
	s1 =	ssub.s32 $0x2, s1;
	v2 =	vsel vm5, $0x108B, v2;
	v8 =	vsel vm4, $0x108A, v8;
	v1 =	vsel vm5, $0x100B, v1;
	(pc) =	sbr.rel .LBB2_1-.Ltmp0, $4  }
0x7e: {  	s4 =	sadd.s32 $0xF42A00, s0;
	s30 =	sshrl.u32 s1, $0x1;
	s0 =	sadd.s32 s6, s0;
	v2 =	vsel vm2, $0x110C, v2;
	v8 =	vsel vm5, $0x110B, v8;
	v1 =	vsel vm2, $0x108C, v1  }
0x7f: {  	[smem:$0x7FF] =	sst s3;
	s1 =	ssub.s32 s1, s30;
	s0 =	sadd.s32 $0x600, s0;
	[tilespmem:$0x1FF40] =	vst v26;
	v2 =	vsel vm1, $0x118D, v2;
	v8 =	vsel vm2, $0x118C, v8;
	v1 =	vsel vm1, $0x110D, v1  }
0x80: {  	s31 =	smax.u32 s1, $0x1;
	_ =	strace $0x80000047;
	[dreg:$0x3] =	wrdreg s0;
	v62 =	vsel vm3, $0x120E, v2;
	v61 =	vsel vm3, $0x118E, v1;
	v1 =	vsel vm1, $0x120D, v8  }
0x81: {  	s9 =	sadd.s32 $0xC000, s2;
	s5 =	smul.u32 $0x32, s5;
	v39 =	vmovc v24;
	[dreg:$0x4] =	wrdreg s31;
	v40 =	vmovc v25;
	v2 =	vcombine.low v51, v50;
	v63 =	vsel vm3, $0x128E, v1;
	v1 =	vcombine.low v47, v46  }
.LBB2_8:
0x82: {  	_ =	swait.ge [sflag:s25], $0x4000  }
0x83: {  	[sflag:s25] =	ssyncset.done $0x0  }
0x84: {  	[sflag:s25] =	ssyncadd.s32 $0xFFFFC000  }
0x85: {  	_ =	swait.ge [sflag:s26], $0x4000  }
0x86: {  	s28 =	sadd.s32 $0x1, s28;
	s0 =	rddreg [dreg:$0x4]  }
0x87: {  	p0 =	sne.s32 s28, s0  }
.Ltmp1:
0x88: {  	_ = 	snop;
	(pc) =	sbr.rel @!p0 .LBB2_9-.Ltmp1, $3  }
0x89: {  	_ =	sdelay $0x1  }
0x8a: {  	[sflag:s26] =	ssyncset.done $0x0  }
0x8b: {  	[sflag:s26] =	ssyncadd.s32 $0xFFFFC000  }
.LBB2_1:
0x8c: {  	s0 =	rddreg [dreg:$0x3]  }
0x8d: {  	[tilespmem:s3], [sflag:$0x5] =	stream.linear.gather [hbm4b:s0+s3], $0x6400, $0x38;
	[tilespmem:$0x16600] =	vst v63  }
0x8e: {  	_ =	swait.ge [sflag:s11], $0x6400  }
0x8f: {  	[sflag:s11] =	ssyncset.done $0x0  }
0x90: {  	[sflag:s11] =	ssyncadd.s32 $0xFFFF9C00  }
0x91: {  	[tilespmem:s13], [sflag:$0x1] =	stream.indirect.gather [hbm4b:s4+s12], $0x20, s3, s12, $0xb8;
	[tilespmem:$0x16600] =	vst v63  }
0x92: {  	s29 =	simm.s32 $0x0  }
0x93: {  	[tilespmem:s14], [sflag:$0x2] =	stream.indirect.gather [hbm4b:s4+s12], $0x20, s12, s12, $0xb8;
	[tilespmem:$0x16600] =	vst v63  }
.LBB2_2:
0x94: {  	s0 =	simm.s32 $0x0  }
0x95: {  	v8 =	vmov s0  }
0x96: {  	v8 =	vshll.u32 v8, $0x5  }
0x97: {  	_ =	swait.ge [sflag:s15], $0x4000;
	v33 =	vor.u32 v3, v8  }
0x98: {  	p0 =	seq.s32 s29, $0x0;
	[sflag:s15] =	ssyncset.done $0x0;
	v8 =	vor.u32 v0, v33  }
0x99: {  	s1 =	simm.s32 @!p0 $0x3;
	[sflag:s15] =	ssyncadd.s32 $0xFFFFC000  }
0x9a: {  	_ =	swait.ge @!p0 [sflag:s1], $0x4000  }
0x9b: {  	[sflag:s1] =	ssyncset.done @!p0 $0x0  }
0x9c: {  	[sflag:s1] =	ssyncadd.s32 @!p0 $0xFFFFC000  }
0x9d: {  	v8 =	vld.idx.msk [tilespmem:v8+s13+$0x0], $0xffff  }
0x9e: {  	v9 =	vor.u32 v5, v33;
	_ =	sdelay $0x1  }
0x9f: {  	s10 =	sand.u32 $0xC00, s0;
	s0 =	sand.u32 $0x70, s0  }
0xa0: {  	s6 =	sor.u32 s0, s10  }
0xa1: {  	[tilespmem:v4+s6+$0xE400] =	vst.idx.msk $0xffff, v8  }
0xa2: {  	v8 =	vld.idx.msk [tilespmem:v9+s13+$0x0], $0xffff  }
0xa3: {  	v9 =	vor.u32 v6, v33;
	_ =	sdelay $0x2  }
0xa4: {  	s31 =	sadd.s32 $0xE400, s6  }
0xa5: {  	[tilespmem:v4+s31+$0x2000] =	vst.idx.msk $0xffff, v8  }
0xa6: {  	v8 =	vld.idx.msk [tilespmem:v9+s13+$0x0], $0xffff  }
0xa7: {  	v9 =	vor.u32 v12, v33;
	_ =	sdelay $0x3  }
0xa8: {  	[tilespmem:v7+s6+$0xE400] =	vst.idx.msk $0xffff, v8  }
0xa9: {  	v8 =	vld.idx.msk [tilespmem:v9+s13+$0x0], $0xffff  }
0xaa: {  	v9 =	vor.u32 v13, v33;
	_ =	sdelay $0x3  }
0xab: {  	[tilespmem:v7+s31+$0x2000] =	vst.idx.msk $0xffff, v8  }
0xac: {  	v8 =	vld.idx.msk [tilespmem:v9+s13+$0x0], $0xffff  }
0xad: {  	v9 =	vor.u32 v19, v33;
	_ =	sdelay $0x3  }
0xae: {  	[tilespmem:v14+s6+$0xE400] =	vst.idx.msk $0xffff, v8  }
0xaf: {  	v8 =	vld.idx.msk [tilespmem:v9+s13+$0x0], $0xffff  }
0xb0: {  	v9 =	vor.u32 v20, v33;
	_ =	sdelay $0x3  }
0xb1: {  	[tilespmem:v14+s31+$0x2000] =	vst.idx.msk $0xffff, v8  }
0xb2: {  	v8 =	vld.idx.msk [tilespmem:v9+s13+$0x0], $0xffff  }
0xb3: {  	v9 =	vor.u32 v30, v33;
	_ =	sdelay $0x3  }
0xb4: {  	[tilespmem:v27+s6+$0xE400] =	vst.idx.msk $0xffff, v8  }
0xb5: {  	v8 =	vld.idx.msk [tilespmem:v9+s13+$0x0], $0xffff  }
0xb6: {  	v9 =	vor.u32 v31, v33;
	_ =	sdelay $0x3  }
0xb7: {  	[tilespmem:v27+s31+$0x2000] =	vst.idx.msk $0xffff, v8  }
0xb8: {  	v8 =	vld.idx.msk [tilespmem:v9+s13+$0x0], $0xffff  }
0xb9: {  	v9 =	vor.u32 v41, v33;
	_ =	sdelay $0x3  }
0xba: {  	[tilespmem:v36+s6+$0xE400] =	vst.idx.msk $0xffff, v8  }
0xbb: {  	v8 =	vld.idx.msk [tilespmem:v9+s13+$0x0], $0xffff  }
0xbc: {  	v9 =	vor.u32 v42, v33;
	_ =	sdelay $0x3  }
0xbd: {  	[tilespmem:v36+s31+$0x2000] =	vst.idx.msk $0xffff, v8  }
0xbe: {  	v8 =	vld.idx.msk [tilespmem:v9+s13+$0x0], $0xffff  }
0xbf: {  	v9 =	vor.u32 v1, v33;
	_ =	sdelay $0x3  }
0xc0: {  	[tilespmem:v43+s6+$0xE400] =	vst.idx.msk $0xffff, v8  }
0xc1: {  	v8 =	vld.idx.msk [tilespmem:v9+s13+$0x0], $0xffff  }
0xc2: {  	v9 =	vor.u32 v48, v33;
	_ =	sdelay $0x2  }
0xc3: {  	v11 =	vld [tilespmem:$0x1FF40]  }
0xc4: {  	v15 =	vld [tilespmem:$0x1FF50];
	[tilespmem:v43+s31+$0x2000] =	vst.idx.msk $0xffff, v8  }
0xc5: {  	v8 =	vld.idx.msk [tilespmem:v9+s13+$0x0], $0xffff  }
0xc6: {  	v9 =	vor.u32 v2, v33;
	_ =	sdelay $0x2  }
0xc7: {  	v10 =	vcombine.low v53, v52;
	v32 =	vsel vm0, v15, v11;
	v11 =	vld [tilespmem:$0x1FF30]  }
0xc8: {  	v15 =	vld [tilespmem:$0x1FF60];
	[tilespmem:v49+s6+$0xE400] =	vst.idx.msk $0xffff, v8  }
0xc9: {  	v8 =	vand.u32 $0xF, v10;
	v9 =	vld.idx.msk [tilespmem:v9+s13+$0x0], $0xffff  }
0xca: {  	v10 =	vor.u32 v8, v33;
	_ =	sdelay $0x2  }
0xcb: {  	v16 =	vld [tilespmem:$0x1FFD0];
	v34 =	vsel vm0, v11, v15  }
0xcc: {  	v15 =	vld [tilespmem:$0x1FFC0];
	[tilespmem:v49+s31+$0x2000] =	vst.idx.msk $0xffff, v9;
	v9 =	vcombine.low v34, v32  }
0xcd: {  	v10 =	vld.idx.msk [tilespmem:v10+s13+$0x0], $0xffff  }
0xce: {  	v11 =	vor.u32 v9, v33;
	_ =	sdelay $0x2  }
0xcf: {  	v17 =	vld [tilespmem:$0x1FFE0]  }
0xd0: {  	v15 =	vsel vm0, v16, v15;
	v16 =	vld [tilespmem:$0x1FFB0];
	[tilespmem:v54+s6+$0xE400] =	vst.idx.msk $0xffff, v10  }
0xd1: {  	v10 =	vld.idx.msk [tilespmem:v11+s13+$0x0], $0xffff  }
0xd2: {  	v11 =	vor.u32 v55, v33;
	_ =	sdelay $0x2  }
0xd3: {  	v16 =	vsel vm0, v16, v17  }
0xd4: {  	[tilespmem:v54+s31+$0x2000] =	vst.idx.msk $0xffff, v10;
	v10 =	vcombine.low v16, v15  }
0xd5: {  	v11 =	vld.idx.msk [tilespmem:v11+s13+$0x0], $0xffff  }
0xd6: {  	v15 =	vor.u32 v10, v33;
	_ =	sdelay $0x1  }
0xd7: {  	v17 =	vld [tilespmem:$0x1FEA0]  }
0xd8: {  	v16 =	vld [tilespmem:$0x1FE90]  }
0xd9: {  	[tilespmem:v56+s6+$0xE400] =	vst.idx.msk $0xffff, v11  }
0xda: {  	v15 =	vld.idx.msk [tilespmem:v15+s13+$0x0], $0xffff;
	_ =	sdelay $0x2  }
0xdb: {  	v16 =	vcombine.low v16, v17  }
0xdc: {  	v17 =	vld [tilespmem:$0x1FEC0]  }
0xdd: {  	v11 =	vand.u32 $0xF, v16;
	[tilespmem:v56+s31+$0x2000] =	vst.idx.msk $0xffff, v15;
	v15 =	vld [tilespmem:$0x1FEB0]  }
0xde: {  	v16 =	vor.u32 v11, v33;
	_ =	sdelay $0x3  }
0xdf: {  	v15 =	vcombine.low v15, v17  }
0xe0: {  	v16 =	vld.idx.msk [tilespmem:v16+s13+$0x0], $0xffff  }
0xe1: {  	v17 =	vor.u32 v15, v33;
	_ =	sdelay $0x1  }
0xe2: {  	v18 =	vld [tilespmem:$0x1FED0]  }
0xe3: {  	v21 =	vld [tilespmem:$0x1FEE0]  }
0xe4: {  	[tilespmem:v57+s6+$0xE400] =	vst.idx.msk $0xffff, v16  }
0xe5: {  	v17 =	vld.idx.msk [tilespmem:v17+s13+$0x0], $0xffff;
	_ =	sdelay $0x2  }
0xe6: {  	v18 =	vcombine.low v18, v21  }
0xe7: {  	v21 =	vld [tilespmem:$0x1FF20]  }
0xe8: {  	v16 =	vand.u32 $0xF, v18;
	[tilespmem:v57+s31+$0x2000] =	vst.idx.msk $0xffff, v17;
	v17 =	vld [tilespmem:$0x1FF10]  }
0xe9: {  	v18 =	vor.u32 v16, v33;
	_ =	sdelay $0x3  }
0xea: {  	v17 =	vcombine.low v17, v21  }
0xeb: {  	v18 =	vld.idx.msk [tilespmem:v18+s13+$0x0], $0xffff  }
0xec: {  	v21 =	vor.u32 v17, v33;
	_ =	sdelay $0x1  }
0xed: {  	v22 =	vld [tilespmem:$0x1FEF0]  }
0xee: {  	v23 =	vld [tilespmem:$0x1FF00]  }
0xef: {  	[tilespmem:v58+s6+$0xE400] =	vst.idx.msk $0xffff, v18  }
0xf0: {  	v21 =	vld.idx.msk [tilespmem:v21+s13+$0x0], $0xffff;
	_ =	sdelay $0x2  }
0xf1: {  	v22 =	vcombine.low v22, v23  }
0xf2: {  	v23 =	vld [tilespmem:$0x1FFA0]  }
0xf3: {  	v18 =	vand.u32 $0xF, v22;
	[tilespmem:v58+s31+$0x2000] =	vst.idx.msk $0xffff, v21;
	v21 =	vld [tilespmem:$0x1FF90]  }
0xf4: {  	v22 =	vor.u32 v18, v33;
	_ =	sdelay $0x3  }
0xf5: {  	v21 =	vcombine.low v21, v23  }
0xf6: {  	v22 =	vld.idx.msk [tilespmem:v22+s13+$0x0], $0xffff  }
0xf7: {  	v23 =	vor.u32 v21, v33;
	_ =	sdelay $0x1  }
0xf8: {  	v24 =	vld [tilespmem:$0x1FF70]  }
0xf9: {  	v25 =	vld [tilespmem:$0x1FF80]  }
0xfa: {  	[tilespmem:v59+s6+$0xE400] =	vst.idx.msk $0xffff, v22  }
0xfb: {  	v23 =	vld.idx.msk [tilespmem:v23+s13+$0x0], $0xffff;
	_ =	sdelay $0x2  }
0xfc: {  	v24 =	vcombine.low v24, v25;
	_ =	sdelay $0x1  }
0xfd: {  	v22 =	vand.u32 $0xF, v24;
	[tilespmem:v59+s31+$0x2000] =	vst.idx.msk $0xffff, v23;
	v23 =	vld [tilespmem:$0x1FFF0]  }
0xfe: {  	v24 =	vor.u32 v22, v33;
	_ =	sdelay $0x3  }
0xff: {  	v23 =	vcombine.low v23, v39  }
0x100: {  	v24 =	vld.idx.msk [tilespmem:v24+s13+$0x0], $0xffff  }
0x101: {  	v25 =	vor.u32 v23, v33;
	_ =	sdelay $0x2  }
0x102: {  	v26 =	vcombine.low v40, v38  }
0x103: {  	[tilespmem:v60+s6+$0xE400] =	vst.idx.msk $0xffff, v24  }
0x104: {  	v24 =	vand.u32 $0xF, v26;
	v25 =	vld.idx.msk [tilespmem:v25+s13+$0x0], $0xffff  }
0x105: {  	v26 =	vor.u32 v24, v33;
	_ =	sdelay $0x3  }
0x106: {  	[tilespmem:v60+s31+$0x2000] =	vst.idx.msk $0xffff, v25;
	v25 =	vcombine.low v46, v47  }
0x107: {  	v26 =	vld.idx.msk [tilespmem:v26+s13+$0x0], $0xffff  }
0x108: {  	v28 =	vor.u32 v25, v33;
	_ =	sdelay $0x2  }
0x109: {  	v29 =	vcombine.low v44, v45  }
0x10a: {  	[tilespmem:v61+s6+$0xE400] =	vst.idx.msk $0xffff, v26  }
0x10b: {  	v26 =	vand.u32 $0xF, v29;
	v28 =	vld.idx.msk [tilespmem:v28+s13+$0x0], $0xffff  }
0x10c: {  	v29 =	vor.u32 v26, v33;
	_ =	sdelay $0x3  }
0x10d: {  	[tilespmem:v61+s31+$0x2000] =	vst.idx.msk $0xffff, v28;
	v28 =	vcombine.low v50, v51  }
0x10e: {  	v29 =	vld.idx.msk [tilespmem:v29+s13+$0x0], $0xffff  }
0x10f: {  	v35 =	vor.u32 v28, v33;
	_ =	sdelay $0x2  }
0x110: {  	v37 =	vcombine.low v52, v53  }
0x111: {  	[tilespmem:v62+s6+$0xE400] =	vst.idx.msk $0xffff, v29  }
0x112: {  	v29 =	vand.u32 $0xF, v37;
	v35 =	vld.idx.msk [tilespmem:v35+s13+$0x0], $0xffff  }
0x113: {  	v37 =	vor.u32 v29, v33;
	_ =	sdelay $0x3  }
0x114: {  	v32 =	vcombine.low v32, v34;
	[tilespmem:v62+s31+$0x2000] =	vst.idx.msk $0xffff, v35  }
0x115: {  	v35 =	vld.idx.msk [tilespmem:v37+s13+$0x0], $0xffff  }
0x116: {  	v33 =	vor.u32 v32, v33;
	_ =	sdelay $0x2  }
0x117: {  	s1 =	simm.s32 $0x10  }
0x118: {  	s30 =	sshll.u32 s29, $0x1;
	s0 =	simm.s32 $0x80;
	v34 =	vmov s1;
	[tilespmem:v63+s6+$0xE400] =	vst.idx.msk $0xffff, v35;
	s6 =	simm.s32 $0x100  }
.LBB2_3:
0x119: {  	p1 =	sne.s32 s6, $0xF80;
	v34 =	vshll.u32 v34, $0x5;
	v35 =	vld.idx.msk [tilespmem:v33+s13+$0x0], $0xffff  }
0x11a: {  	v33 =	vor.u32 v3, v34  }
0x11b: {  	v34 =	vor.u32 v0, v33;
	_ =	sdelay $0x3  }
0x11c: {  	[tilespmem:v63+s31+$0x2000] =	vst.idx.msk $0xffff, v35  }
0x11d: {  	v34 =	vld.idx.msk [tilespmem:v34+s13+$0x0], $0xffff;
	_ =	sdelay $0x1  }
0x11e: {  	v35 =	vor.u32 v5, v33;
	_ =	sdelay $0x1  }
0x11f: {  	s10 =	sand.u32 $0xC00, s0;
	s0 =	smov.u32 s6;
	s31 =	sand.u32 $0x70, s1  }
0x120: {  	s10 =	sor.u32 s31, s10  }
0x121: {  	[tilespmem:v4+s10+$0xE400] =	vst.idx.msk $0xffff, v34  }
0x122: {  	v34 =	vld.idx.msk [tilespmem:v35+s13+$0x0], $0xffff;
	_ =	sdelay $0x1  }
0x123: {  	v35 =	vor.u32 v6, v33;
	_ =	sdelay $0x2  }
0x124: {  	s31 =	sadd.s32 $0xE400, s10  }
0x125: {  	[tilespmem:v4+s31+$0x2000] =	vst.idx.msk $0xffff, v34  }
0x126: {  	v34 =	vld.idx.msk [tilespmem:v35+s13+$0x0], $0xffff;
	_ =	sdelay $0x1  }
0x127: {  	v35 =	vor.u32 v12, v33;
	_ =	sdelay $0x3  }
0x128: {  	[tilespmem:v7+s10+$0xE400] =	vst.idx.msk $0xffff, v34  }
0x129: {  	v34 =	vld.idx.msk [tilespmem:v35+s13+$0x0], $0xffff;
	_ =	sdelay $0x1  }
0x12a: {  	v35 =	vor.u32 v13, v33;
	_ =	sdelay $0x3  }
0x12b: {  	[tilespmem:v7+s31+$0x2000] =	vst.idx.msk $0xffff, v34  }
0x12c: {  	v34 =	vld.idx.msk [tilespmem:v35+s13+$0x0], $0xffff;
	_ =	sdelay $0x1  }
0x12d: {  	v35 =	vor.u32 v19, v33;
	_ =	sdelay $0x3  }
0x12e: {  	[tilespmem:v14+s10+$0xE400] =	vst.idx.msk $0xffff, v34  }
0x12f: {  	v34 =	vld.idx.msk [tilespmem:v35+s13+$0x0], $0xffff;
	_ =	sdelay $0x1  }
0x130: {  	v35 =	vor.u32 v20, v33;
	_ =	sdelay $0x3  }
0x131: {  	[tilespmem:v14+s31+$0x2000] =	vst.idx.msk $0xffff, v34  }
0x132: {  	v34 =	vld.idx.msk [tilespmem:v35+s13+$0x0], $0xffff;
	_ =	sdelay $0x1  }
0x133: {  	v35 =	vor.u32 v30, v33;
	_ =	sdelay $0x3  }
0x134: {  	[tilespmem:v27+s10+$0xE400] =	vst.idx.msk $0xffff, v34  }
0x135: {  	v34 =	vld.idx.msk [tilespmem:v35+s13+$0x0], $0xffff;
	_ =	sdelay $0x1  }
0x136: {  	v35 =	vor.u32 v31, v33;
	_ =	sdelay $0x3  }
0x137: {  	[tilespmem:v27+s31+$0x2000] =	vst.idx.msk $0xffff, v34  }
0x138: {  	v34 =	vld.idx.msk [tilespmem:v35+s13+$0x0], $0xffff;
	_ =	sdelay $0x1  }
0x139: {  	v35 =	vor.u32 v41, v33;
	_ =	sdelay $0x3  }
0x13a: {  	[tilespmem:v36+s10+$0xE400] =	vst.idx.msk $0xffff, v34  }
0x13b: {  	v34 =	vld.idx.msk [tilespmem:v35+s13+$0x0], $0xffff;
	_ =	sdelay $0x1  }
0x13c: {  	v35 =	vor.u32 v42, v33;
	_ =	sdelay $0x3  }
0x13d: {  	[tilespmem:v36+s31+$0x2000] =	vst.idx.msk $0xffff, v34  }
0x13e: {  	v34 =	vld.idx.msk [tilespmem:v35+s13+$0x0], $0xffff;
	_ =	sdelay $0x1  }
0x13f: {  	v35 =	vor.u32 v1, v33;
	_ =	sdelay $0x3  }
0x140: {  	[tilespmem:v43+s10+$0xE400] =	vst.idx.msk $0xffff, v34  }
0x141: {  	v34 =	vld.idx.msk [tilespmem:v35+s13+$0x0], $0xffff;
	_ =	sdelay $0x1  }
0x142: {  	v35 =	vor.u32 v48, v33;
	_ =	sdelay $0x3  }
0x143: {  	[tilespmem:v43+s31+$0x2000] =	vst.idx.msk $0xffff, v34  }
0x144: {  	v34 =	vld.idx.msk [tilespmem:v35+s13+$0x0], $0xffff;
	_ =	sdelay $0x1  }
0x145: {  	v35 =	vor.u32 v2, v33;
	_ =	sdelay $0x3  }
0x146: {  	[tilespmem:v49+s10+$0xE400] =	vst.idx.msk $0xffff, v34  }
0x147: {  	v34 =	vld.idx.msk [tilespmem:v35+s13+$0x0], $0xffff;
	_ =	sdelay $0x1  }
0x148: {  	v35 =	vor.u32 v8, v33;
	_ =	sdelay $0x3  }
0x149: {  	[tilespmem:v49+s31+$0x2000] =	vst.idx.msk $0xffff, v34  }
0x14a: {  	v34 =	vld.idx.msk [tilespmem:v35+s13+$0x0], $0xffff;
	_ =	sdelay $0x1  }
0x14b: {  	v35 =	vor.u32 v9, v33;
	_ =	sdelay $0x3  }
0x14c: {  	[tilespmem:v54+s10+$0xE400] =	vst.idx.msk $0xffff, v34  }
0x14d: {  	v34 =	vld.idx.msk [tilespmem:v35+s13+$0x0], $0xffff;
	_ =	sdelay $0x1  }
0x14e: {  	v35 =	vor.u32 v55, v33;
	_ =	sdelay $0x3  }
0x14f: {  	[tilespmem:v54+s31+$0x2000] =	vst.idx.msk $0xffff, v34  }
0x150: {  	v34 =	vld.idx.msk [tilespmem:v35+s13+$0x0], $0xffff;
	_ =	sdelay $0x1  }
0x151: {  	v35 =	vor.u32 v10, v33;
	_ =	sdelay $0x3  }
0x152: {  	[tilespmem:v56+s10+$0xE400] =	vst.idx.msk $0xffff, v34  }
0x153: {  	v34 =	vld.idx.msk [tilespmem:v35+s13+$0x0], $0xffff;
	_ =	sdelay $0x1  }
0x154: {  	v35 =	vor.u32 v11, v33;
	_ =	sdelay $0x3  }
0x155: {  	[tilespmem:v56+s31+$0x2000] =	vst.idx.msk $0xffff, v34  }
0x156: {  	v34 =	vld.idx.msk [tilespmem:v35+s13+$0x0], $0xffff;
	_ =	sdelay $0x1  }
0x157: {  	v35 =	vor.u32 v15, v33;
	_ =	sdelay $0x3  }
0x158: {  	[tilespmem:v57+s10+$0xE400] =	vst.idx.msk $0xffff, v34  }
0x159: {  	v34 =	vld.idx.msk [tilespmem:v35+s13+$0x0], $0xffff;
	_ =	sdelay $0x1  }
0x15a: {  	v35 =	vor.u32 v16, v33;
	_ =	sdelay $0x3  }
0x15b: {  	[tilespmem:v57+s31+$0x2000] =	vst.idx.msk $0xffff, v34  }
0x15c: {  	v34 =	vld.idx.msk [tilespmem:v35+s13+$0x0], $0xffff;
	_ =	sdelay $0x1  }
0x15d: {  	v35 =	vor.u32 v17, v33;
	_ =	sdelay $0x3  }
0x15e: {  	[tilespmem:v58+s10+$0xE400] =	vst.idx.msk $0xffff, v34  }
0x15f: {  	v34 =	vld.idx.msk [tilespmem:v35+s13+$0x0], $0xffff;
	_ =	sdelay $0x1  }
0x160: {  	v35 =	vor.u32 v18, v33;
	_ =	sdelay $0x3  }
0x161: {  	[tilespmem:v58+s31+$0x2000] =	vst.idx.msk $0xffff, v34  }
0x162: {  	v34 =	vld.idx.msk [tilespmem:v35+s13+$0x0], $0xffff;
	_ =	sdelay $0x1  }
0x163: {  	v35 =	vor.u32 v21, v33;
	_ =	sdelay $0x3  }
0x164: {  	[tilespmem:v59+s10+$0xE400] =	vst.idx.msk $0xffff, v34  }
0x165: {  	v34 =	vld.idx.msk [tilespmem:v35+s13+$0x0], $0xffff;
	_ =	sdelay $0x1  }
0x166: {  	v35 =	vor.u32 v22, v33;
	_ =	sdelay $0x3  }
0x167: {  	[tilespmem:v59+s31+$0x2000] =	vst.idx.msk $0xffff, v34  }
0x168: {  	v34 =	vld.idx.msk [tilespmem:v35+s13+$0x0], $0xffff;
	_ =	sdelay $0x1  }
0x169: {  	v35 =	vor.u32 v23, v33;
	_ =	sdelay $0x3  }
0x16a: {  	[tilespmem:v60+s10+$0xE400] =	vst.idx.msk $0xffff, v34  }
0x16b: {  	v34 =	vld.idx.msk [tilespmem:v35+s13+$0x0], $0xffff;
	_ =	sdelay $0x1  }
0x16c: {  	v35 =	vor.u32 v24, v33;
	_ =	sdelay $0x3  }
0x16d: {  	[tilespmem:v60+s31+$0x2000] =	vst.idx.msk $0xffff, v34  }
0x16e: {  	v34 =	vld.idx.msk [tilespmem:v35+s13+$0x0], $0xffff;
	_ =	sdelay $0x1  }
0x16f: {  	v35 =	vor.u32 v25, v33;
	_ =	sdelay $0x3  }
0x170: {  	[tilespmem:v61+s10+$0xE400] =	vst.idx.msk $0xffff, v34  }
0x171: {  	v34 =	vld.idx.msk [tilespmem:v35+s13+$0x0], $0xffff;
	_ =	sdelay $0x1  }
0x172: {  	v35 =	vor.u32 v26, v33;
	_ =	sdelay $0x3  }
0x173: {  	[tilespmem:v61+s31+$0x2000] =	vst.idx.msk $0xffff, v34  }
0x174: {  	v34 =	vld.idx.msk [tilespmem:v35+s13+$0x0], $0xffff;
	_ =	sdelay $0x1  }
0x175: {  	v35 =	vor.u32 v28, v33;
	_ =	sdelay $0x3  }
0x176: {  	[tilespmem:v62+s10+$0xE400] =	vst.idx.msk $0xffff, v34  }
0x177: {  	v34 =	vld.idx.msk [tilespmem:v35+s13+$0x0], $0xffff;
	_ =	sdelay $0x1  }
0x178: {  	v35 =	vor.u32 v29, v33;
	_ =	sdelay $0x3  }
0x179: {  	[tilespmem:v62+s31+$0x2000] =	vst.idx.msk $0xffff, v34  }
0x17a: {  	v35 =	vld.idx.msk [tilespmem:v35+s13+$0x0], $0xffff;
	_ =	sdelay $0x1  }
.Ltmp2:
0x17b: {  	v33 =	vor.u32 v32, v33;
	(pc) =	sbr.rel @p1 .LBB2_3-.Ltmp2, $3  }
0x17c: {  	_ =	sdelay $0x1  }
0x17d: {  	s1 =	sadd.s32 $0x10, s1  }
0x17e: {  	s6 =	sadd.s32 $0x80, s6;
	v34 =	vmov s1;
	[tilespmem:v63+s10+$0xE400] =	vst.idx.msk $0xffff, v35  }
0x17f: {  	_ =	sdelay $0x2  }
0x180: {  	v34 =	vshll.u32 v34, $0x5  }
0x181: {  	v33 =	vld.idx.msk [tilespmem:v33+s13+$0x0], $0xffff;
	v34 =	vor.u32 v3, v34  }
0x182: {  	v35 =	vor.u32 v0, v34;
	_ =	sdelay $0x3  }
0x183: {  	[tilespmem:v63+s31+$0x2000] =	vst.idx.msk $0xffff, v33  }
0x184: {  	v33 =	vld.idx.msk [tilespmem:v35+s13+$0x0], $0xffff  }
0x185: {  	v37 =	vor.u32 v5, v34;
	_ =	sdelay $0x1  }
0x186: {  	s0 =	sand.u32 $0xC00, s0;
	s1 =	sand.u32 $0x70, s1  }
0x187: {  	s1 =	sor.u32 s1, s0  }
0x188: {  	[tilespmem:v4+s1+$0xE400] =	vst.idx.msk $0xffff, v33  }
0x189: {  	v33 =	vld.idx.msk [tilespmem:v37+s13+$0x0], $0xffff  }
0x18a: {  	v37 =	vor.u32 v6, v34;
	_ =	sdelay $0x2  }
0x18b: {  	s0 =	sadd.s32 $0xE400, s1  }
0x18c: {  	[tilespmem:v4+s0+$0x2000] =	vst.idx.msk $0xffff, v33  }
0x18d: {  	v33 =	vld.idx.msk [tilespmem:v37+s13+$0x0], $0xffff  }
0x18e: {  	v37 =	vor.u32 v12, v34;
	_ =	sdelay $0x3  }
0x18f: {  	[tilespmem:v7+s1+$0xE400] =	vst.idx.msk $0xffff, v33  }
0x190: {  	v33 =	vld.idx.msk [tilespmem:v37+s13+$0x0], $0xffff  }
0x191: {  	v37 =	vor.u32 v13, v34;
	_ =	sdelay $0x3  }
0x192: {  	[tilespmem:v7+s0+$0x2000] =	vst.idx.msk $0xffff, v33  }
0x193: {  	v33 =	vld.idx.msk [tilespmem:v37+s13+$0x0], $0xffff  }
0x194: {  	v37 =	vor.u32 v19, v34;
	_ =	sdelay $0x3  }
0x195: {  	[tilespmem:v14+s1+$0xE400] =	vst.idx.msk $0xffff, v33  }
0x196: {  	v33 =	vld.idx.msk [tilespmem:v37+s13+$0x0], $0xffff  }
0x197: {  	v37 =	vor.u32 v20, v34;
	_ =	sdelay $0x3  }
0x198: {  	[tilespmem:v14+s0+$0x2000] =	vst.idx.msk $0xffff, v33  }
0x199: {  	v33 =	vld.idx.msk [tilespmem:v37+s13+$0x0], $0xffff  }
0x19a: {  	v37 =	vor.u32 v30, v34;
	_ =	sdelay $0x3  }
0x19b: {  	[tilespmem:v27+s1+$0xE400] =	vst.idx.msk $0xffff, v33  }
0x19c: {  	v33 =	vld.idx.msk [tilespmem:v37+s13+$0x0], $0xffff  }
0x19d: {  	v37 =	vor.u32 v31, v34;
	_ =	sdelay $0x3  }
0x19e: {  	[tilespmem:v27+s0+$0x2000] =	vst.idx.msk $0xffff, v33  }
0x19f: {  	v33 =	vld.idx.msk [tilespmem:v37+s13+$0x0], $0xffff  }
0x1a0: {  	v37 =	vor.u32 v41, v34;
	_ =	sdelay $0x3  }
0x1a1: {  	[tilespmem:v36+s1+$0xE400] =	vst.idx.msk $0xffff, v33  }
0x1a2: {  	v33 =	vld.idx.msk [tilespmem:v37+s13+$0x0], $0xffff  }
0x1a3: {  	v37 =	vor.u32 v42, v34;
	_ =	sdelay $0x3  }
0x1a4: {  	[tilespmem:v36+s0+$0x2000] =	vst.idx.msk $0xffff, v33  }
0x1a5: {  	v33 =	vld.idx.msk [tilespmem:v37+s13+$0x0], $0xffff  }
0x1a6: {  	v37 =	vor.u32 v1, v34;
	_ =	sdelay $0x3  }
0x1a7: {  	[tilespmem:v43+s1+$0xE400] =	vst.idx.msk $0xffff, v33  }
0x1a8: {  	v33 =	vld.idx.msk [tilespmem:v37+s13+$0x0], $0xffff  }
0x1a9: {  	v37 =	vor.u32 v48, v34;
	_ =	sdelay $0x3  }
0x1aa: {  	[tilespmem:v43+s0+$0x2000] =	vst.idx.msk $0xffff, v33  }
0x1ab: {  	v33 =	vld.idx.msk [tilespmem:v37+s13+$0x0], $0xffff  }
0x1ac: {  	v37 =	vor.u32 v2, v34;
	_ =	sdelay $0x3  }
0x1ad: {  	[tilespmem:v49+s1+$0xE400] =	vst.idx.msk $0xffff, v33  }
0x1ae: {  	v33 =	vld.idx.msk [tilespmem:v37+s13+$0x0], $0xffff  }
0x1af: {  	v37 =	vor.u32 v8, v34;
	_ =	sdelay $0x3  }
0x1b0: {  	[tilespmem:v49+s0+$0x2000] =	vst.idx.msk $0xffff, v33  }
0x1b1: {  	v33 =	vld.idx.msk [tilespmem:v37+s13+$0x0], $0xffff  }
0x1b2: {  	v37 =	vor.u32 v9, v34;
	_ =	sdelay $0x3  }
0x1b3: {  	[tilespmem:v54+s1+$0xE400] =	vst.idx.msk $0xffff, v33  }
0x1b4: {  	v33 =	vld.idx.msk [tilespmem:v37+s13+$0x0], $0xffff  }
0x1b5: {  	v37 =	vor.u32 v55, v34;
	_ =	sdelay $0x3  }
0x1b6: {  	[tilespmem:v54+s0+$0x2000] =	vst.idx.msk $0xffff, v33  }
0x1b7: {  	v33 =	vld.idx.msk [tilespmem:v37+s13+$0x0], $0xffff  }
0x1b8: {  	v37 =	vor.u32 v10, v34;
	_ =	sdelay $0x3  }
0x1b9: {  	[tilespmem:v56+s1+$0xE400] =	vst.idx.msk $0xffff, v33  }
0x1ba: {  	v33 =	vld.idx.msk [tilespmem:v37+s13+$0x0], $0xffff  }
0x1bb: {  	v37 =	vor.u32 v11, v34;
	_ =	sdelay $0x3  }
0x1bc: {  	[tilespmem:v56+s0+$0x2000] =	vst.idx.msk $0xffff, v33  }
0x1bd: {  	v33 =	vld.idx.msk [tilespmem:v37+s13+$0x0], $0xffff  }
0x1be: {  	v37 =	vor.u32 v15, v34;
	_ =	sdelay $0x3  }
0x1bf: {  	[tilespmem:v57+s1+$0xE400] =	vst.idx.msk $0xffff, v33  }
0x1c0: {  	v33 =	vld.idx.msk [tilespmem:v37+s13+$0x0], $0xffff  }
0x1c1: {  	v37 =	vor.u32 v16, v34;
	_ =	sdelay $0x3  }
0x1c2: {  	[tilespmem:v57+s0+$0x2000] =	vst.idx.msk $0xffff, v33  }
0x1c3: {  	v33 =	vld.idx.msk [tilespmem:v37+s13+$0x0], $0xffff  }
0x1c4: {  	v37 =	vor.u32 v17, v34;
	_ =	sdelay $0x3  }
0x1c5: {  	[tilespmem:v58+s1+$0xE400] =	vst.idx.msk $0xffff, v33  }
0x1c6: {  	v33 =	vld.idx.msk [tilespmem:v37+s13+$0x0], $0xffff  }
0x1c7: {  	v37 =	vor.u32 v18, v34;
	_ =	sdelay $0x3  }
0x1c8: {  	[tilespmem:v58+s0+$0x2000] =	vst.idx.msk $0xffff, v33  }
0x1c9: {  	v33 =	vld.idx.msk [tilespmem:v37+s13+$0x0], $0xffff  }
0x1ca: {  	v37 =	vor.u32 v21, v34;
	_ =	sdelay $0x3  }
0x1cb: {  	[tilespmem:v59+s1+$0xE400] =	vst.idx.msk $0xffff, v33  }
0x1cc: {  	v33 =	vld.idx.msk [tilespmem:v37+s13+$0x0], $0xffff  }
0x1cd: {  	v37 =	vor.u32 v22, v34;
	_ =	sdelay $0x3  }
0x1ce: {  	[tilespmem:v59+s0+$0x2000] =	vst.idx.msk $0xffff, v33  }
0x1cf: {  	v33 =	vld.idx.msk [tilespmem:v37+s13+$0x0], $0xffff  }
0x1d0: {  	v37 =	vor.u32 v23, v34;
	_ =	sdelay $0x3  }
0x1d1: {  	[tilespmem:v60+s1+$0xE400] =	vst.idx.msk $0xffff, v33  }
0x1d2: {  	v33 =	vld.idx.msk [tilespmem:v37+s13+$0x0], $0xffff  }
0x1d3: {  	v37 =	vor.u32 v24, v34;
	_ =	sdelay $0x3  }
0x1d4: {  	[tilespmem:v60+s0+$0x2000] =	vst.idx.msk $0xffff, v33  }
0x1d5: {  	v33 =	vld.idx.msk [tilespmem:v37+s13+$0x0], $0xffff  }
0x1d6: {  	v37 =	vor.u32 v25, v34;
	_ =	sdelay $0x3  }
0x1d7: {  	[tilespmem:v61+s1+$0xE400] =	vst.idx.msk $0xffff, v33  }
0x1d8: {  	v33 =	vld.idx.msk [tilespmem:v37+s13+$0x0], $0xffff  }
0x1d9: {  	v37 =	vor.u32 v26, v34;
	_ =	sdelay $0x3  }
0x1da: {  	[tilespmem:v61+s0+$0x2000] =	vst.idx.msk $0xffff, v33  }
0x1db: {  	v33 =	vld.idx.msk [tilespmem:v37+s13+$0x0], $0xffff  }
0x1dc: {  	v37 =	vor.u32 v28, v34;
	_ =	sdelay $0x3  }
0x1dd: {  	[tilespmem:v62+s1+$0xE400] =	vst.idx.msk $0xffff, v33  }
0x1de: {  	v33 =	vld.idx.msk [tilespmem:v37+s13+$0x0], $0xffff  }
0x1df: {  	v37 =	vor.u32 v29, v34;
	_ =	sdelay $0x3  }
0x1e0: {  	[tilespmem:v62+s0+$0x2000] =	vst.idx.msk $0xffff, v33  }
0x1e1: {  	v33 =	vld.idx.msk [tilespmem:v37+s13+$0x0], $0xffff  }
0x1e2: {  	v34 =	vor.u32 v32, v34;
	_ =	sdelay $0x3  }
0x1e3: {  	[tilespmem:v63+s1+$0xE400] =	vst.idx.msk $0xffff, v33  }
0x1e4: {  	v33 =	vld.idx.msk [tilespmem:v34+s13+$0x0], $0xffff  }
0x1e5: {  	s10 =	sadd.s32 s5, s30  }
0x1e6: {  	s6 =	sshll.u32 s10, $0x9;
	s1 =	sshll.u32 s10, $0xB  }
0x1e7: {  	s6 =	sand.u32 $0x3C00, s6;
	s1 =	sand.u32 $0xFFF0000, s1  }
0x1e8: {  	s1 =	sor.u32 s6, s1  }
0x1e9: {  	s10 =	sadd.s32 s2, s1;
	[tilespmem:v63+s0+$0x2000] =	vst.idx.msk $0xffff, v33  }
0x1ea: {  	[hbm4b:s10+s3] =	stream.linear.scatter [tilespmem:s16], [sflag:$0x3], $0x1000, $0x38;
	[tilespmem:$0x16600] =	vst v63  }
0x1eb: {  	p1 =	seq.s32 s29, $0x18;
	s6 =	sadd.s32 s1, s7  }
0x1ec: {  	[hbm4b:s6+s3] =	stream.linear.scatter [tilespmem:s17], [sflag:$0x3], $0x1000, $0x38;
	[tilespmem:$0x16600] =	vst v63  }
0x1ed: {  	s0 =	sshll.u32 @!p1 s29, $0xA;
	s10 =	sadd.s32 s1, s8  }
0x1ee: {  	[hbm4b:s10+s3] =	stream.linear.scatter [tilespmem:s18], [sflag:$0x3], $0x1000, $0x38;
	[tilespmem:$0x16600] =	vst v63  }
0x1ef: {  	s0 =	sand.u32 @!p1 $0x3FFFFC00, s0;
	s6 =	sadd.s32 s1, s9;
	s1 =	simm.s32 $0x0  }
0x1f0: {  	[hbm4b:s6+s3] =	stream.linear.scatter [tilespmem:s19], [sflag:$0x3], $0x1000, $0x38;
	[tilespmem:$0x16600] =	vst v63  }
0x1f1: {  	s0 =	sadd.s32 @!p1 $0x400, s0;
	v37 =	vmov s1;
	s10 =	simm.s32 @!p1 $0x6400;
	s6 =	simm.s32 @!p1 $0x200  }
0x1f2: {  	v33 =	vshll.u32 v37, $0x5;
	[tilespmem:s10], [sflag:$0x1] =	stream.indirect.gather @!p1 [hbm4b:s4+s6], $0x20, s0, s6, $0xb8;
	[tilespmem:$0x16600] =	vst v63  }
0x1f3: {  	v33 =	vor.u32 v3, v33;
	_ =	swait.ge [sflag:s20], $0x4000  }
0x1f4: {  	v37 =	vor.u32 v0, v33;
	[sflag:s20] =	ssyncset.done $0x0  }
0x1f5: {  	s0 =	simm.s32 @!p0 $0x4;
	[sflag:s20] =	ssyncadd.s32 $0xFFFFC000  }
0x1f6: {  	_ =	swait.ge @!p0 [sflag:s0], $0x4000  }
0x1f7: {  	[sflag:s0] =	ssyncset.done @!p0 $0x0  }
0x1f8: {  	[sflag:s0] =	ssyncadd.s32 @!p0 $0xFFFFC000  }
0x1f9: {  	v34 =	vld.idx.msk [tilespmem:v37+s14+$0x0], $0xffff  }
0x1fa: {  	v37 =	vor.u32 v5, v33;
	_ =	sdelay $0x1  }
0x1fb: {  	s10 =	sand.u32 $0xC00, s1;
	s1 =	sand.u32 $0x70, s1  }
0x1fc: {  	s10 =	sor.u32 s1, s10  }
0x1fd: {  	[tilespmem:v4+s10+$0x12500] =	vst.idx.msk $0xffff, v34  }
0x1fe: {  	v34 =	vld.idx.msk [tilespmem:v37+s14+$0x0], $0xffff  }
0x1ff: {  	v37 =	vor.u32 v6, v33;
	_ =	sdelay $0x2  }
0x200: {  	s31 =	sadd.s32 $0x12500, s10  }
0x201: {  	[tilespmem:v4+s31+$0x2000] =	vst.idx.msk $0xffff, v34  }
0x202: {  	v34 =	vld.idx.msk [tilespmem:v37+s14+$0x0], $0xffff  }
0x203: {  	v37 =	vor.u32 v12, v33;
	_ =	sdelay $0x3  }
0x204: {  	[tilespmem:v7+s10+$0x12500] =	vst.idx.msk $0xffff, v34  }
0x205: {  	v34 =	vld.idx.msk [tilespmem:v37+s14+$0x0], $0xffff  }
0x206: {  	v37 =	vor.u32 v13, v33;
	_ =	sdelay $0x3  }
0x207: {  	[tilespmem:v7+s31+$0x2000] =	vst.idx.msk $0xffff, v34  }
0x208: {  	v34 =	vld.idx.msk [tilespmem:v37+s14+$0x0], $0xffff  }
0x209: {  	v37 =	vor.u32 v19, v33;
	_ =	sdelay $0x3  }
0x20a: {  	[tilespmem:v14+s10+$0x12500] =	vst.idx.msk $0xffff, v34  }
0x20b: {  	v34 =	vld.idx.msk [tilespmem:v37+s14+$0x0], $0xffff  }
0x20c: {  	v37 =	vor.u32 v20, v33;
	_ =	sdelay $0x3  }
0x20d: {  	[tilespmem:v14+s31+$0x2000] =	vst.idx.msk $0xffff, v34  }
0x20e: {  	v34 =	vld.idx.msk [tilespmem:v37+s14+$0x0], $0xffff  }
0x20f: {  	v37 =	vor.u32 v30, v33;
	_ =	sdelay $0x3  }
0x210: {  	[tilespmem:v27+s10+$0x12500] =	vst.idx.msk $0xffff, v34  }
0x211: {  	v34 =	vld.idx.msk [tilespmem:v37+s14+$0x0], $0xffff  }
0x212: {  	v37 =	vor.u32 v31, v33;
	_ =	sdelay $0x3  }
0x213: {  	[tilespmem:v27+s31+$0x2000] =	vst.idx.msk $0xffff, v34  }
0x214: {  	v34 =	vld.idx.msk [tilespmem:v37+s14+$0x0], $0xffff  }
0x215: {  	v37 =	vor.u32 v41, v33;
	_ =	sdelay $0x3  }
0x216: {  	[tilespmem:v36+s10+$0x12500] =	vst.idx.msk $0xffff, v34  }
0x217: {  	v34 =	vld.idx.msk [tilespmem:v37+s14+$0x0], $0xffff  }
0x218: {  	v37 =	vor.u32 v42, v33;
	_ =	sdelay $0x3  }
0x219: {  	[tilespmem:v36+s31+$0x2000] =	vst.idx.msk $0xffff, v34  }
0x21a: {  	v34 =	vld.idx.msk [tilespmem:v37+s14+$0x0], $0xffff  }
0x21b: {  	v37 =	vor.u32 v1, v33;
	_ =	sdelay $0x3  }
0x21c: {  	[tilespmem:v43+s10+$0x12500] =	vst.idx.msk $0xffff, v34  }
0x21d: {  	v34 =	vld.idx.msk [tilespmem:v37+s14+$0x0], $0xffff  }
0x21e: {  	v37 =	vor.u32 v48, v33;
	_ =	sdelay $0x3  }
0x21f: {  	[tilespmem:v43+s31+$0x2000] =	vst.idx.msk $0xffff, v34  }
0x220: {  	v34 =	vld.idx.msk [tilespmem:v37+s14+$0x0], $0xffff  }
0x221: {  	v37 =	vor.u32 v2, v33;
	_ =	sdelay $0x3  }
0x222: {  	[tilespmem:v49+s10+$0x12500] =	vst.idx.msk $0xffff, v34  }
0x223: {  	v34 =	vld.idx.msk [tilespmem:v37+s14+$0x0], $0xffff  }
0x224: {  	v37 =	vor.u32 v8, v33;
	_ =	sdelay $0x3  }
0x225: {  	[tilespmem:v49+s31+$0x2000] =	vst.idx.msk $0xffff, v34  }
0x226: {  	v34 =	vld.idx.msk [tilespmem:v37+s14+$0x0], $0xffff  }
0x227: {  	v37 =	vor.u32 v9, v33;
	_ =	sdelay $0x3  }
0x228: {  	[tilespmem:v54+s10+$0x12500] =	vst.idx.msk $0xffff, v34  }
0x229: {  	v34 =	vld.idx.msk [tilespmem:v37+s14+$0x0], $0xffff  }
0x22a: {  	v37 =	vor.u32 v55, v33;
	_ =	sdelay $0x3  }
0x22b: {  	[tilespmem:v54+s31+$0x2000] =	vst.idx.msk $0xffff, v34  }
0x22c: {  	v34 =	vld.idx.msk [tilespmem:v37+s14+$0x0], $0xffff  }
0x22d: {  	v37 =	vor.u32 v10, v33;
	_ =	sdelay $0x3  }
0x22e: {  	[tilespmem:v56+s10+$0x12500] =	vst.idx.msk $0xffff, v34  }
0x22f: {  	v34 =	vld.idx.msk [tilespmem:v37+s14+$0x0], $0xffff  }
0x230: {  	v37 =	vor.u32 v11, v33;
	_ =	sdelay $0x3  }
0x231: {  	[tilespmem:v56+s31+$0x2000] =	vst.idx.msk $0xffff, v34  }
0x232: {  	v34 =	vld.idx.msk [tilespmem:v37+s14+$0x0], $0xffff  }
0x233: {  	v37 =	vor.u32 v15, v33;
	_ =	sdelay $0x3  }
0x234: {  	[tilespmem:v57+s10+$0x12500] =	vst.idx.msk $0xffff, v34  }
0x235: {  	v34 =	vld.idx.msk [tilespmem:v37+s14+$0x0], $0xffff  }
0x236: {  	v37 =	vor.u32 v16, v33;
	_ =	sdelay $0x3  }
0x237: {  	[tilespmem:v57+s31+$0x2000] =	vst.idx.msk $0xffff, v34  }
0x238: {  	v34 =	vld.idx.msk [tilespmem:v37+s14+$0x0], $0xffff  }
0x239: {  	v37 =	vor.u32 v17, v33;
	_ =	sdelay $0x3  }
0x23a: {  	[tilespmem:v58+s10+$0x12500] =	vst.idx.msk $0xffff, v34  }
0x23b: {  	v34 =	vld.idx.msk [tilespmem:v37+s14+$0x0], $0xffff  }
0x23c: {  	v37 =	vor.u32 v18, v33;
	_ =	sdelay $0x3  }
0x23d: {  	[tilespmem:v58+s31+$0x2000] =	vst.idx.msk $0xffff, v34  }
0x23e: {  	v34 =	vld.idx.msk [tilespmem:v37+s14+$0x0], $0xffff  }
0x23f: {  	v37 =	vor.u32 v21, v33;
	_ =	sdelay $0x3  }
0x240: {  	[tilespmem:v59+s10+$0x12500] =	vst.idx.msk $0xffff, v34  }
0x241: {  	v34 =	vld.idx.msk [tilespmem:v37+s14+$0x0], $0xffff  }
0x242: {  	v37 =	vor.u32 v22, v33;
	_ =	sdelay $0x3  }
0x243: {  	[tilespmem:v59+s31+$0x2000] =	vst.idx.msk $0xffff, v34  }
0x244: {  	v34 =	vld.idx.msk [tilespmem:v37+s14+$0x0], $0xffff  }
0x245: {  	v37 =	vor.u32 v23, v33;
	_ =	sdelay $0x3  }
0x246: {  	[tilespmem:v60+s10+$0x12500] =	vst.idx.msk $0xffff, v34  }
0x247: {  	v34 =	vld.idx.msk [tilespmem:v37+s14+$0x0], $0xffff  }
0x248: {  	v37 =	vor.u32 v24, v33;
	_ =	sdelay $0x3  }
0x249: {  	[tilespmem:v60+s31+$0x2000] =	vst.idx.msk $0xffff, v34  }
0x24a: {  	v34 =	vld.idx.msk [tilespmem:v37+s14+$0x0], $0xffff  }
0x24b: {  	v37 =	vor.u32 v25, v33;
	_ =	sdelay $0x3  }
0x24c: {  	[tilespmem:v61+s10+$0x12500] =	vst.idx.msk $0xffff, v34  }
0x24d: {  	v34 =	vld.idx.msk [tilespmem:v37+s14+$0x0], $0xffff  }
0x24e: {  	v37 =	vor.u32 v26, v33;
	_ =	sdelay $0x3  }
0x24f: {  	[tilespmem:v61+s31+$0x2000] =	vst.idx.msk $0xffff, v34  }
0x250: {  	v34 =	vld.idx.msk [tilespmem:v37+s14+$0x0], $0xffff  }
0x251: {  	v37 =	vor.u32 v28, v33;
	_ =	sdelay $0x3  }
0x252: {  	[tilespmem:v62+s10+$0x12500] =	vst.idx.msk $0xffff, v34  }
0x253: {  	v34 =	vld.idx.msk [tilespmem:v37+s14+$0x0], $0xffff  }
0x254: {  	v37 =	vor.u32 v29, v33;
	_ =	sdelay $0x3  }
0x255: {  	[tilespmem:v62+s31+$0x2000] =	vst.idx.msk $0xffff, v34  }
0x256: {  	v35 =	vld.idx.msk [tilespmem:v37+s14+$0x0], $0xffff  }
0x257: {  	v33 =	vor.u32 v32, v33;
	_ =	sdelay $0x2  }
0x258: {  	s1 =	simm.s32 $0x10  }
0x259: {  	s30 =	sor.u32 $0x1, s30;
	s6 =	simm.s32 $0x100;
	s0 =	simm.s32 $0x80;
	v34 =	vmov s1;
	[tilespmem:v63+s10+$0x12500] =	vst.idx.msk $0xffff, v35  }
.LBB2_5:
0x25a: {  	p0 =	sne.s32 s6, $0xF80;
	v34 =	vshll.u32 v34, $0x5;
	v35 =	vld.idx.msk [tilespmem:v33+s14+$0x0], $0xffff  }
0x25b: {  	v33 =	vor.u32 v3, v34  }
0x25c: {  	v34 =	vor.u32 v0, v33;
	_ =	sdelay $0x3  }
0x25d: {  	[tilespmem:v63+s31+$0x2000] =	vst.idx.msk $0xffff, v35  }
0x25e: {  	v34 =	vld.idx.msk [tilespmem:v34+s14+$0x0], $0xffff;
	_ =	sdelay $0x1  }
0x25f: {  	v35 =	vor.u32 v5, v33;
	_ =	sdelay $0x1  }
0x260: {  	s10 =	sand.u32 $0xC00, s0;
	s0 =	smov.u32 s6;
	s31 =	sand.u32 $0x70, s1  }
0x261: {  	s10 =	sor.u32 s31, s10  }
0x262: {  	[tilespmem:v4+s10+$0x12500] =	vst.idx.msk $0xffff, v34  }
0x263: {  	v34 =	vld.idx.msk [tilespmem:v35+s14+$0x0], $0xffff;
	_ =	sdelay $0x1  }
0x264: {  	v35 =	vor.u32 v6, v33;
	_ =	sdelay $0x2  }
0x265: {  	s31 =	sadd.s32 $0x12500, s10  }
0x266: {  	[tilespmem:v4+s31+$0x2000] =	vst.idx.msk $0xffff, v34  }
0x267: {  	v34 =	vld.idx.msk [tilespmem:v35+s14+$0x0], $0xffff;
	_ =	sdelay $0x1  }
0x268: {  	v35 =	vor.u32 v12, v33;
	_ =	sdelay $0x3  }
0x269: {  	[tilespmem:v7+s10+$0x12500] =	vst.idx.msk $0xffff, v34  }
0x26a: {  	v34 =	vld.idx.msk [tilespmem:v35+s14+$0x0], $0xffff;
	_ =	sdelay $0x1  }
0x26b: {  	v35 =	vor.u32 v13, v33;
	_ =	sdelay $0x3  }
0x26c: {  	[tilespmem:v7+s31+$0x2000] =	vst.idx.msk $0xffff, v34  }
0x26d: {  	v34 =	vld.idx.msk [tilespmem:v35+s14+$0x0], $0xffff;
	_ =	sdelay $0x1  }
0x26e: {  	v35 =	vor.u32 v19, v33;
	_ =	sdelay $0x3  }
0x26f: {  	[tilespmem:v14+s10+$0x12500] =	vst.idx.msk $0xffff, v34  }
0x270: {  	v34 =	vld.idx.msk [tilespmem:v35+s14+$0x0], $0xffff;
	_ =	sdelay $0x1  }
0x271: {  	v35 =	vor.u32 v20, v33;
	_ =	sdelay $0x3  }
0x272: {  	[tilespmem:v14+s31+$0x2000] =	vst.idx.msk $0xffff, v34  }
0x273: {  	v34 =	vld.idx.msk [tilespmem:v35+s14+$0x0], $0xffff;
	_ =	sdelay $0x1  }
0x274: {  	v35 =	vor.u32 v30, v33;
	_ =	sdelay $0x3  }
0x275: {  	[tilespmem:v27+s10+$0x12500] =	vst.idx.msk $0xffff, v34  }
0x276: {  	v34 =	vld.idx.msk [tilespmem:v35+s14+$0x0], $0xffff;
	_ =	sdelay $0x1  }
0x277: {  	v35 =	vor.u32 v31, v33;
	_ =	sdelay $0x3  }
0x278: {  	[tilespmem:v27+s31+$0x2000] =	vst.idx.msk $0xffff, v34  }
0x279: {  	v34 =	vld.idx.msk [tilespmem:v35+s14+$0x0], $0xffff;
	_ =	sdelay $0x1  }
0x27a: {  	v35 =	vor.u32 v41, v33;
	_ =	sdelay $0x3  }
0x27b: {  	[tilespmem:v36+s10+$0x12500] =	vst.idx.msk $0xffff, v34  }
0x27c: {  	v34 =	vld.idx.msk [tilespmem:v35+s14+$0x0], $0xffff;
	_ =	sdelay $0x1  }
0x27d: {  	v35 =	vor.u32 v42, v33;
	_ =	sdelay $0x3  }
0x27e: {  	[tilespmem:v36+s31+$0x2000] =	vst.idx.msk $0xffff, v34  }
0x27f: {  	v34 =	vld.idx.msk [tilespmem:v35+s14+$0x0], $0xffff;
	_ =	sdelay $0x1  }
0x280: {  	v35 =	vor.u32 v1, v33;
	_ =	sdelay $0x3  }
0x281: {  	[tilespmem:v43+s10+$0x12500] =	vst.idx.msk $0xffff, v34  }
0x282: {  	v34 =	vld.idx.msk [tilespmem:v35+s14+$0x0], $0xffff;
	_ =	sdelay $0x1  }
0x283: {  	v35 =	vor.u32 v48, v33;
	_ =	sdelay $0x3  }
0x284: {  	[tilespmem:v43+s31+$0x2000] =	vst.idx.msk $0xffff, v34  }
0x285: {  	v34 =	vld.idx.msk [tilespmem:v35+s14+$0x0], $0xffff;
	_ =	sdelay $0x1  }
0x286: {  	v35 =	vor.u32 v2, v33;
	_ =	sdelay $0x3  }
0x287: {  	[tilespmem:v49+s10+$0x12500] =	vst.idx.msk $0xffff, v34  }
0x288: {  	v34 =	vld.idx.msk [tilespmem:v35+s14+$0x0], $0xffff;
	_ =	sdelay $0x1  }
0x289: {  	v35 =	vor.u32 v8, v33;
	_ =	sdelay $0x3  }
0x28a: {  	[tilespmem:v49+s31+$0x2000] =	vst.idx.msk $0xffff, v34  }
0x28b: {  	v34 =	vld.idx.msk [tilespmem:v35+s14+$0x0], $0xffff;
	_ =	sdelay $0x1  }
0x28c: {  	v35 =	vor.u32 v9, v33;
	_ =	sdelay $0x3  }
0x28d: {  	[tilespmem:v54+s10+$0x12500] =	vst.idx.msk $0xffff, v34  }
0x28e: {  	v34 =	vld.idx.msk [tilespmem:v35+s14+$0x0], $0xffff;
	_ =	sdelay $0x1  }
0x28f: {  	v35 =	vor.u32 v55, v33;
	_ =	sdelay $0x3  }
0x290: {  	[tilespmem:v54+s31+$0x2000] =	vst.idx.msk $0xffff, v34  }
0x291: {  	v34 =	vld.idx.msk [tilespmem:v35+s14+$0x0], $0xffff;
	_ =	sdelay $0x1  }
0x292: {  	v35 =	vor.u32 v10, v33;
	_ =	sdelay $0x3  }
0x293: {  	[tilespmem:v56+s10+$0x12500] =	vst.idx.msk $0xffff, v34  }
0x294: {  	v34 =	vld.idx.msk [tilespmem:v35+s14+$0x0], $0xffff;
	_ =	sdelay $0x1  }
0x295: {  	v35 =	vor.u32 v11, v33;
	_ =	sdelay $0x3  }
0x296: {  	[tilespmem:v56+s31+$0x2000] =	vst.idx.msk $0xffff, v34  }
0x297: {  	v34 =	vld.idx.msk [tilespmem:v35+s14+$0x0], $0xffff;
	_ =	sdelay $0x1  }
0x298: {  	v35 =	vor.u32 v15, v33;
	_ =	sdelay $0x3  }
0x299: {  	[tilespmem:v57+s10+$0x12500] =	vst.idx.msk $0xffff, v34  }
0x29a: {  	v34 =	vld.idx.msk [tilespmem:v35+s14+$0x0], $0xffff;
	_ =	sdelay $0x1  }
0x29b: {  	v35 =	vor.u32 v16, v33;
	_ =	sdelay $0x3  }
0x29c: {  	[tilespmem:v57+s31+$0x2000] =	vst.idx.msk $0xffff, v34  }
0x29d: {  	v34 =	vld.idx.msk [tilespmem:v35+s14+$0x0], $0xffff;
	_ =	sdelay $0x1  }
0x29e: {  	v35 =	vor.u32 v17, v33;
	_ =	sdelay $0x3  }
0x29f: {  	[tilespmem:v58+s10+$0x12500] =	vst.idx.msk $0xffff, v34  }
0x2a0: {  	v34 =	vld.idx.msk [tilespmem:v35+s14+$0x0], $0xffff;
	_ =	sdelay $0x1  }
0x2a1: {  	v35 =	vor.u32 v18, v33;
	_ =	sdelay $0x3  }
0x2a2: {  	[tilespmem:v58+s31+$0x2000] =	vst.idx.msk $0xffff, v34  }
0x2a3: {  	v34 =	vld.idx.msk [tilespmem:v35+s14+$0x0], $0xffff;
	_ =	sdelay $0x1  }
0x2a4: {  	v35 =	vor.u32 v21, v33;
	_ =	sdelay $0x3  }
0x2a5: {  	[tilespmem:v59+s10+$0x12500] =	vst.idx.msk $0xffff, v34  }
0x2a6: {  	v34 =	vld.idx.msk [tilespmem:v35+s14+$0x0], $0xffff;
	_ =	sdelay $0x1  }
0x2a7: {  	v35 =	vor.u32 v22, v33;
	_ =	sdelay $0x3  }
0x2a8: {  	[tilespmem:v59+s31+$0x2000] =	vst.idx.msk $0xffff, v34  }
0x2a9: {  	v34 =	vld.idx.msk [tilespmem:v35+s14+$0x0], $0xffff;
	_ =	sdelay $0x1  }
0x2aa: {  	v35 =	vor.u32 v23, v33;
	_ =	sdelay $0x3  }
0x2ab: {  	[tilespmem:v60+s10+$0x12500] =	vst.idx.msk $0xffff, v34  }
0x2ac: {  	v34 =	vld.idx.msk [tilespmem:v35+s14+$0x0], $0xffff;
	_ =	sdelay $0x1  }
0x2ad: {  	v35 =	vor.u32 v24, v33;
	_ =	sdelay $0x3  }
0x2ae: {  	[tilespmem:v60+s31+$0x2000] =	vst.idx.msk $0xffff, v34  }
0x2af: {  	v34 =	vld.idx.msk [tilespmem:v35+s14+$0x0], $0xffff;
	_ =	sdelay $0x1  }
0x2b0: {  	v35 =	vor.u32 v25, v33;
	_ =	sdelay $0x3  }
0x2b1: {  	[tilespmem:v61+s10+$0x12500] =	vst.idx.msk $0xffff, v34  }
0x2b2: {  	v34 =	vld.idx.msk [tilespmem:v35+s14+$0x0], $0xffff;
	_ =	sdelay $0x1  }
0x2b3: {  	v35 =	vor.u32 v26, v33;
	_ =	sdelay $0x3  }
0x2b4: {  	[tilespmem:v61+s31+$0x2000] =	vst.idx.msk $0xffff, v34  }
0x2b5: {  	v34 =	vld.idx.msk [tilespmem:v35+s14+$0x0], $0xffff;
	_ =	sdelay $0x1  }
0x2b6: {  	v35 =	vor.u32 v28, v33;
	_ =	sdelay $0x3  }
0x2b7: {  	[tilespmem:v62+s10+$0x12500] =	vst.idx.msk $0xffff, v34  }
0x2b8: {  	v34 =	vld.idx.msk [tilespmem:v35+s14+$0x0], $0xffff;
	_ =	sdelay $0x1  }
0x2b9: {  	v35 =	vor.u32 v29, v33;
	_ =	sdelay $0x3  }
0x2ba: {  	[tilespmem:v62+s31+$0x2000] =	vst.idx.msk $0xffff, v34  }
0x2bb: {  	v35 =	vld.idx.msk [tilespmem:v35+s14+$0x0], $0xffff;
	_ =	sdelay $0x1  }
.Ltmp3:
0x2bc: {  	v33 =	vor.u32 v32, v33;
	(pc) =	sbr.rel @p0 .LBB2_5-.Ltmp3, $3  }
0x2bd: {  	_ =	sdelay $0x1  }
0x2be: {  	s1 =	sadd.s32 $0x10, s1  }
0x2bf: {  	s6 =	sadd.s32 $0x80, s6;
	v34 =	vmov s1;
	[tilespmem:v63+s10+$0x12500] =	vst.idx.msk $0xffff, v35  }
0x2c0: {  	_ =	sdelay $0x2  }
0x2c1: {  	v34 =	vshll.u32 v34, $0x5  }
0x2c2: {  	v33 =	vld.idx.msk [tilespmem:v33+s14+$0x0], $0xffff;
	v34 =	vor.u32 v3, v34  }
0x2c3: {  	v35 =	vor.u32 v0, v34;
	_ =	sdelay $0x3  }
0x2c4: {  	[tilespmem:v63+s31+$0x2000] =	vst.idx.msk $0xffff, v33  }
0x2c5: {  	v33 =	vld.idx.msk [tilespmem:v35+s14+$0x0], $0xffff  }
0x2c6: {  	v37 =	vor.u32 v5, v34;
	_ =	sdelay $0x1  }
0x2c7: {  	s0 =	sand.u32 $0xC00, s0;
	s1 =	sand.u32 $0x70, s1  }
0x2c8: {  	s1 =	sor.u32 s1, s0  }
0x2c9: {  	[tilespmem:v4+s1+$0x12500] =	vst.idx.msk $0xffff, v33  }
0x2ca: {  	v33 =	vld.idx.msk [tilespmem:v37+s14+$0x0], $0xffff  }
0x2cb: {  	v37 =	vor.u32 v6, v34;
	_ =	sdelay $0x2  }
0x2cc: {  	s0 =	sadd.s32 $0x12500, s1  }
0x2cd: {  	[tilespmem:v4+s0+$0x2000] =	vst.idx.msk $0xffff, v33  }
0x2ce: {  	v33 =	vld.idx.msk [tilespmem:v37+s14+$0x0], $0xffff  }
0x2cf: {  	v37 =	vor.u32 v12, v34;
	_ =	sdelay $0x3  }
0x2d0: {  	[tilespmem:v7+s1+$0x12500] =	vst.idx.msk $0xffff, v33  }
0x2d1: {  	v33 =	vld.idx.msk [tilespmem:v37+s14+$0x0], $0xffff  }
0x2d2: {  	v37 =	vor.u32 v13, v34;
	_ =	sdelay $0x3  }
0x2d3: {  	[tilespmem:v7+s0+$0x2000] =	vst.idx.msk $0xffff, v33  }
0x2d4: {  	v33 =	vld.idx.msk [tilespmem:v37+s14+$0x0], $0xffff  }
0x2d5: {  	v37 =	vor.u32 v19, v34;
	_ =	sdelay $0x3  }
0x2d6: {  	[tilespmem:v14+s1+$0x12500] =	vst.idx.msk $0xffff, v33  }
0x2d7: {  	v33 =	vld.idx.msk [tilespmem:v37+s14+$0x0], $0xffff  }
0x2d8: {  	v37 =	vor.u32 v20, v34;
	_ =	sdelay $0x3  }
0x2d9: {  	[tilespmem:v14+s0+$0x2000] =	vst.idx.msk $0xffff, v33  }
0x2da: {  	v33 =	vld.idx.msk [tilespmem:v37+s14+$0x0], $0xffff  }
0x2db: {  	v37 =	vor.u32 v30, v34;
	_ =	sdelay $0x3  }
0x2dc: {  	[tilespmem:v27+s1+$0x12500] =	vst.idx.msk $0xffff, v33  }
0x2dd: {  	v33 =	vld.idx.msk [tilespmem:v37+s14+$0x0], $0xffff  }
0x2de: {  	v37 =	vor.u32 v31, v34;
	_ =	sdelay $0x3  }
0x2df: {  	[tilespmem:v27+s0+$0x2000] =	vst.idx.msk $0xffff, v33  }
0x2e0: {  	v33 =	vld.idx.msk [tilespmem:v37+s14+$0x0], $0xffff  }
0x2e1: {  	v37 =	vor.u32 v41, v34;
	_ =	sdelay $0x3  }
0x2e2: {  	[tilespmem:v36+s1+$0x12500] =	vst.idx.msk $0xffff, v33  }
0x2e3: {  	v33 =	vld.idx.msk [tilespmem:v37+s14+$0x0], $0xffff  }
0x2e4: {  	v37 =	vor.u32 v42, v34;
	_ =	sdelay $0x3  }
0x2e5: {  	[tilespmem:v36+s0+$0x2000] =	vst.idx.msk $0xffff, v33  }
0x2e6: {  	v33 =	vld.idx.msk [tilespmem:v37+s14+$0x0], $0xffff  }
0x2e7: {  	v37 =	vor.u32 v1, v34;
	_ =	sdelay $0x3  }
0x2e8: {  	[tilespmem:v43+s1+$0x12500] =	vst.idx.msk $0xffff, v33  }
0x2e9: {  	v33 =	vld.idx.msk [tilespmem:v37+s14+$0x0], $0xffff  }
0x2ea: {  	v37 =	vor.u32 v48, v34;
	_ =	sdelay $0x3  }
0x2eb: {  	[tilespmem:v43+s0+$0x2000] =	vst.idx.msk $0xffff, v33  }
0x2ec: {  	v33 =	vld.idx.msk [tilespmem:v37+s14+$0x0], $0xffff  }
0x2ed: {  	v37 =	vor.u32 v2, v34;
	_ =	sdelay $0x3  }
0x2ee: {  	[tilespmem:v49+s1+$0x12500] =	vst.idx.msk $0xffff, v33  }
0x2ef: {  	v33 =	vld.idx.msk [tilespmem:v37+s14+$0x0], $0xffff  }
0x2f0: {  	v8 =	vor.u32 v8, v34;
	_ =	sdelay $0x3  }
0x2f1: {  	[tilespmem:v49+s0+$0x2000] =	vst.idx.msk $0xffff, v33  }
0x2f2: {  	v8 =	vld.idx.msk [tilespmem:v8+s14+$0x0], $0xffff  }
0x2f3: {  	v9 =	vor.u32 v9, v34;
	_ =	sdelay $0x3  }
0x2f4: {  	[tilespmem:v54+s1+$0x12500] =	vst.idx.msk $0xffff, v8  }
0x2f5: {  	v8 =	vld.idx.msk [tilespmem:v9+s14+$0x0], $0xffff  }
0x2f6: {  	v37 =	vor.u32 v55, v34;
	_ =	sdelay $0x3  }
0x2f7: {  	[tilespmem:v54+s0+$0x2000] =	vst.idx.msk $0xffff, v8  }
0x2f8: {  	v8 =	vld.idx.msk [tilespmem:v37+s14+$0x0], $0xffff  }
0x2f9: {  	v33 =	vor.u32 v10, v34;
	_ =	sdelay $0x3  }
0x2fa: {  	[tilespmem:v56+s1+$0x12500] =	vst.idx.msk $0xffff, v8  }
0x2fb: {  	v8 =	vld.idx.msk [tilespmem:v33+s14+$0x0], $0xffff  }
0x2fc: {  	v35 =	vor.u32 v11, v34;
	_ =	sdelay $0x3  }
0x2fd: {  	[tilespmem:v56+s0+$0x2000] =	vst.idx.msk $0xffff, v8  }
0x2fe: {  	v8 =	vld.idx.msk [tilespmem:v35+s14+$0x0], $0xffff  }
0x2ff: {  	v37 =	vor.u32 v15, v34;
	_ =	sdelay $0x3  }
0x300: {  	[tilespmem:v57+s1+$0x12500] =	vst.idx.msk $0xffff, v8  }
0x301: {  	v8 =	vld.idx.msk [tilespmem:v37+s14+$0x0], $0xffff  }
0x302: {  	v33 =	vor.u32 v16, v34;
	_ =	sdelay $0x3  }
0x303: {  	[tilespmem:v57+s0+$0x2000] =	vst.idx.msk $0xffff, v8  }
0x304: {  	v8 =	vld.idx.msk [tilespmem:v33+s14+$0x0], $0xffff  }
0x305: {  	v35 =	vor.u32 v17, v34;
	_ =	sdelay $0x3  }
0x306: {  	[tilespmem:v58+s1+$0x12500] =	vst.idx.msk $0xffff, v8  }
0x307: {  	v8 =	vld.idx.msk [tilespmem:v35+s14+$0x0], $0xffff  }
0x308: {  	v37 =	vor.u32 v18, v34;
	_ =	sdelay $0x3  }
0x309: {  	[tilespmem:v58+s0+$0x2000] =	vst.idx.msk $0xffff, v8  }
0x30a: {  	v8 =	vld.idx.msk [tilespmem:v37+s14+$0x0], $0xffff  }
0x30b: {  	v33 =	vor.u32 v21, v34;
	_ =	sdelay $0x3  }
0x30c: {  	[tilespmem:v59+s1+$0x12500] =	vst.idx.msk $0xffff, v8  }
0x30d: {  	v8 =	vld.idx.msk [tilespmem:v33+s14+$0x0], $0xffff  }
0x30e: {  	v35 =	vor.u32 v22, v34;
	_ =	sdelay $0x3  }
0x30f: {  	[tilespmem:v59+s0+$0x2000] =	vst.idx.msk $0xffff, v8  }
0x310: {  	v8 =	vld.idx.msk [tilespmem:v35+s14+$0x0], $0xffff  }
0x311: {  	v37 =	vor.u32 v23, v34;
	_ =	sdelay $0x3  }
0x312: {  	[tilespmem:v60+s1+$0x12500] =	vst.idx.msk $0xffff, v8  }
0x313: {  	v8 =	vld.idx.msk [tilespmem:v37+s14+$0x0], $0xffff  }
0x314: {  	v33 =	vor.u32 v24, v34;
	_ =	sdelay $0x3  }
0x315: {  	[tilespmem:v60+s0+$0x2000] =	vst.idx.msk $0xffff, v8  }
0x316: {  	v8 =	vld.idx.msk [tilespmem:v33+s14+$0x0], $0xffff  }
0x317: {  	v35 =	vor.u32 v25, v34;
	_ =	sdelay $0x3  }
0x318: {  	[tilespmem:v61+s1+$0x12500] =	vst.idx.msk $0xffff, v8  }
0x319: {  	v8 =	vld.idx.msk [tilespmem:v35+s14+$0x0], $0xffff  }
0x31a: {  	v37 =	vor.u32 v26, v34;
	_ =	sdelay $0x3  }
0x31b: {  	[tilespmem:v61+s0+$0x2000] =	vst.idx.msk $0xffff, v8  }
0x31c: {  	v8 =	vld.idx.msk [tilespmem:v37+s14+$0x0], $0xffff  }
0x31d: {  	v33 =	vor.u32 v28, v34;
	_ =	sdelay $0x3  }
0x31e: {  	[tilespmem:v62+s1+$0x12500] =	vst.idx.msk $0xffff, v8  }
0x31f: {  	v8 =	vld.idx.msk [tilespmem:v33+s14+$0x0], $0xffff  }
0x320: {  	v35 =	vor.u32 v29, v34;
	_ =	sdelay $0x3  }
0x321: {  	[tilespmem:v62+s0+$0x2000] =	vst.idx.msk $0xffff, v8  }
0x322: {  	v8 =	vld.idx.msk [tilespmem:v35+s14+$0x0], $0xffff  }
0x323: {  	v37 =	vor.u32 v32, v34;
	_ =	sdelay $0x3  }
0x324: {  	[tilespmem:v63+s1+$0x12500] =	vst.idx.msk $0xffff, v8  }
0x325: {  	v8 =	vld.idx.msk [tilespmem:v37+s14+$0x0], $0xffff  }
0x326: {  	s31 =	sadd.s32 s5, s30  }
0x327: {  	s6 =	sshll.u32 s31, $0x9;
	s1 =	sshll.u32 s31, $0xB  }
0x328: {  	s6 =	sand.u32 $0x3E00, s6;
	s1 =	sand.u32 $0xFFF0000, s1  }
0x329: {  	s1 =	sor.u32 s6, s1  }
0x32a: {  	s6 =	sadd.s32 s2, s1;
	[tilespmem:v63+s0+$0x2000] =	vst.idx.msk $0xffff, v8  }
0x32b: {  	[hbm4b:s6+s3] =	stream.linear.scatter [tilespmem:s21], [sflag:$0x4], $0x1000, $0x38;
	[tilespmem:$0x16600] =	vst v63  }
0x32c: {  	s10 =	sadd.s32 s1, s7  }
0x32d: {  	[hbm4b:s10+s3] =	stream.linear.scatter [tilespmem:s22], [sflag:$0x4], $0x1000, $0x38;
	[tilespmem:$0x16600] =	vst v63  }
.Ltmp4:
0x32e: {  	_ = 	snop;
	(pc) =	sbr.rel @p1 .LBB2_8-.Ltmp4, $4  }
0x32f: {  	s30 =	sadd.s32 s1, s8  }
0x330: {  	[hbm4b:s30+s3] =	stream.linear.scatter [tilespmem:s23], [sflag:$0x4], $0x1000, $0x38;
	[tilespmem:$0x16600] =	vst v63  }
0x331: {  	s31 =	sadd.s32 s1, s9  }
0x332: {  	[hbm4b:s31+s3] =	stream.linear.scatter [tilespmem:s24], [sflag:$0x4], $0x1000, $0x38;
	[tilespmem:$0x16600] =	vst v63  }
.Ltmp5:
0x333: {  	(pc) =	sbr.rel .LBB2_2-.Ltmp5, $4  }
0x334: {  	s0 =	sshll.u32 s29, $0xA  }
0x335: {  	s0 =	sand.u32 $0x3FFFFC00, s0  }
0x336: {  	s29 =	sadd.s32 $0x1, s29;
	s0 =	sadd.s32 $0x600, s0  }
0x337: {  	[tilespmem:s14], [sflag:$0x2] =	stream.indirect.gather [hbm4b:s4+s12], $0x20, s0, s12, $0xb8;
	[tilespmem:$0x16600] =	vst v63  }
.LBB2_9:
0x338: {  	_ =	sfence.sel $0x180000  }
0x339: {  	[bflag:$0x0] =	sbarrier.arrive $0xFFFF  }
0x33a: {  	_ =	strace $0x90000047  }
0x33b: {  	s0 =	stileid.u32;
	[bflag:$0x2] =	sbarrier.arrive $0xFFFF  }
0x33c: {  	p0 =	sne.s32 s0, $0x0;
	s0 =	rddreg [dreg:$0x2]  }
0x33d: {  	s0 =	sadd.s32 @!p0 $0x100000, s0  }
0x33e: {  	[sflag:s0] =	ssyncadd.tile.s32 @!p0 $0x1;
	_ =	shalt  }
.Lfunc_end2:
_tile_overlayer_lowered:
.L_overlay_start_2:
0x33f: {  	(tag) =	ssettag $0x2  }
0x340: {  	s0 =	rddreg [dreg:$0x0];
	s2 =	stileid.u32  }
0x341: {  	s1 =	rddreg [dreg:$0x1];
	p0 =	sne.s32 s2, $0x0  }
0x342: {  	s3 =	rddreg [dreg:$0x2];
	[bflag:$0x3] =	sbarrier.arrive $0xFFFF;
	s2 =	simm.s32 @!p0 $0x1C05  }
0x343: {  	[timem:s3], [sflag:s2] =	dma.local @!p0 [hbm:s0], s1  }
0x344: {  	s0 =	simm.s32 @!p0 $0x5  }
0x345: {  	_ =	swait.ge @!p0 [sflag:s0], s1  }
0x346: {  	s1 =	ssub.s32 @!p0 $0x0, s1;
	[sflag:s0] =	ssyncset.done @!p0 $0x0  }
0x347: {  	[sflag:s0] =	ssyncadd.s32 @!p0 s1  }
0x348: {  	[bflag:$0x3] =	sbarrier.arrive $0xFFFF  }
0x349: {  	_ =	shalt  }

</sc_bundles>
